<compile_context>
chip_gen: v7x
topology: tpu7x:2x2x1
jax: 0.10.2.dev20260603
libtpu: 0.0.44.dev20260713+nightly
codegen_flags: <defaults>
</compile_context>

<pallas_src>
import functools

import jax
import jax.numpy as jnp
from jax import lax
from jax.experimental import pallas as pl
from jax.experimental.pallas import tpu as pltpu
from jax.experimental.pallas import tpu_sc as plsc

_N = 10000
_NP = 10240
_D = 128
_H = 32
_E = 320000
_NC = 2
_NS = 16
_NW = _NC * _NS
_EPT = _E // _NW
_K = 128
_EPW = 10240
_EPAD = _NW * _EPW - _E
_CHUNKS = _EPW // _K
_CH = _CHUNKS // 2
_RPT = _NP // _NS
_ZR = 128
_DEGW = 16

_mesh = plsc.VectorSubcoreMesh(
    core_axis_name="c", subcore_axis_name="s",
    num_cores=_NC, num_subcores=_NS)



def _deg_body(dst_hbm, out_hbm, didx, ones, zbuf, acc, sem):
    c = lax.axis_index("c")
    s = lax.axis_index("s")
    wid = c * _NS + s

    pltpu.async_copy(dst_hbm.at[wid], didx, sem)

    def _fill(i, carry):
        ones[i] = jnp.ones((_DEGW,), jnp.float32)
        return carry
    lax.fori_loop(0, _K, _fill, 0)

    def _fillz(i, carry):
        zbuf[i] = jnp.zeros((_DEGW,), jnp.float32)
        return carry
    lax.fori_loop(0, _RPT, _fillz, 0)

    pltpu.sync_copy(zbuf, acc.at[pl.ds(s * _RPT, _RPT)])
    plsc.subcore_barrier()

    pltpu.make_async_copy(dst_hbm.at[wid], didx, sem).wait()

    def _body(j, carry):
        pltpu.sync_copy(ones, acc.at[didx.at[j]], add=True)
        return carry
    lax.fori_loop(0, _CHUNKS, _body, 0)

    plsc.subcore_barrier()
    pltpu.sync_copy(acc.at[pl.ds(s * _RPT, _RPT)],
                    out_hbm.at[c, pl.ds(s * _RPT, _RPT)])


_deg_call = functools.partial(
    pl.kernel,
    out_type=jax.ShapeDtypeStruct((_NC, _NP, _DEGW), jnp.float32),
    mesh=_mesh,
    compiler_params=pltpu.CompilerParams(use_tc_tiling_on_sc=False),
    scratch_types=[
        pltpu.VMEM((_CHUNKS, _K), jnp.int32),
        pltpu.VMEM((_K, _DEGW), jnp.float32),
        pltpu.VMEM((_RPT, _DEGW), jnp.float32),
        pltpu.VMEM_SHARED((_NP, _DEGW), jnp.float32),
        pltpu.SemaphoreType.DMA,
    ],
)(_deg_body)


def _scatter_body(y_hbm, src_hbm, dst_hbm, out_hbm,
                  sidx, didx, gbuf0, gbuf1, acc, sem0, sem1):
    c = lax.axis_index("c")
    s = lax.axis_index("s")
    wid = c * _NS + s

    pltpu.sync_copy(src_hbm.at[wid, pl.ds(0, _CH)], sidx)
    pltpu.sync_copy(dst_hbm.at[wid, pl.ds(0, _CH)], didx)
    pltpu.async_copy(y_hbm.at[sidx.at[0]], gbuf0, sem0)

    def _fillz(i, carry):
        r = i // 8
        col = (i % 8) * 16
        gbuf1[r, pl.ds(col, 16)] = jnp.zeros((16,), jnp.float32)
        return carry
    lax.fori_loop(0, _K * 8, _fillz, 0)

    for i in range(_RPT // _K):
        pltpu.async_copy(gbuf1, acc.at[pl.ds(s * _RPT + i * _K, _K)], sem1)
    for i in range(_RPT // _K):
        pltpu.make_async_copy(gbuf1, acc.at[pl.ds(s * _RPT + i * _K, _K)],
                              sem1).wait()
    plsc.subcore_barrier()

    for ph in range(2):
        if ph:
            pltpu.sync_copy(src_hbm.at[wid, pl.ds(ph * _CH, _CH)], sidx)
            pltpu.sync_copy(dst_hbm.at[wid, pl.ds(ph * _CH, _CH)], didx)
            pltpu.async_copy(y_hbm.at[sidx.at[0]], gbuf0, sem0)

        def _body(i, carry):
            k = 2 * i
            pltpu.async_copy(y_hbm.at[sidx.at[k + 1]], gbuf1, sem1)
            pltpu.make_async_copy(y_hbm.at[sidx.at[k]], gbuf0, sem0).wait()
            pltpu.sync_copy(gbuf0, acc.at[didx.at[k]], add=True)

            @pl.when(k + 2 < _CH)
            def _():
                pltpu.async_copy(y_hbm.at[sidx.at[k + 2]], gbuf0, sem0)
            pltpu.make_async_copy(y_hbm.at[sidx.at[k + 1]], gbuf1, sem1).wait()
            pltpu.sync_copy(gbuf1, acc.at[didx.at[k + 1]], add=True)
            return carry
        lax.fori_loop(0, _CH // 2, _body, 0)

    plsc.subcore_barrier()
    pltpu.sync_copy(acc.at[pl.ds(s * _RPT, _RPT)],
                    out_hbm.at[c, pl.ds(s * _RPT, _RPT)])


_scatter_call = functools.partial(
    pl.kernel,
    out_type=jax.ShapeDtypeStruct((_NC, _NP, _D), jnp.float32),
    mesh=_mesh,
    scratch_types=[
        pltpu.VMEM((_CH, _K), jnp.int32),
        pltpu.VMEM((_CH, _K), jnp.int32),
        pltpu.VMEM((_K, _D), jnp.float32),
        pltpu.VMEM((_K, _D), jnp.float32),
        pltpu.VMEM_SHARED((_NP, _D), jnp.float32),
        pltpu.SemaphoreType.DMA,
        pltpu.SemaphoreType.DMA,
    ],
)(_scatter_body)



_B = 2000
_G = _N // _B


def _dinv_of(d0, d1):
    deg = d0[0, :, 0:1] + d1[0, :, 0:1] + 1.0
    return lax.rsqrt(deg)


def _mm1_body(x, w, d0, d1, y):
    dinv = _dinv_of(d0, d1)
    y[...] = jnp.dot(x[...], w[...],
                     preferred_element_type=jnp.float32) * dinv


def _fuse_body(s0, s1, y, d0, d1, b, w, out, y2):
    dinv = _dinv_of(d0, d1)
    o = jnp.maximum(dinv * (s0[0] + s1[0] + y[...]) + b[...], 0.0)
    out[...] = o
    y2[...] = jnp.dot(o, w[...], preferred_element_type=jnp.float32) * dinv


def _final_body(s0, s1, y3, d0, d1, b3, o1, o2, xs,
                l1a, l1b, l1c, l1d, lb1, lw2, lb2, lw3t, lb3,
                c_ref, ss_ref, sa_ref):
    dinv = _dinv_of(d0, d1)
    o3 = jnp.maximum(dinv * (s0[0] + s1[0] + y3[...]) + b3[...], 0.0)
    h = (jnp.dot(o1[...], l1a[...], preferred_element_type=jnp.float32)
         + jnp.dot(o2[...], l1b[...], preferred_element_type=jnp.float32)
         + jnp.dot(o3, l1c[...], preferred_element_type=jnp.float32)
         + jnp.dot(xs[...], l1d[...], preferred_element_type=jnp.float32)
         + lb1[...])
    h = jnp.where(h >= 0.0, h, 0.01 * h)
    h2 = jnp.dot(h, lw2[...], preferred_element_type=jnp.float32) + lb2[...]
    h2 = jnp.where(h2 >= 0.0, h2, 0.01 * h2)
    z = jnp.sum(h2 * lw3t[...], axis=1, keepdims=True) + lb3[...]
    cc = jnp.maximum(z, 0.0) + jnp.log1p(jnp.exp(-jnp.abs(z)))
    c_ref[...] = cc

    @pl.when(pl.program_id(0) == 0)
    def _():
        ss_ref[...] = jnp.zeros((1, 1), jnp.float32)
        sa_ref[...] = jnp.zeros((1, 1), jnp.float32)
    ss_ref[...] += jnp.sum(cc).reshape(1, 1)
    sa_ref[...] += jnp.sum(jnp.abs(cc)).reshape(1, 1)


def _row_spec(w):
    return pl.BlockSpec((_B, w), lambda i: (i, 0))


def _part_spec(p, w):
    return pl.BlockSpec((1, _B, w), lambda i, _p=p: (_p, i, 0))


def _full_spec(shape):
    return pl.BlockSpec(shape, lambda i: tuple(0 for _ in shape))


_mm1 = pl.pallas_call(
    _mm1_body,
    grid=(_G,),
    in_specs=[_row_spec(_D), _full_spec((_D, _D)),
              _part_spec(0, _DEGW), _part_spec(1, _DEGW)],
    out_specs=_row_spec(_D),
    out_shape=jax.ShapeDtypeStruct((_N, _D), jnp.float32),
)

_fuse = pl.pallas_call(
    _fuse_body,
    grid=(_G,),
    in_specs=[_part_spec(0, _D), _part_spec(1, _D), _row_spec(_D),
              _part_spec(0, _DEGW), _part_spec(1, _DEGW),
              _full_spec((1, _D)), _full_spec((_D, _D))],
    out_specs=[_row_spec(_D), _row_spec(_D)],
    out_shape=[jax.ShapeDtypeStruct((_N, _D), jnp.float32),
               jax.ShapeDtypeStruct((_N, _D), jnp.float32)],
)

_final = pl.pallas_call(
    _final_body,
    grid=(_G,),
    in_specs=[_part_spec(0, _D), _part_spec(1, _D), _row_spec(_D),
              _part_spec(0, _DEGW), _part_spec(1, _DEGW),
              _full_spec((1, _D)),
              _row_spec(_D), _row_spec(_D), _row_spec(_D),
              _full_spec((_D, _H)), _full_spec((_D, _H)),
              _full_spec((_D, _H)), _full_spec((_D, _H)),
              _full_spec((1, _H)), _full_spec((_H, _H)),
              _full_spec((1, _H)), _full_spec((1, _H)),
              _full_spec((1, 1))],
    out_specs=[_row_spec(1),
               pl.BlockSpec((1, 1), lambda i: (0, 0)),
               pl.BlockSpec((1, 1), lambda i: (0, 0))],
    out_shape=[jax.ShapeDtypeStruct((_N, 1), jnp.float32),
               jax.ShapeDtypeStruct((1, 1), jnp.float32),
               jax.ShapeDtypeStruct((1, 1), jnp.float32)],
)



def kernel(state, edge_index, W1, b1, W2, b2, W3, b3,
           lw1, lb1, lw2, lb2, lw3, lb3):
    pidx = jnp.arange(_EPAD, dtype=jnp.int32)
    psrc = pidx % _N
    pdst = _N + pidx % (_NP - _N)
    src3 = jnp.concatenate([edge_index[0], psrc]).reshape(_NW, _CHUNKS, _K)
    dst3 = jnp.concatenate([edge_index[1], pdst]).reshape(_NW, _CHUNKS, _K)

    degp = _deg_call(dst3)

    y1 = _mm1(state, W1, degp, degp)
    S1 = _scatter_call(y1, src3, dst3)
    out1, y2 = _fuse(S1, S1, y1, degp, degp, b1.reshape(1, _D), W2)
    S2 = _scatter_call(y2, src3, dst3)
    out2, y3 = _fuse(S2, S2, y2, degp, degp, b2.reshape(1, _D), W3)
    S3 = _scatter_call(y3, src3, dst3)

    conc, ssum, sabs = _final(
        S3, S3, y3, degp, degp, b3.reshape(1, _D),
        out1, out2, state,
        lw1[0:_D], lw1[_D:2 * _D], lw1[2 * _D:3 * _D], lw1[3 * _D:4 * _D],
        lb1.reshape(1, _H), lw2, lb2.reshape(1, _H),
        lw3.reshape(1, _H), lb3.reshape(1, 1))

    c = conc[:, 0]
    action = c / (ssum[0, 0] + 1e-20)
    regularize = sabs[0, 0] / _N
    return action, regularize

# --- scband reference (transcript-rebuilt; emitter-appended) ---
"""Pipeline reference for scband-gnnactor-6425271075459 (READ-ONLY COPY).

The authoritative reference and input builder live on the scoring server;
editing this copy changes nothing except your own understanding.
"""

import jax, jax.numpy as jnp
import numpy as np

N = 10000
D = 128
H = 32
E = 320000


def gcn_conv(x, src, dst, W, b):
    n = x.shape[0]
    loop = jnp.arange(n, dtype=src.dtype)
    src_f = jnp.concatenate([src, loop])
    dst_f = jnp.concatenate([dst, loop])
    deg = jnp.zeros((n,), x.dtype).at[dst_f].add(1.0)
    dinv = jax.lax.rsqrt(jnp.maximum(deg, 1e-12))
    norm = dinv[src_f] * dinv[dst_f]
    xw = x @ W
    msg = jnp.take(xw, src_f, axis=0) * norm[:, None]
    out = jnp.zeros_like(xw).at[dst_f].add(msg)
    return out + b


def setup_inputs(seed: int = 0) -> dict:
    key = jax.random.key(seed)
    ks = jax.random.split(key, 16)
    state = jax.random.normal(ks[0], (N, D), jnp.float32)
    edge_index = jax.random.randint(ks[1], (2, E), 0, N, jnp.int32)
    s = 1.0 / np.sqrt(D)
    W1 = jax.random.uniform(ks[2], (D, D), jnp.float32, -s, s)
    b1 = jnp.zeros((D,), jnp.float32)
    W2 = jax.random.uniform(ks[3], (D, D), jnp.float32, -s, s)
    b2 = jnp.zeros((D,), jnp.float32)
    W3 = jax.random.uniform(ks[4], (D, D), jnp.float32, -s, s)
    b3 = jnp.zeros((D,), jnp.float32)
    s1 = 1.0 / np.sqrt(4 * D)
    lw1 = jax.random.uniform(ks[5], (4 * D, H), jnp.float32, -s1, s1)
    lb1 = jax.random.uniform(ks[6], (H,), jnp.float32, -s1, s1)
    s2 = 1.0 / np.sqrt(H)
    lw2 = jax.random.uniform(ks[7], (H, H), jnp.float32, -s2, s2)
    lb2 = jax.random.uniform(ks[8], (H,), jnp.float32, -s2, s2)
    lw3 = jax.random.uniform(ks[9], (H, 1), jnp.float32, -s2, s2)
    lb3 = jax.random.uniform(ks[10], (1,), jnp.float32, -s2, s2)
    return {"state": state, "edge_index": edge_index,
            "W1": W1, "b1": b1, "W2": W2, "b2": b2, "W3": W3, "b3": b3,
            "lw1": lw1, "lb1": lb1, "lw2": lw2, "lb2": lb2, "lw3": lw3, "lb3": lb3}


def reference(state, edge_index, W1, b1, W2, b2, W3, b3, lw1, lb1, lw2, lb2, lw3, lb3):
    src = edge_index[0]
    dst = edge_index[1]
    out1 = jax.nn.relu(gcn_conv(state, src, dst, W1, b1))
    out2 = jax.nn.relu(gcn_conv(out1, src, dst, W2, b2))
    out3 = jax.nn.relu(gcn_conv(out2, src, dst, W3, b3))
    x = jnp.concatenate((out1, out2, out3, state), axis=-1)
    x = jax.nn.leaky_relu(x @ lw1 + lb1, negative_slope=0.01)
    x = jax.nn.leaky_relu(x @ lw2 + lb2, negative_slope=0.01)
    x = jax.nn.softplus(x @ lw3 + lb3)
    concentration = jnp.squeeze(x, axis=-1)
    # deterministic=True branch of the original forward
    action = concentration / (jnp.sum(concentration, axis=-1, keepdims=True) + 1e-20)
    regularize = jnp.mean(jnp.abs(concentration))
    return (action, regularize)

if __name__ == "__main__":
    import jax
    _d = setup_inputs()
    print(jax.jit(kernel)(*tuple(_d.values())))

</pallas_src>

<mosaic_0001>
#map = affine_map<(d0, d1) -> (0, 0, 0)>
module attributes {stable_mosaic.version = 14 : i64} {
  func.func @_deg_body(%arg0: i32, %arg1: i32, %arg2: memref<32x80x128xi32, #tpu.memory_space<hbm>>, %arg3: memref<2x10240x16xf32, #tpu.memory_space<hbm>>, %arg4: memref<80x128xi32, #tpu.memory_space<vmem>>, %arg5: memref<128x16xf32, #tpu.memory_space<vmem>>, %arg6: memref<640x16xf32, #tpu.memory_space<vmem>>, %arg7: memref<10240x16xf32, #tpu.memory_space<vmem_shared>>, %arg8: memref<!tpu.dma_semaphore, #tpu.memory_space<semaphore_mem>>) attributes {dimension_semantics = [#tpu.dimension_semantics<core_parallel>, #tpu.dimension_semantics<subcore_parallel>], iteration_bounds = array<i64: 2, 16>, scalar_prefetch = 0 : i64, scratch_operands = 5 : i64, tpu.core_type = #tpu.core_type<sc_vector_subcore>, window_params = [{transform_indices = #map}, {transform_indices = #map}]} {
    %mul3A = arith.constant 16 : i32
    %mul3A_0 = arith.muli %arg0, %mul3A : i32
    %add3A = arith.addi %mul3A_0, %arg1 : i32
    %dma_start3A = arith.constant 0 : i32
    %dma_start3A_1 = arith.constant 0 : i32
    %dma_start3A_2 = tpu.memref_slice %arg2[%add3A, %dma_start3A, %dma_start3A_1] : memref<32x80x128xi32, #tpu.memory_space<hbm>> -> memref<1x80x128xi32, #tpu.memory_space<hbm>>
    %dma_start3A_3 = tpu.memref_squeeze %dma_start3A_2 : memref<1x80x128xi32, #tpu.memory_space<hbm>> -> memref<80x128xi32, #tpu.memory_space<hbm>>
    %dma_start3A_4 = arith.constant 0 : i32
    %dma_start3A_5 = arith.constant 0 : i32
    %dma_start3A_6 = tpu.memref_slice %arg2[%add3A, %dma_start3A_4, %dma_start3A_5] : memref<32x80x128xi32, #tpu.memory_space<hbm>> -> memref<1x80x128xi32, #tpu.memory_space<hbm>>
    %dma_start3A_7 = tpu.memref_squeeze %dma_start3A_6 : memref<1x80x128xi32, #tpu.memory_space<hbm>> -> memref<80x128xi32, #tpu.memory_space<hbm>>
    tpu.enqueue_dma source(%dma_start3A_7 : memref<80x128xi32, #tpu.memory_space<hbm>>) target(%arg4 : memref<80x128xi32, #tpu.memory_space<vmem>>) target_semaphore(%arg8 : memref<!tpu.dma_semaphore, #tpu.memory_space<semaphore_mem>>)
    %scan3A = arith.constant 0 : i32
    %scan3A_8 = arith.constant 0 : i32
    %scan3A_9 = arith.constant 128 : i32
    %scan3A_10 = arith.addi %scan3A_8, %scan3A_9 : i32
    %scan3A_11 = arith.constant 1 : i32
    scf.for %scan3A_39 = %scan3A_8 to %scan3A_10 step %scan3A_11  : i32 {
      %broadcast_in_dim3A = arith.constant 1.000000e+00 : f32
      %broadcast_in_dim3A_40 = vector.broadcast %broadcast_in_dim3A : f32 to vector<16xf32>
      %swap3A = arith.index_cast %scan3A_39 : i32 to index
      %swap3A_41 = arith.constant 0 : index
      %swap3A_42 = tpu.vector_load %arg5[%swap3A, %swap3A_41] {strides = array<i32>} : memref<128x16xf32, #tpu.memory_space<vmem>>, vector<1x16xf32>,
      %swap3A_43 = vector.shape_cast %swap3A_42 : vector<1x16xf32> to vector<16xf32>
      %swap3A_44 = vector.shape_cast %broadcast_in_dim3A_40 : vector<16xf32> to vector<1x16xf32>
      tpu.vector_store %arg5[%swap3A, %swap3A_41], %swap3A_44 {strides = array<i32>} : memref<128x16xf32, #tpu.memory_space<vmem>>, vector<1x16xf32>,
    }
    %scan3A_12 = arith.constant 128 : i32
    %scan3A_13 = arith.constant 0 : i32
    %scan3A_14 = arith.constant 0 : i32
    %scan3A_15 = arith.constant 640 : i32
    %scan3A_16 = arith.addi %scan3A_14, %scan3A_15 : i32
    %scan3A_17 = arith.constant 1 : i32
    scf.for %scan3A_39 = %scan3A_14 to %scan3A_16 step %scan3A_17  : i32 {
      %broadcast_in_dim3A = arith.constant 0.000000e+00 : f32
      %broadcast_in_dim3A_40 = vector.broadcast %broadcast_in_dim3A : f32 to vector<16xf32>
      %swap3A = arith.index_cast %scan3A_39 : i32 to index
      %swap3A_41 = arith.constant 0 : index
      %swap3A_42 = tpu.vector_load %arg6[%swap3A, %swap3A_41] {strides = array<i32>} : memref<640x16xf32, #tpu.memory_space<vmem>>, vector<1x16xf32>,
      %swap3A_43 = vector.shape_cast %swap3A_42 : vector<1x16xf32> to vector<16xf32>
      %swap3A_44 = vector.shape_cast %broadcast_in_dim3A_40 : vector<16xf32> to vector<1x16xf32>
      tpu.vector_store %arg6[%swap3A, %swap3A_41], %swap3A_44 {strides = array<i32>} : memref<640x16xf32, #tpu.memory_space<vmem>>, vector<1x16xf32>,
    }
    %scan3A_18 = arith.constant 640 : i32
    %mul3A_19 = arith.constant 640 : i32
    %mul3A_20 = arith.muli %arg1, %mul3A_19 : i32
    "tpu.region"() ({
      %run_scoped3A = tpu.sem_alloc : memref<!tpu.dma_semaphore, #tpu.memory_space<semaphore_mem>>
      %dma_start3A_39 = arith.constant 0 : i32
      %dma_start3A_40 = tpu.memref_slice %arg7[%mul3A_20, %dma_start3A_39] : memref<10240x16xf32, #tpu.memory_space<vmem_shared>> -> memref<640x16xf32, #tpu.memory_space<vmem_shared>>
      %dma_start3A_41 = arith.constant 0 : i32
      %dma_start3A_42 = tpu.memref_slice %arg7[%mul3A_20, %dma_start3A_41] : memref<10240x16xf32, #tpu.memory_space<vmem_shared>> -> memref<640x16xf32, #tpu.memory_space<vmem_shared>>
      tpu.enqueue_dma source(%arg6 : memref<640x16xf32, #tpu.memory_space<vmem>>) target(%dma_start3A_42 : memref<640x16xf32, #tpu.memory_space<vmem_shared>>) target_semaphore(%run_scoped3A : memref<!tpu.dma_semaphore, #tpu.memory_space<semaphore_mem>>)
      %dma_wait3A_43 = arith.constant 0 : i32
      %dma_wait3A_44 = tpu.memref_slice %arg7[%mul3A_20, %dma_wait3A_43] : memref<10240x16xf32, #tpu.memory_space<vmem_shared>> -> memref<640x16xf32, #tpu.memory_space<vmem_shared>>
      %dma_wait3A_45 = arith.constant 0 : i32
      %dma_wait3A_46 = tpu.memref_slice %arg7[%mul3A_20, %dma_wait3A_45] : memref<10240x16xf32, #tpu.memory_space<vmem_shared>> -> memref<640x16xf32, #tpu.memory_space<vmem_shared>>
      tpu.wait_dma2 semaphore(%run_scoped3A : memref<!tpu.dma_semaphore, #tpu.memory_space<semaphore_mem>>) src(%arg6 : memref<640x16xf32, #tpu.memory_space<vmem>>) dst(%dma_wait3A_46 : memref<640x16xf32, #tpu.memory_space<vmem_shared>>)
      tpu.yield
    }) : () -> ()
    %barrier3A = arith.constant 0 : index
    tpu.barrier barrier_id(%barrier3A)
    %dma_wait3A = arith.constant 0 : i32
    %dma_wait3A_21 = arith.constant 0 : i32
    %dma_wait3A_22 = tpu.memref_slice %arg2[%add3A, %dma_wait3A, %dma_wait3A_21] : memref<32x80x128xi32, #tpu.memory_space<hbm>> -> memref<1x80x128xi32, #tpu.memory_space<hbm>>
    %dma_wait3A_23 = tpu.memref_squeeze %dma_wait3A_22 : memref<1x80x128xi32, #tpu.memory_space<hbm>> -> memref<80x128xi32, #tpu.memory_space<hbm>>
    %dma_wait3A_24 = arith.constant 0 : i32
    %dma_wait3A_25 = arith.constant 0 : i32
    %dma_wait3A_26 = tpu.memref_slice %arg2[%add3A, %dma_wait3A_24, %dma_wait3A_25] : memref<32x80x128xi32, #tpu.memory_space<hbm>> -> memref<1x80x128xi32, #tpu.memory_space<hbm>>
    %dma_wait3A_27 = tpu.memref_squeeze %dma_wait3A_26 : memref<1x80x128xi32, #tpu.memory_space<hbm>> -> memref<80x128xi32, #tpu.memory_space<hbm>>
    tpu.wait_dma2 semaphore(%arg8 : memref<!tpu.dma_semaphore, #tpu.memory_space<semaphore_mem>>) src(%dma_wait3A_27 : memref<80x128xi32, #tpu.memory_space<hbm>>) dst(%arg4 : memref<80x128xi32, #tpu.memory_space<vmem>>)
    %scan3A_28 = arith.constant 0 : i32
    %scan3A_29 = arith.constant 0 : i32
    %scan3A_30 = arith.constant 80 : i32
    %scan3A_31 = arith.addi %scan3A_29, %scan3A_30 : i32
    %scan3A_32 = arith.constant 1 : i32
    scf.for %scan3A_39 = %scan3A_29 to %scan3A_31 step %scan3A_32  : i32 {
      "tpu.region"() ({
        %run_scoped3A = tpu.sem_alloc : memref<!tpu.dma_semaphore, #tpu.memory_space<semaphore_mem>>
        %dma_start3A_40 = arith.constant 0 : i32
        %dma_start3A_41 = tpu.memref_slice %arg4[%scan3A_39, %dma_start3A_40] : memref<80x128xi32, #tpu.memory_space<vmem>> -> memref<1x128xi32, #tpu.memory_space<vmem>>
        %dma_start3A_42 = tpu.memref_squeeze %dma_start3A_41 : memref<1x128xi32, #tpu.memory_space<vmem>> -> memref<128xi32, #tpu.memory_space<vmem>>
        %dma_start3A_43 = arith.constant 0 : i32
        %dma_start3A_44 = arith.constant 0 : i32
        %dma_start3A_45 = tpu.memref_slice %arg7[%dma_start3A_43, %dma_start3A_44] : memref<10240x16xf32, #tpu.memory_space<vmem_shared>> -> memref<10240x16xf32, #tpu.memory_space<vmem_shared>>
        tpu.enqueue_indirect_dma source(%arg5 : memref<128x16xf32, #tpu.memory_space<vmem>>) target(%dma_start3A_45 : memref<10240x16xf32, #tpu.memory_space<vmem_shared>>) offsets(%dma_start3A_42 : memref<128xi32, #tpu.memory_space<vmem>>) semaphore(%run_scoped3A : memref<!tpu.dma_semaphore, #tpu.memory_space<semaphore_mem>>) {add = true}
        %dma_wait3A_46 = arith.constant 0 : i32
        %dma_wait3A_47 = tpu.memref_slice %arg4[%scan3A_39, %dma_wait3A_46] : memref<80x128xi32, #tpu.memory_space<vmem>> -> memref<1x128xi32, #tpu.memory_space<vmem>>
        %dma_wait3A_48 = tpu.memref_squeeze %dma_wait3A_47 : memref<1x128xi32, #tpu.memory_space<vmem>> -> memref<128xi32, #tpu.memory_space<vmem>>
        %dma_wait3A_49 = arith.constant 0 : i32
        %dma_wait3A_50 = arith.constant 0 : i32
        %dma_wait3A_51 = tpu.memref_slice %arg7[%dma_wait3A_49, %dma_wait3A_50] : memref<10240x16xf32, #tpu.memory_space<vmem_shared>> -> memref<10240x16xf32, #tpu.memory_space<vmem_shared>>
        tpu.wait_indirect_dma semaphore(%run_scoped3A : memref<!tpu.dma_semaphore, #tpu.memory_space<semaphore_mem>>) src(%arg5 : memref<128x16xf32, #tpu.memory_space<vmem>>) dst(%dma_wait3A_51 : memref<10240x16xf32, #tpu.memory_space<vmem_shared>>)
        tpu.yield
      }) : () -> ()
    }
    %scan3A_33 = arith.constant 80 : i32
    %barrier3A_34 = arith.constant 0 : index
    tpu.barrier barrier_id(%barrier3A_34)
    %mul3A_35 = arith.constant 640 : i32
    %mul3A_36 = arith.muli %arg1, %mul3A_35 : i32
    %mul3A_37 = arith.constant 640 : i32
    %mul3A_38 = arith.muli %arg1, %mul3A_37 : i32
    "tpu.region"() ({
      %run_scoped3A = tpu.sem_alloc : memref<!tpu.dma_semaphore, #tpu.memory_space<semaphore_mem>>
      %dma_start3A_39 = arith.constant 0 : i32
      %dma_start3A_40 = tpu.memref_slice %arg3[%arg0, %mul3A_38, %dma_start3A_39] : memref<2x10240x16xf32, #tpu.memory_space<hbm>> -> memref<1x640x16xf32, #tpu.memory_space<hbm>>
      %dma_start3A_41 = tpu.memref_squeeze %dma_start3A_40 : memref<1x640x16xf32, #tpu.memory_space<hbm>> -> memref<640x16xf32, #tpu.memory_space<hbm>>
      %dma_start3A_42 = arith.constant 0 : i32
      %dma_start3A_43 = tpu.memref_slice %arg7[%mul3A_36, %dma_start3A_42] : memref<10240x16xf32, #tpu.memory_space<vmem_shared>> -> memref<640x16xf32, #tpu.memory_space<vmem_shared>>
      tpu.enqueue_dma source(%dma_start3A_43 : memref<640x16xf32, #tpu.memory_space<vmem_shared>>) target(%dma_start3A_41 : memref<640x16xf32, #tpu.memory_space<hbm>>) target_semaphore(%run_scoped3A : memref<!tpu.dma_semaphore, #tpu.memory_space<semaphore_mem>>)
      %dma_wait3A_44 = arith.constant 0 : i32
      %dma_wait3A_45 = tpu.memref_slice %arg3[%arg0, %mul3A_38, %dma_wait3A_44] : memref<2x10240x16xf32, #tpu.memory_space<hbm>> -> memref<1x640x16xf32, #tpu.memory_space<hbm>>
      %dma_wait3A_46 = tpu.memref_squeeze %dma_wait3A_45 : memref<1x640x16xf32, #tpu.memory_space<hbm>> -> memref<640x16xf32, #tpu.memory_space<hbm>>
      %dma_wait3A_47 = arith.constant 0 : i32
      %dma_wait3A_48 = tpu.memref_slice %arg7[%mul3A_36, %dma_wait3A_47] : memref<10240x16xf32, #tpu.memory_space<vmem_shared>> -> memref<640x16xf32, #tpu.memory_space<vmem_shared>>
      tpu.wait_dma2 semaphore(%run_scoped3A : memref<!tpu.dma_semaphore, #tpu.memory_space<semaphore_mem>>) src(%dma_wait3A_48 : memref<640x16xf32, #tpu.memory_space<vmem_shared>>) dst(%dma_wait3A_46 : memref<640x16xf32, #tpu.memory_space<hbm>>)
      tpu.yield
    }) : () -> ()
    return
  }
}

#map = affine_map<(d0, d1) -> (0, 0)>
#map1 = affine_map<(d0, d1) -> (0, 0, 0)>
module attributes {stable_mosaic.version = 14 : i64} {
  func.func @_scatter_body(%arg0: i32, %arg1: i32, %arg2: memref<10000x128xf32, #tpu.memory_space<hbm>>, %arg3: memref<32x80x128xi32, #tpu.memory_space<hbm>>, %arg4: memref<32x80x128xi32, #tpu.memory_space<hbm>>, %arg5: memref<2x10240x128xf32, #tpu.memory_space<hbm>>, %arg6: memref<40x128xi32, #tpu.memory_space<vmem>>, %arg7: memref<40x128xi32, #tpu.memory_space<vmem>>, %arg8: memref<128x128xf32, #tpu.memory_space<vmem>>, %arg9: memref<128x128xf32, #tpu.memory_space<vmem>>, %arg10: memref<10240x128xf32, #tpu.memory_space<vmem_shared>>, %arg11: memref<!tpu.dma_semaphore, #tpu.memory_space<semaphore_mem>>, %arg12: memref<!tpu.dma_semaphore, #tpu.memory_space<semaphore_mem>>) attributes {dimension_semantics = [#tpu.dimension_semantics<core_parallel>, #tpu.dimension_semantics<subcore_parallel>], iteration_bounds = array<i64: 2, 16>, scalar_prefetch = 0 : i64, scratch_operands = 7 : i64, tpu.core_type = #tpu.core_type<sc_vector_subcore>, window_params = [{transform_indices = #map}, {transform_indices = #map1}, {transform_indices = #map1}, {transform_indices = #map1}]} {
    %mul3A = arith.constant 16 : i32
    %mul3A_0 = arith.muli %arg0, %mul3A : i32
    %add3A = arith.addi %mul3A_0, %arg1 : i32
    "tpu.region"() ({
      %run_scoped3A = tpu.sem_alloc : memref<!tpu.dma_semaphore, #tpu.memory_space<semaphore_mem>>
      %dma_start3A_115 = arith.constant 0 : i32
      %dma_start3A_116 = arith.constant 0 : i32
      %dma_start3A_117 = tpu.memref_slice %arg3[%add3A, %dma_start3A_115, %dma_start3A_116] : memref<32x80x128xi32, #tpu.memory_space<hbm>> -> memref<1x40x128xi32, #tpu.memory_space<hbm>>
      %dma_start3A_118 = tpu.memref_squeeze %dma_start3A_117 : memref<1x40x128xi32, #tpu.memory_space<hbm>> -> memref<40x128xi32, #tpu.memory_space<hbm>>
      %dma_start3A_119 = arith.constant 0 : i32
      %dma_start3A_120 = arith.constant 0 : i32
      %dma_start3A_121 = tpu.memref_slice %arg3[%add3A, %dma_start3A_119, %dma_start3A_120] : memref<32x80x128xi32, #tpu.memory_space<hbm>> -> memref<1x40x128xi32, #tpu.memory_space<hbm>>
      %dma_start3A_122 = tpu.memref_squeeze %dma_start3A_121 : memref<1x40x128xi32, #tpu.memory_space<hbm>> -> memref<40x128xi32, #tpu.memory_space<hbm>>
      tpu.enqueue_dma source(%dma_start3A_122 : memref<40x128xi32, #tpu.memory_space<hbm>>) target(%arg6 : memref<40x128xi32, #tpu.memory_space<vmem>>) target_semaphore(%run_scoped3A : memref<!tpu.dma_semaphore, #tpu.memory_space<semaphore_mem>>)
      %dma_wait3A_123 = arith.constant 0 : i32
      %dma_wait3A_124 = arith.constant 0 : i32
      %dma_wait3A_125 = tpu.memref_slice %arg3[%add3A, %dma_wait3A_123, %dma_wait3A_124] : memref<32x80x128xi32, #tpu.memory_space<hbm>> -> memref<1x40x128xi32, #tpu.memory_space<hbm>>
      %dma_wait3A_126 = tpu.memref_squeeze %dma_wait3A_125 : memref<1x40x128xi32, #tpu.memory_space<hbm>> -> memref<40x128xi32, #tpu.memory_space<hbm>>
      %dma_wait3A_127 = arith.constant 0 : i32
      %dma_wait3A_128 = arith.constant 0 : i32
      %dma_wait3A_129 = tpu.memref_slice %arg3[%add3A, %dma_wait3A_127, %dma_wait3A_128] : memref<32x80x128xi32, #tpu.memory_space<hbm>> -> memref<1x40x128xi32, #tpu.memory_space<hbm>>
      %dma_wait3A_130 = tpu.memref_squeeze %dma_wait3A_129 : memref<1x40x128xi32, #tpu.memory_space<hbm>> -> memref<40x128xi32, #tpu.memory_space<hbm>>
      tpu.wait_dma2 semaphore(%run_scoped3A : memref<!tpu.dma_semaphore, #tpu.memory_space<semaphore_mem>>) src(%dma_wait3A_130 : memref<40x128xi32, #tpu.memory_space<hbm>>) dst(%arg6 : memref<40x128xi32, #tpu.memory_space<vmem>>)
      tpu.yield
    }) : () -> ()
    "tpu.region"() ({
      %run_scoped3A = tpu.sem_alloc : memref<!tpu.dma_semaphore, #tpu.memory_space<semaphore_mem>>
      %dma_start3A_115 = arith.constant 0 : i32
      %dma_start3A_116 = arith.constant 0 : i32
      %dma_start3A_117 = tpu.memref_slice %arg4[%add3A, %dma_start3A_115, %dma_start3A_116] : memref<32x80x128xi32, #tpu.memory_space<hbm>> -> memref<1x40x128xi32, #tpu.memory_space<hbm>>
      %dma_start3A_118 = tpu.memref_squeeze %dma_start3A_117 : memref<1x40x128xi32, #tpu.memory_space<hbm>> -> memref<40x128xi32, #tpu.memory_space<hbm>>
      %dma_start3A_119 = arith.constant 0 : i32
      %dma_start3A_120 = arith.constant 0 : i32
      %dma_start3A_121 = tpu.memref_slice %arg4[%add3A, %dma_start3A_119, %dma_start3A_120] : memref<32x80x128xi32, #tpu.memory_space<hbm>> -> memref<1x40x128xi32, #tpu.memory_space<hbm>>
      %dma_start3A_122 = tpu.memref_squeeze %dma_start3A_121 : memref<1x40x128xi32, #tpu.memory_space<hbm>> -> memref<40x128xi32, #tpu.memory_space<hbm>>
      tpu.enqueue_dma source(%dma_start3A_122 : memref<40x128xi32, #tpu.memory_space<hbm>>) target(%arg7 : memref<40x128xi32, #tpu.memory_space<vmem>>) target_semaphore(%run_scoped3A : memref<!tpu.dma_semaphore, #tpu.memory_space<semaphore_mem>>)
      %dma_wait3A_123 = arith.constant 0 : i32
      %dma_wait3A_124 = arith.constant 0 : i32
      %dma_wait3A_125 = tpu.memref_slice %arg4[%add3A, %dma_wait3A_123, %dma_wait3A_124] : memref<32x80x128xi32, #tpu.memory_space<hbm>> -> memref<1x40x128xi32, #tpu.memory_space<hbm>>
      %dma_wait3A_126 = tpu.memref_squeeze %dma_wait3A_125 : memref<1x40x128xi32, #tpu.memory_space<hbm>> -> memref<40x128xi32, #tpu.memory_space<hbm>>
      %dma_wait3A_127 = arith.constant 0 : i32
      %dma_wait3A_128 = arith.constant 0 : i32
      %dma_wait3A_129 = tpu.memref_slice %arg4[%add3A, %dma_wait3A_127, %dma_wait3A_128] : memref<32x80x128xi32, #tpu.memory_space<hbm>> -> memref<1x40x128xi32, #tpu.memory_space<hbm>>
      %dma_wait3A_130 = tpu.memref_squeeze %dma_wait3A_129 : memref<1x40x128xi32, #tpu.memory_space<hbm>> -> memref<40x128xi32, #tpu.memory_space<hbm>>
      tpu.wait_dma2 semaphore(%run_scoped3A : memref<!tpu.dma_semaphore, #tpu.memory_space<semaphore_mem>>) src(%dma_wait3A_130 : memref<40x128xi32, #tpu.memory_space<hbm>>) dst(%arg7 : memref<40x128xi32, #tpu.memory_space<vmem>>)
      tpu.yield
    }) : () -> ()
    %dma_start3A = arith.constant 0 : i32
    %dma_start3A_1 = arith.constant 0 : i32
    %dma_start3A_2 = tpu.memref_slice %arg6[%dma_start3A, %dma_start3A_1] : memref<40x128xi32, #tpu.memory_space<vmem>> -> memref<1x128xi32, #tpu.memory_space<vmem>>
    %dma_start3A_3 = tpu.memref_squeeze %dma_start3A_2 : memref<1x128xi32, #tpu.memory_space<vmem>> -> memref<128xi32, #tpu.memory_space<vmem>>
    %dma_start3A_4 = arith.constant 0 : i32
    %dma_start3A_5 = arith.constant 0 : i32
    %dma_start3A_6 = tpu.memref_slice %arg2[%dma_start3A_4, %dma_start3A_5] : memref<10000x128xf32, #tpu.memory_space<hbm>> -> memref<10000x128xf32, #tpu.memory_space<hbm>>
    tpu.enqueue_indirect_dma source(%dma_start3A_6 : memref<10000x128xf32, #tpu.memory_space<hbm>>) target(%arg8 : memref<128x128xf32, #tpu.memory_space<vmem>>) offsets(%dma_start3A_3 : memref<128xi32, #tpu.memory_space<vmem>>) semaphore(%arg11 : memref<!tpu.dma_semaphore, #tpu.memory_space<semaphore_mem>>)
    %scan3A = arith.constant 0 : i32
    %scan3A_7 = arith.constant 0 : i32
    %scan3A_8 = arith.constant 1024 : i32
    %scan3A_9 = arith.addi %scan3A_7, %scan3A_8 : i32
    %scan3A_10 = arith.constant 1 : i32
    scf.for %scan3A_115 = %scan3A_7 to %scan3A_9 step %scan3A_10  : i32 {
      %jit3A = arith.constant 8 : i32
      %div3A = arith.divsi %scan3A_115, %jit3A : i32
      %sign3A = arith.constant 0 : i32
      %sign3A_116 = arith.cmpi sgt, %scan3A_115, %sign3A : i32
      %sign3A_117 = arith.extui %sign3A_116 : i1 to i32
      %sign3A_118 = arith.constant 0 : i32
      %sign3A_119 = arith.cmpi slt, %scan3A_115, %sign3A_118 : i32
      %sign3A_120 = arith.extui %sign3A_119 : i1 to i32
      %sign3A_121 = arith.subi %sign3A_117, %sign3A_120 : i32
      %sign3A_122 = arith.constant 0 : i32
      %sign3A_123 = arith.cmpi sgt, %jit3A, %sign3A_122 : i32
      %sign3A_124 = arith.extui %sign3A_123 : i1 to i32
      %sign3A_125 = arith.constant 0 : i32
      %sign3A_126 = arith.cmpi slt, %jit3A, %sign3A_125 : i32
      %sign3A_127 = arith.extui %sign3A_126 : i1 to i32
      %sign3A_128 = arith.subi %sign3A_124, %sign3A_127 : i32
      %ne3A = arith.cmpi ne, %sign3A_121, %sign3A_128 : i32
      %rem3A = arith.remsi %scan3A_115, %jit3A : i32
      %ne3A_129 = arith.constant 0 : i32
      %ne3A_130 = arith.cmpi ne, %rem3A, %ne3A_129 : i32
      %and3A = arith.andi %ne3A, %ne3A_130 : i1
      %sub3A = arith.constant 1 : i32
      %sub3A_131 = arith.subi %div3A, %sub3A : i32
      %select_n3A = arith.select %and3A, %sub3A_131, %div3A : i32
      %jit3A_132 = arith.constant 8 : i32
      %eq3A = arith.constant 0 : i32
      %eq3A_133 = arith.cmpi eq, %jit3A_132, %eq3A : i32
      %jit3A_134 = arith.constant 1 : i32
      %select_n3A_135 = arith.select %eq3A_133, %jit3A_134, %jit3A_132 : i32
      %rem3A_136 = arith.remsi %scan3A_115, %select_n3A_135 : i32
      %ne3A_137 = arith.constant 0 : i32
      %ne3A_138 = arith.cmpi ne, %rem3A_136, %ne3A_137 : i32
      %lt3A = arith.constant 0 : i32
      %lt3A_139 = arith.cmpi slt, %rem3A_136, %lt3A : i32
      %lt3A_140 = arith.constant 0 : i32
      %lt3A_141 = arith.cmpi slt, %select_n3A_135, %lt3A_140 : i32
      %ne3A_142 = arith.xori %lt3A_139, %lt3A_141 : i1
      %and3A_143 = arith.andi %ne3A_142, %ne3A_138 : i1
      %add3A_144 = arith.addi %rem3A_136, %select_n3A_135 : i32
      %select_n3A_145 = arith.select %and3A_143, %add3A_144, %rem3A_136 : i32
      %mul3A_146 = arith.constant 16 : i32
      %mul3A_147 = arith.muli %select_n3A_145, %mul3A_146 : i32
      %broadcast_in_dim3A = arith.constant 0.000000e+00 : f32
      %broadcast_in_dim3A_148 = vector.broadcast %broadcast_in_dim3A : f32 to vector<16xf32>
      %swap3A = arith.index_cast %select_n3A : i32 to index
      %swap3A_149 = arith.index_cast %mul3A_147 : i32 to index
      %swap3A_150 = tpu.vector_load %arg9[%swap3A, %swap3A_149] {strides = array<i32>} : memref<128x128xf32, #tpu.memory_space<vmem>>, vector<1x16xf32>,
      %swap3A_151 = vector.shape_cast %swap3A_150 : vector<1x16xf32> to vector<16xf32>
      %swap3A_152 = vector.shape_cast %broadcast_in_dim3A_148 : vector<16xf32> to vector<1x16xf32>
      tpu.vector_store %arg9[%swap3A, %swap3A_149], %swap3A_152 {strides = array<i32>} : memref<128x128xf32, #tpu.memory_space<vmem>>, vector<1x16xf32>,
    }
    %scan3A_11 = arith.constant 1024 : i32
    %mul3A_12 = arith.constant 640 : i32
    %mul3A_13 = arith.muli %arg1, %mul3A_12 : i32
    %add3A_14 = arith.constant 0 : i32
    %add3A_15 = arith.addi %mul3A_13, %add3A_14 : i32
    %dma_start3A_16 = arith.constant 0 : i32
    %dma_start3A_17 = tpu.memref_slice %arg10[%add3A_15, %dma_start3A_16] : memref<10240x128xf32, #tpu.memory_space<vmem_shared>> -> memref<128x128xf32, #tpu.memory_space<vmem_shared>>
    %dma_start3A_18 = arith.constant 0 : i32
    %dma_start3A_19 = tpu.memref_slice %arg10[%add3A_15, %dma_start3A_18] : memref<10240x128xf32, #tpu.memory_space<vmem_shared>> -> memref<128x128xf32, #tpu.memory_space<vmem_shared>>
    tpu.enqueue_dma source(%arg9 : memref<128x128xf32, #tpu.memory_space<vmem>>) target(%dma_start3A_19 : memref<128x128xf32, #tpu.memory_space<vmem_shared>>) target_semaphore(%arg12 : memref<!tpu.dma_semaphore, #tpu.memory_space<semaphore_mem>>)
    %mul3A_20 = arith.constant 640 : i32
    %mul3A_21 = arith.muli %arg1, %mul3A_20 : i32
    %add3A_22 = arith.constant 128 : i32
    %add3A_23 = arith.addi %mul3A_21, %add3A_22 : i32
    %dma_start3A_24 = arith.constant 0 : i32
    %dma_start3A_25 = tpu.memref_slice %arg10[%add3A_23, %dma_start3A_24] : memref<10240x128xf32, #tpu.memory_space<vmem_shared>> -> memref<128x128xf32, #tpu.memory_space<vmem_shared>>
    %dma_start3A_26 = arith.constant 0 : i32
    %dma_start3A_27 = tpu.memref_slice %arg10[%add3A_23, %dma_start3A_26] : memref<10240x128xf32, #tpu.memory_space<vmem_shared>> -> memref<128x128xf32, #tpu.memory_space<vmem_shared>>
    tpu.enqueue_dma source(%arg9 : memref<128x128xf32, #tpu.memory_space<vmem>>) target(%dma_start3A_27 : memref<128x128xf32, #tpu.memory_space<vmem_shared>>) target_semaphore(%arg12 : memref<!tpu.dma_semaphore, #tpu.memory_space<semaphore_mem>>)
    %mul3A_28 = arith.constant 640 : i32
    %mul3A_29 = arith.muli %arg1, %mul3A_28 : i32
    %add3A_30 = arith.constant 256 : i32
    %add3A_31 = arith.addi %mul3A_29, %add3A_30 : i32
    %dma_start3A_32 = arith.constant 0 : i32
    %dma_start3A_33 = tpu.memref_slice %arg10[%add3A_31, %dma_start3A_32] : memref<10240x128xf32, #tpu.memory_space<vmem_shared>> -> memref<128x128xf32, #tpu.memory_space<vmem_shared>>
    %dma_start3A_34 = arith.constant 0 : i32
    %dma_start3A_35 = tpu.memref_slice %arg10[%add3A_31, %dma_start3A_34] : memref<10240x128xf32, #tpu.memory_space<vmem_shared>> -> memref<128x128xf32, #tpu.memory_space<vmem_shared>>
    tpu.enqueue_dma source(%arg9 : memref<128x128xf32, #tpu.memory_space<vmem>>) target(%dma_start3A_35 : memref<128x128xf32, #tpu.memory_space<vmem_shared>>) target_semaphore(%arg12 : memref<!tpu.dma_semaphore, #tpu.memory_space<semaphore_mem>>)
    %mul3A_36 = arith.constant 640 : i32
    %mul3A_37 = arith.muli %arg1, %mul3A_36 : i32
    %add3A_38 = arith.constant 384 : i32
    %add3A_39 = arith.addi %mul3A_37, %add3A_38 : i32
    %dma_start3A_40 = arith.constant 0 : i32
    %dma_start3A_41 = tpu.memref_slice %arg10[%add3A_39, %dma_start3A_40] : memref<10240x128xf32, #tpu.memory_space<vmem_shared>> -> memref<128x128xf32, #tpu.memory_space<vmem_shared>>
    %dma_start3A_42 = arith.constant 0 : i32
    %dma_start3A_43 = tpu.memref_slice %arg10[%add3A_39, %dma_start3A_42] : memref<10240x128xf32, #tpu.memory_space<vmem_shared>> -> memref<128x128xf32, #tpu.memory_space<vmem_shared>>
    tpu.enqueue_dma source(%arg9 : memref<128x128xf32, #tpu.memory_space<vmem>>) target(%dma_start3A_43 : memref<128x128xf32, #tpu.memory_space<vmem_shared>>) target_semaphore(%arg12 : memref<!tpu.dma_semaphore, #tpu.memory_space<semaphore_mem>>)
    %mul3A_44 = arith.constant 640 : i32
    %mul3A_45 = arith.muli %arg1, %mul3A_44 : i32
    %add3A_46 = arith.constant 512 : i32
    %add3A_47 = arith.addi %mul3A_45, %add3A_46 : i32
    %dma_start3A_48 = arith.constant 0 : i32
    %dma_start3A_49 = tpu.memref_slice %arg10[%add3A_47, %dma_start3A_48] : memref<10240x128xf32, #tpu.memory_space<vmem_shared>> -> memref<128x128xf32, #tpu.memory_space<vmem_shared>>
    %dma_start3A_50 = arith.constant 0 : i32
    %dma_start3A_51 = tpu.memref_slice %arg10[%add3A_47, %dma_start3A_50] : memref<10240x128xf32, #tpu.memory_space<vmem_shared>> -> memref<128x128xf32, #tpu.memory_space<vmem_shared>>
    tpu.enqueue_dma source(%arg9 : memref<128x128xf32, #tpu.memory_space<vmem>>) target(%dma_start3A_51 : memref<128x128xf32, #tpu.memory_space<vmem_shared>>) target_semaphore(%arg12 : memref<!tpu.dma_semaphore, #tpu.memory_space<semaphore_mem>>)
    %mul3A_52 = arith.constant 640 : i32
    %mul3A_53 = arith.muli %arg1, %mul3A_52 : i32
    %add3A_54 = arith.constant 0 : i32
    %add3A_55 = arith.addi %mul3A_53, %add3A_54 : i32
    %dma_wait3A = arith.constant 0 : i32
    %dma_wait3A_56 = tpu.memref_slice %arg10[%add3A_55, %dma_wait3A] : memref<10240x128xf32, #tpu.memory_space<vmem_shared>> -> memref<128x128xf32, #tpu.memory_space<vmem_shared>>
    %dma_wait3A_57 = arith.constant 0 : i32
    %dma_wait3A_58 = tpu.memref_slice %arg10[%add3A_55, %dma_wait3A_57] : memref<10240x128xf32, #tpu.memory_space<vmem_shared>> -> memref<128x128xf32, #tpu.memory_space<vmem_shared>>
    tpu.wait_dma2 semaphore(%arg12 : memref<!tpu.dma_semaphore, #tpu.memory_space<semaphore_mem>>) src(%arg9 : memref<128x128xf32, #tpu.memory_space<vmem>>) dst(%dma_wait3A_58 : memref<128x128xf32, #tpu.memory_space<vmem_shared>>)
    %mul3A_59 = arith.constant 640 : i32
    %mul3A_60 = arith.muli %arg1, %mul3A_59 : i32
    %add3A_61 = arith.constant 128 : i32
    %add3A_62 = arith.addi %mul3A_60, %add3A_61 : i32
    %dma_wait3A_63 = arith.constant 0 : i32
    %dma_wait3A_64 = tpu.memref_slice %arg10[%add3A_62, %dma_wait3A_63] : memref<10240x128xf32, #tpu.memory_space<vmem_shared>> -> memref<128x128xf32, #tpu.memory_space<vmem_shared>>
    %dma_wait3A_65 = arith.constant 0 : i32
    %dma_wait3A_66 = tpu.memref_slice %arg10[%add3A_62, %dma_wait3A_65] : memref<10240x128xf32, #tpu.memory_space<vmem_shared>> -> memref<128x128xf32, #tpu.memory_space<vmem_shared>>
    tpu.wait_dma2 semaphore(%arg12 : memref<!tpu.dma_semaphore, #tpu.memory_space<semaphore_mem>>) src(%arg9 : memref<128x128xf32, #tpu.memory_space<vmem>>) dst(%dma_wait3A_66 : memref<128x128xf32, #tpu.memory_space<vmem_shared>>)
    %mul3A_67 = arith.constant 640 : i32
    %mul3A_68 = arith.muli %arg1, %mul3A_67 : i32
    %add3A_69 = arith.constant 256 : i32
    %add3A_70 = arith.addi %mul3A_68, %add3A_69 : i32
    %dma_wait3A_71 = arith.constant 0 : i32
    %dma_wait3A_72 = tpu.memref_slice %arg10[%add3A_70, %dma_wait3A_71] : memref<10240x128xf32, #tpu.memory_space<vmem_shared>> -> memref<128x128xf32, #tpu.memory_space<vmem_shared>>
    %dma_wait3A_73 = arith.constant 0 : i32
    %dma_wait3A_74 = tpu.memref_slice %arg10[%add3A_70, %dma_wait3A_73] : memref<10240x128xf32, #tpu.memory_space<vmem_shared>> -> memref<128x128xf32, #tpu.memory_space<vmem_shared>>
    tpu.wait_dma2 semaphore(%arg12 : memref<!tpu.dma_semaphore, #tpu.memory_space<semaphore_mem>>) src(%arg9 : memref<128x128xf32, #tpu.memory_space<vmem>>) dst(%dma_wait3A_74 : memref<128x128xf32, #tpu.memory_space<vmem_shared>>)
    %mul3A_75 = arith.constant 640 : i32
    %mul3A_76 = arith.muli %arg1, %mul3A_75 : i32
    %add3A_77 = arith.constant 384 : i32
    %add3A_78 = arith.addi %mul3A_76, %add3A_77 : i32
    %dma_wait3A_79 = arith.constant 0 : i32
    %dma_wait3A_80 = tpu.memref_slice %arg10[%add3A_78, %dma_wait3A_79] : memref<10240x128xf32, #tpu.memory_space<vmem_shared>> -> memref<128x128xf32, #tpu.memory_space<vmem_shared>>
    %dma_wait3A_81 = arith.constant 0 : i32
    %dma_wait3A_82 = tpu.memref_slice %arg10[%add3A_78, %dma_wait3A_81] : memref<10240x128xf32, #tpu.memory_space<vmem_shared>> -> memref<128x128xf32, #tpu.memory_space<vmem_shared>>
    tpu.wait_dma2 semaphore(%arg12 : memref<!tpu.dma_semaphore, #tpu.memory_space<semaphore_mem>>) src(%arg9 : memref<128x128xf32, #tpu.memory_space<vmem>>) dst(%dma_wait3A_82 : memref<128x128xf32, #tpu.memory_space<vmem_shared>>)
    %mul3A_83 = arith.constant 640 : i32
    %mul3A_84 = arith.muli %arg1, %mul3A_83 : i32
    %add3A_85 = arith.constant 512 : i32
    %add3A_86 = arith.addi %mul3A_84, %add3A_85 : i32
    %dma_wait3A_87 = arith.constant 0 : i32
    %dma_wait3A_88 = tpu.memref_slice %arg10[%add3A_86, %dma_wait3A_87] : memref<10240x128xf32, #tpu.memory_space<vmem_shared>> -> memref<128x128xf32, #tpu.memory_space<vmem_shared>>
    %dma_wait3A_89 = arith.constant 0 : i32
    %dma_wait3A_90 = tpu.memref_slice %arg10[%add3A_86, %dma_wait3A_89] : memref<10240x128xf32, #tpu.memory_space<vmem_shared>> -> memref<128x128xf32, #tpu.memory_space<vmem_shared>>
    tpu.wait_dma2 semaphore(%arg12 : memref<!tpu.dma_semaphore, #tpu.memory_space<semaphore_mem>>) src(%arg9 : memref<128x128xf32, #tpu.memory_space<vmem>>) dst(%dma_wait3A_90 : memref<128x128xf32, #tpu.memory_space<vmem_shared>>)
    %barrier3A = arith.constant 0 : index
    tpu.barrier barrier_id(%barrier3A)
    %scan3A_91 = arith.constant 0 : i32
    %scan3A_92 = arith.constant 0 : i32
    %scan3A_93 = arith.constant 20 : i32
    %scan3A_94 = arith.addi %scan3A_92, %scan3A_93 : i32
    %scan3A_95 = arith.constant 1 : i32
    scf.for %scan3A_115 = %scan3A_92 to %scan3A_94 step %scan3A_95  : i32 {
      %mul3A_116 = arith.constant 2 : i32
      %mul3A_117 = arith.muli %mul3A_116, %scan3A_115 : i32
      %add3A_118 = arith.constant 1 : i32
      %add3A_119 = arith.addi %mul3A_117, %add3A_118 : i32
      %dma_start3A_120 = arith.constant 0 : i32
      %dma_start3A_121 = tpu.memref_slice %arg6[%add3A_119, %dma_start3A_120] : memref<40x128xi32, #tpu.memory_space<vmem>> -> memref<1x128xi32, #tpu.memory_space<vmem>>
      %dma_start3A_122 = tpu.memref_squeeze %dma_start3A_121 : memref<1x128xi32, #tpu.memory_space<vmem>> -> memref<128xi32, #tpu.memory_space<vmem>>
      %dma_start3A_123 = arith.constant 0 : i32
      %dma_start3A_124 = arith.constant 0 : i32
      %dma_start3A_125 = tpu.memref_slice %arg2[%dma_start3A_123, %dma_start3A_124] : memref<10000x128xf32, #tpu.memory_space<hbm>> -> memref<10000x128xf32, #tpu.memory_space<hbm>>
      tpu.enqueue_indirect_dma source(%dma_start3A_125 : memref<10000x128xf32, #tpu.memory_space<hbm>>) target(%arg9 : memref<128x128xf32, #tpu.memory_space<vmem>>) offsets(%dma_start3A_122 : memref<128xi32, #tpu.memory_space<vmem>>) semaphore(%arg12 : memref<!tpu.dma_semaphore, #tpu.memory_space<semaphore_mem>>)
      %dma_wait3A_126 = arith.constant 0 : i32
      %dma_wait3A_127 = tpu.memref_slice %arg6[%mul3A_117, %dma_wait3A_126] : memref<40x128xi32, #tpu.memory_space<vmem>> -> memref<1x128xi32, #tpu.memory_space<vmem>>
      %dma_wait3A_128 = tpu.memref_squeeze %dma_wait3A_127 : memref<1x128xi32, #tpu.memory_space<vmem>> -> memref<128xi32, #tpu.memory_space<vmem>>
      %dma_wait3A_129 = arith.constant 0 : i32
      %dma_wait3A_130 = arith.constant 0 : i32
      %dma_wait3A_131 = tpu.memref_slice %arg2[%dma_wait3A_129, %dma_wait3A_130] : memref<10000x128xf32, #tpu.memory_space<hbm>> -> memref<10000x128xf32, #tpu.memory_space<hbm>>
      tpu.wait_indirect_dma semaphore(%arg11 : memref<!tpu.dma_semaphore, #tpu.memory_space<semaphore_mem>>) src(%dma_wait3A_131 : memref<10000x128xf32, #tpu.memory_space<hbm>>) dst(%arg8 : memref<128x128xf32, #tpu.memory_space<vmem>>)
      "tpu.region"() ({
        %run_scoped3A = tpu.sem_alloc : memref<!tpu.dma_semaphore, #tpu.memory_space<semaphore_mem>>
        %dma_start3A_146 = arith.constant 0 : i32
        %dma_start3A_147 = tpu.memref_slice %arg7[%mul3A_117, %dma_start3A_146] : memref<40x128xi32, #tpu.memory_space<vmem>> -> memref<1x128xi32, #tpu.memory_space<vmem>>
        %dma_start3A_148 = tpu.memref_squeeze %dma_start3A_147 : memref<1x128xi32, #tpu.memory_space<vmem>> -> memref<128xi32, #tpu.memory_space<vmem>>
        %dma_start3A_149 = arith.constant 0 : i32
        %dma_start3A_150 = arith.constant 0 : i32
        %dma_start3A_151 = tpu.memref_slice %arg10[%dma_start3A_149, %dma_start3A_150] : memref<10240x128xf32, #tpu.memory_space<vmem_shared>> -> memref<10240x128xf32, #tpu.memory_space<vmem_shared>>
        tpu.enqueue_indirect_dma source(%arg8 : memref<128x128xf32, #tpu.memory_space<vmem>>) target(%dma_start3A_151 : memref<10240x128xf32, #tpu.memory_space<vmem_shared>>) offsets(%dma_start3A_148 : memref<128xi32, #tpu.memory_space<vmem>>) semaphore(%run_scoped3A : memref<!tpu.dma_semaphore, #tpu.memory_space<semaphore_mem>>) {add = true}
        %dma_wait3A_152 = arith.constant 0 : i32
        %dma_wait3A_153 = tpu.memref_slice %arg7[%mul3A_117, %dma_wait3A_152] : memref<40x128xi32, #tpu.memory_space<vmem>> -> memref<1x128xi32, #tpu.memory_space<vmem>>
        %dma_wait3A_154 = tpu.memref_squeeze %dma_wait3A_153 : memref<1x128xi32, #tpu.memory_space<vmem>> -> memref<128xi32, #tpu.memory_space<vmem>>
        %dma_wait3A_155 = arith.constant 0 : i32
        %dma_wait3A_156 = arith.constant 0 : i32
        %dma_wait3A_157 = tpu.memref_slice %arg10[%dma_wait3A_155, %dma_wait3A_156] : memref<10240x128xf32, #tpu.memory_space<vmem_shared>> -> memref<10240x128xf32, #tpu.memory_space<vmem_shared>>
        tpu.wait_indirect_dma semaphore(%run_scoped3A : memref<!tpu.dma_semaphore, #tpu.memory_space<semaphore_mem>>) src(%arg8 : memref<128x128xf32, #tpu.memory_space<vmem>>) dst(%dma_wait3A_157 : memref<10240x128xf32, #tpu.memory_space<vmem_shared>>)
        tpu.yield
      }) : () -> ()
      %add3A_132 = arith.constant 2 : i32
      %add3A_133 = arith.addi %mul3A_117, %add3A_132 : i32
      %lt3A = arith.constant 40 : i32
      %lt3A_134 = arith.cmpi slt, %add3A_133, %lt3A : i32
      %convert_element_type3A = arith.extui %lt3A_134 : i1 to i32
      %cond3A = arith.constant 0 : i32
      %cond3A_135 = arith.cmpi ne, %convert_element_type3A, %cond3A : i32
      scf.if %cond3A_135 {
        %add3A_146 = arith.constant 2 : i32
        %add3A_147 = arith.addi %mul3A_117, %add3A_146 : i32
        %dma_start3A_148 = arith.constant 0 : i32
        %dma_start3A_149 = tpu.memref_slice %arg6[%add3A_147, %dma_start3A_148] : memref<40x128xi32, #tpu.memory_space<vmem>> -> memref<1x128xi32, #tpu.memory_space<vmem>>
        %dma_start3A_150 = tpu.memref_squeeze %dma_start3A_149 : memref<1x128xi32, #tpu.memory_space<vmem>> -> memref<128xi32, #tpu.memory_space<vmem>>
        %dma_start3A_151 = arith.constant 0 : i32
        %dma_start3A_152 = arith.constant 0 : i32
        %dma_start3A_153 = tpu.memref_slice %arg2[%dma_start3A_151, %dma_start3A_152] : memref<10000x128xf32, #tpu.memory_space<hbm>> -> memref<10000x128xf32, #tpu.memory_space<hbm>>
        tpu.enqueue_indirect_dma source(%dma_start3A_153 : memref<10000x128xf32, #tpu.memory_space<hbm>>) target(%arg8 : memref<128x128xf32, #tpu.memory_space<vmem>>) offsets(%dma_start3A_150 : memref<128xi32, #tpu.memory_space<vmem>>) semaphore(%arg11 : memref<!tpu.dma_semaphore, #tpu.memory_space<semaphore_mem>>)
      } else {
      }
      %add3A_136 = arith.constant 1 : i32
      %add3A_137 = arith.addi %mul3A_117, %add3A_136 : i32
      %dma_wait3A_138 = arith.constant 0 : i32
      %dma_wait3A_139 = tpu.memref_slice %arg6[%add3A_137, %dma_wait3A_138] : memref<40x128xi32, #tpu.memory_space<vmem>> -> memref<1x128xi32, #tpu.memory_space<vmem>>
      %dma_wait3A_140 = tpu.memref_squeeze %dma_wait3A_139 : memref<1x128xi32, #tpu.memory_space<vmem>> -> memref<128xi32, #tpu.memory_space<vmem>>
      %dma_wait3A_141 = arith.constant 0 : i32
      %dma_wait3A_142 = arith.constant 0 : i32
      %dma_wait3A_143 = tpu.memref_slice %arg2[%dma_wait3A_141, %dma_wait3A_142] : memref<10000x128xf32, #tpu.memory_space<hbm>> -> memref<10000x128xf32, #tpu.memory_space<hbm>>
      tpu.wait_indirect_dma semaphore(%arg12 : memref<!tpu.dma_semaphore, #tpu.memory_space<semaphore_mem>>) src(%dma_wait3A_143 : memref<10000x128xf32, #tpu.memory_space<hbm>>) dst(%arg9 : memref<128x128xf32, #tpu.memory_space<vmem>>)
      %add3A_144 = arith.constant 1 : i32
      %add3A_145 = arith.addi %mul3A_117, %add3A_144 : i32
      "tpu.region"() ({
        %run_scoped3A = tpu.sem_alloc : memref<!tpu.dma_semaphore, #tpu.memory_space<semaphore_mem>>
        %dma_start3A_146 = arith.constant 0 : i32
        %dma_start3A_147 = tpu.memref_slice %arg7[%add3A_145, %dma_start3A_146] : memref<40x128xi32, #tpu.memory_space<vmem>> -> memref<1x128xi32, #tpu.memory_space<vmem>>
        %dma_start3A_148 = tpu.memref_squeeze %dma_start3A_147 : memref<1x128xi32, #tpu.memory_space<vmem>> -> memref<128xi32, #tpu.memory_space<vmem>>
        %dma_start3A_149 = arith.constant 0 : i32
        %dma_start3A_150 = arith.constant 0 : i32
        %dma_start3A_151 = tpu.memref_slice %arg10[%dma_start3A_149, %dma_start3A_150] : memref<10240x128xf32, #tpu.memory_space<vmem_shared>> -> memref<10240x128xf32, #tpu.memory_space<vmem_shared>>
        tpu.enqueue_indirect_dma source(%arg9 : memref<128x128xf32, #tpu.memory_space<vmem>>) target(%dma_start3A_151 : memref<10240x128xf32, #tpu.memory_space<vmem_shared>>) offsets(%dma_start3A_148 : memref<128xi32, #tpu.memory_space<vmem>>) semaphore(%run_scoped3A : memref<!tpu.dma_semaphore, #tpu.memory_space<semaphore_mem>>) {add = true}
        %dma_wait3A_152 = arith.constant 0 : i32
        %dma_wait3A_153 = tpu.memref_slice %arg7[%add3A_145, %dma_wait3A_152] : memref<40x128xi32, #tpu.memory_space<vmem>> -> memref<1x128xi32, #tpu.memory_space<vmem>>
        %dma_wait3A_154 = tpu.memref_squeeze %dma_wait3A_153 : memref<1x128xi32, #tpu.memory_space<vmem>> -> memref<128xi32, #tpu.memory_space<vmem>>
        %dma_wait3A_155 = arith.constant 0 : i32
        %dma_wait3A_156 = arith.constant 0 : i32
        %dma_wait3A_157 = tpu.memref_slice %arg10[%dma_wait3A_155, %dma_wait3A_156] : memref<10240x128xf32, #tpu.memory_space<vmem_shared>> -> memref<10240x128xf32, #tpu.memory_space<vmem_shared>>
        tpu.wait_indirect_dma semaphore(%run_scoped3A : memref<!tpu.dma_semaphore, #tpu.memory_space<semaphore_mem>>) src(%arg9 : memref<128x128xf32, #tpu.memory_space<vmem>>) dst(%dma_wait3A_157 : memref<10240x128xf32, #tpu.memory_space<vmem_shared>>)
        tpu.yield
      }) : () -> ()
    }
    %scan3A_96 = arith.constant 20 : i32
    "tpu.region"() ({
      %run_scoped3A = tpu.sem_alloc : memref<!tpu.dma_semaphore, #tpu.memory_space<semaphore_mem>>
      %dma_start3A_115 = arith.constant 40 : i32
      %dma_start3A_116 = arith.constant 0 : i32
      %dma_start3A_117 = tpu.memref_slice %arg3[%add3A, %dma_start3A_115, %dma_start3A_116] : memref<32x80x128xi32, #tpu.memory_space<hbm>> -> memref<1x40x128xi32, #tpu.memory_space<hbm>>
      %dma_start3A_118 = tpu.memref_squeeze %dma_start3A_117 : memref<1x40x128xi32, #tpu.memory_space<hbm>> -> memref<40x128xi32, #tpu.memory_space<hbm>>
      %dma_start3A_119 = arith.constant 40 : i32
      %dma_start3A_120 = arith.constant 0 : i32
      %dma_start3A_121 = tpu.memref_slice %arg3[%add3A, %dma_start3A_119, %dma_start3A_120] : memref<32x80x128xi32, #tpu.memory_space<hbm>> -> memref<1x40x128xi32, #tpu.memory_space<hbm>>
      %dma_start3A_122 = tpu.memref_squeeze %dma_start3A_121 : memref<1x40x128xi32, #tpu.memory_space<hbm>> -> memref<40x128xi32, #tpu.memory_space<hbm>>
      tpu.enqueue_dma source(%dma_start3A_122 : memref<40x128xi32, #tpu.memory_space<hbm>>) target(%arg6 : memref<40x128xi32, #tpu.memory_space<vmem>>) target_semaphore(%run_scoped3A : memref<!tpu.dma_semaphore, #tpu.memory_space<semaphore_mem>>)
      %dma_wait3A_123 = arith.constant 40 : i32
      %dma_wait3A_124 = arith.constant 0 : i32
      %dma_wait3A_125 = tpu.memref_slice %arg3[%add3A, %dma_wait3A_123, %dma_wait3A_124] : memref<32x80x128xi32, #tpu.memory_space<hbm>> -> memref<1x40x128xi32, #tpu.memory_space<hbm>>
      %dma_wait3A_126 = tpu.memref_squeeze %dma_wait3A_125 : memref<1x40x128xi32, #tpu.memory_space<hbm>> -> memref<40x128xi32, #tpu.memory_space<hbm>>
      %dma_wait3A_127 = arith.constant 40 : i32
      %dma_wait3A_128 = arith.constant 0 : i32
      %dma_wait3A_129 = tpu.memref_slice %arg3[%add3A, %dma_wait3A_127, %dma_wait3A_128] : memref<32x80x128xi32, #tpu.memory_space<hbm>> -> memref<1x40x128xi32, #tpu.memory_space<hbm>>
      %dma_wait3A_130 = tpu.memref_squeeze %dma_wait3A_129 : memref<1x40x128xi32, #tpu.memory_space<hbm>> -> memref<40x128xi32, #tpu.memory_space<hbm>>
      tpu.wait_dma2 semaphore(%run_scoped3A : memref<!tpu.dma_semaphore, #tpu.memory_space<semaphore_mem>>) src(%dma_wait3A_130 : memref<40x128xi32, #tpu.memory_space<hbm>>) dst(%arg6 : memref<40x128xi32, #tpu.memory_space<vmem>>)
      tpu.yield
    }) : () -> ()
    "tpu.region"() ({
      %run_scoped3A = tpu.sem_alloc : memref<!tpu.dma_semaphore, #tpu.memory_space<semaphore_mem>>
      %dma_start3A_115 = arith.constant 40 : i32
      %dma_start3A_116 = arith.constant 0 : i32
      %dma_start3A_117 = tpu.memref_slice %arg4[%add3A, %dma_start3A_115, %dma_start3A_116] : memref<32x80x128xi32, #tpu.memory_space<hbm>> -> memref<1x40x128xi32, #tpu.memory_space<hbm>>
      %dma_start3A_118 = tpu.memref_squeeze %dma_start3A_117 : memref<1x40x128xi32, #tpu.memory_space<hbm>> -> memref<40x128xi32, #tpu.memory_space<hbm>>
      %dma_start3A_119 = arith.constant 40 : i32
      %dma_start3A_120 = arith.constant 0 : i32
      %dma_start3A_121 = tpu.memref_slice %arg4[%add3A, %dma_start3A_119, %dma_start3A_120] : memref<32x80x128xi32, #tpu.memory_space<hbm>> -> memref<1x40x128xi32, #tpu.memory_space<hbm>>
      %dma_start3A_122 = tpu.memref_squeeze %dma_start3A_121 : memref<1x40x128xi32, #tpu.memory_space<hbm>> -> memref<40x128xi32, #tpu.memory_space<hbm>>
      tpu.enqueue_dma source(%dma_start3A_122 : memref<40x128xi32, #tpu.memory_space<hbm>>) target(%arg7 : memref<40x128xi32, #tpu.memory_space<vmem>>) target_semaphore(%run_scoped3A : memref<!tpu.dma_semaphore, #tpu.memory_space<semaphore_mem>>)
      %dma_wait3A_123 = arith.constant 40 : i32
      %dma_wait3A_124 = arith.constant 0 : i32
      %dma_wait3A_125 = tpu.memref_slice %arg4[%add3A, %dma_wait3A_123, %dma_wait3A_124] : memref<32x80x128xi32, #tpu.memory_space<hbm>> -> memref<1x40x128xi32, #tpu.memory_space<hbm>>
      %dma_wait3A_126 = tpu.memref_squeeze %dma_wait3A_125 : memref<1x40x128xi32, #tpu.memory_space<hbm>> -> memref<40x128xi32, #tpu.memory_space<hbm>>
      %dma_wait3A_127 = arith.constant 40 : i32
      %dma_wait3A_128 = arith.constant 0 : i32
      %dma_wait3A_129 = tpu.memref_slice %arg4[%add3A, %dma_wait3A_127, %dma_wait3A_128] : memref<32x80x128xi32, #tpu.memory_space<hbm>> -> memref<1x40x128xi32, #tpu.memory_space<hbm>>
      %dma_wait3A_130 = tpu.memref_squeeze %dma_wait3A_129 : memref<1x40x128xi32, #tpu.memory_space<hbm>> -> memref<40x128xi32, #tpu.memory_space<hbm>>
      tpu.wait_dma2 semaphore(%run_scoped3A : memref<!tpu.dma_semaphore, #tpu.memory_space<semaphore_mem>>) src(%dma_wait3A_130 : memref<40x128xi32, #tpu.memory_space<hbm>>) dst(%arg7 : memref<40x128xi32, #tpu.memory_space<vmem>>)
      tpu.yield
    }) : () -> ()
    %dma_start3A_97 = arith.constant 0 : i32
    %dma_start3A_98 = arith.constant 0 : i32
    %dma_start3A_99 = tpu.memref_slice %arg6[%dma_start3A_97, %dma_start3A_98] : memref<40x128xi32, #tpu.memory_space<vmem>> -> memref<1x128xi32, #tpu.memory_space<vmem>>
    %dma_start3A_100 = tpu.memref_squeeze %dma_start3A_99 : memref<1x128xi32, #tpu.memory_space<vmem>> -> memref<128xi32, #tpu.memory_space<vmem>>
    %dma_start3A_101 = arith.constant 0 : i32
    %dma_start3A_102 = arith.constant 0 : i32
    %dma_start3A_103 = tpu.memref_slice %arg2[%dma_start3A_101, %dma_start3A_102] : memref<10000x128xf32, #tpu.memory_space<hbm>> -> memref<10000x128xf32, #tpu.memory_space<hbm>>
    tpu.enqueue_indirect_dma source(%dma_start3A_103 : memref<10000x128xf32, #tpu.memory_space<hbm>>) target(%arg8 : memref<128x128xf32, #tpu.memory_space<vmem>>) offsets(%dma_start3A_100 : memref<128xi32, #tpu.memory_space<vmem>>) semaphore(%arg11 : memref<!tpu.dma_semaphore, #tpu.memory_space<semaphore_mem>>)
    %scan3A_104 = arith.constant 0 : i32
    %scan3A_105 = arith.constant 0 : i32
    %scan3A_106 = arith.constant 20 : i32
    %scan3A_107 = arith.addi %scan3A_105, %scan3A_106 : i32
    %scan3A_108 = arith.constant 1 : i32
    scf.for %scan3A_115 = %scan3A_105 to %scan3A_107 step %scan3A_108  : i32 {
      %mul3A_116 = arith.constant 2 : i32
      %mul3A_117 = arith.muli %mul3A_116, %scan3A_115 : i32
      %add3A_118 = arith.constant 1 : i32
      %add3A_119 = arith.addi %mul3A_117, %add3A_118 : i32
      %dma_start3A_120 = arith.constant 0 : i32
      %dma_start3A_121 = tpu.memref_slice %arg6[%add3A_119, %dma_start3A_120] : memref<40x128xi32, #tpu.memory_space<vmem>> -> memref<1x128xi32, #tpu.memory_space<vmem>>
      %dma_start3A_122 = tpu.memref_squeeze %dma_start3A_121 : memref<1x128xi32, #tpu.memory_space<vmem>> -> memref<128xi32, #tpu.memory_space<vmem>>
      %dma_start3A_123 = arith.constant 0 : i32
      %dma_start3A_124 = arith.constant 0 : i32
      %dma_start3A_125 = tpu.memref_slice %arg2[%dma_start3A_123, %dma_start3A_124] : memref<10000x128xf32, #tpu.memory_space<hbm>> -> memref<10000x128xf32, #tpu.memory_space<hbm>>
      tpu.enqueue_indirect_dma source(%dma_start3A_125 : memref<10000x128xf32, #tpu.memory_space<hbm>>) target(%arg9 : memref<128x128xf32, #tpu.memory_space<vmem>>) offsets(%dma_start3A_122 : memref<128xi32, #tpu.memory_space<vmem>>) semaphore(%arg12 : memref<!tpu.dma_semaphore, #tpu.memory_space<semaphore_mem>>)
      %dma_wait3A_126 = arith.constant 0 : i32
      %dma_wait3A_127 = tpu.memref_slice %arg6[%mul3A_117, %dma_wait3A_126] : memref<40x128xi32, #tpu.memory_space<vmem>> -> memref<1x128xi32, #tpu.memory_space<vmem>>
      %dma_wait3A_128 = tpu.memref_squeeze %dma_wait3A_127 : memref<1x128xi32, #tpu.memory_space<vmem>> -> memref<128xi32, #tpu.memory_space<vmem>>
      %dma_wait3A_129 = arith.constant 0 : i32
      %dma_wait3A_130 = arith.constant 0 : i32
      %dma_wait3A_131 = tpu.memref_slice %arg2[%dma_wait3A_129, %dma_wait3A_130] : memref<10000x128xf32, #tpu.memory_space<hbm>> -> memref<10000x128xf32, #tpu.memory_space<hbm>>
      tpu.wait_indirect_dma semaphore(%arg11 : memref<!tpu.dma_semaphore, #tpu.memory_space<semaphore_mem>>) src(%dma_wait3A_131 : memref<10000x128xf32, #tpu.memory_space<hbm>>) dst(%arg8 : memref<128x128xf32, #tpu.memory_space<vmem>>)
      "tpu.region"() ({
        %run_scoped3A = tpu.sem_alloc : memref<!tpu.dma_semaphore, #tpu.memory_space<semaphore_mem>>
        %dma_start3A_146 = arith.constant 0 : i32
        %dma_start3A_147 = tpu.memref_slice %arg7[%mul3A_117, %dma_start3A_146] : memref<40x128xi32, #tpu.memory_space<vmem>> -> memref<1x128xi32, #tpu.memory_space<vmem>>
        %dma_start3A_148 = tpu.memref_squeeze %dma_start3A_147 : memref<1x128xi32, #tpu.memory_space<vmem>> -> memref<128xi32, #tpu.memory_space<vmem>>
        %dma_start3A_149 = arith.constant 0 : i32
        %dma_start3A_150 = arith.constant 0 : i32
        %dma_start3A_151 = tpu.memref_slice %arg10[%dma_start3A_149, %dma_start3A_150] : memref<10240x128xf32, #tpu.memory_space<vmem_shared>> -> memref<10240x128xf32, #tpu.memory_space<vmem_shared>>
        tpu.enqueue_indirect_dma source(%arg8 : memref<128x128xf32, #tpu.memory_space<vmem>>) target(%dma_start3A_151 : memref<10240x128xf32, #tpu.memory_space<vmem_shared>>) offsets(%dma_start3A_148 : memref<128xi32, #tpu.memory_space<vmem>>) semaphore(%run_scoped3A : memref<!tpu.dma_semaphore, #tpu.memory_space<semaphore_mem>>) {add = true}
        %dma_wait3A_152 = arith.constant 0 : i32
        %dma_wait3A_153 = tpu.memref_slice %arg7[%mul3A_117, %dma_wait3A_152] : memref<40x128xi32, #tpu.memory_space<vmem>> -> memref<1x128xi32, #tpu.memory_space<vmem>>
        %dma_wait3A_154 = tpu.memref_squeeze %dma_wait3A_153 : memref<1x128xi32, #tpu.memory_space<vmem>> -> memref<128xi32, #tpu.memory_space<vmem>>
        %dma_wait3A_155 = arith.constant 0 : i32
        %dma_wait3A_156 = arith.constant 0 : i32
        %dma_wait3A_157 = tpu.memref_slice %arg10[%dma_wait3A_155, %dma_wait3A_156] : memref<10240x128xf32, #tpu.memory_space<vmem_shared>> -> memref<10240x128xf32, #tpu.memory_space<vmem_shared>>
        tpu.wait_indirect_dma semaphore(%run_scoped3A : memref<!tpu.dma_semaphore, #tpu.memory_space<semaphore_mem>>) src(%arg8 : memref<128x128xf32, #tpu.memory_space<vmem>>) dst(%dma_wait3A_157 : memref<10240x128xf32, #tpu.memory_space<vmem_shared>>)
        tpu.yield
      }) : () -> ()
      %add3A_132 = arith.constant 2 : i32
      %add3A_133 = arith.addi %mul3A_117, %add3A_132 : i32
      %lt3A = arith.constant 40 : i32
      %lt3A_134 = arith.cmpi slt, %add3A_133, %lt3A : i32
      %convert_element_type3A = arith.extui %lt3A_134 : i1 to i32
      %cond3A = arith.constant 0 : i32
      %cond3A_135 = arith.cmpi ne, %convert_element_type3A, %cond3A : i32
      scf.if %cond3A_135 {
        %add3A_146 = arith.constant 2 : i32
        %add3A_147 = arith.addi %mul3A_117, %add3A_146 : i32
        %dma_start3A_148 = arith.constant 0 : i32
        %dma_start3A_149 = tpu.memref_slice %arg6[%add3A_147, %dma_start3A_148] : memref<40x128xi32, #tpu.memory_space<vmem>> -> memref<1x128xi32, #tpu.memory_space<vmem>>
        %dma_start3A_150 = tpu.memref_squeeze %dma_start3A_149 : memref<1x128xi32, #tpu.memory_space<vmem>> -> memref<128xi32, #tpu.memory_space<vmem>>
        %dma_start3A_151 = arith.constant 0 : i32
        %dma_start3A_152 = arith.constant 0 : i32
        %dma_start3A_153 = tpu.memref_slice %arg2[%dma_start3A_151, %dma_start3A_152] : memref<10000x128xf32, #tpu.memory_space<hbm>> -> memref<10000x128xf32, #tpu.memory_space<hbm>>
        tpu.enqueue_indirect_dma source(%dma_start3A_153 : memref<10000x128xf32, #tpu.memory_space<hbm>>) target(%arg8 : memref<128x128xf32, #tpu.memory_space<vmem>>) offsets(%dma_start3A_150 : memref<128xi32, #tpu.memory_space<vmem>>) semaphore(%arg11 : memref<!tpu.dma_semaphore, #tpu.memory_space<semaphore_mem>>)
      } else {
      }
      %add3A_136 = arith.constant 1 : i32
      %add3A_137 = arith.addi %mul3A_117, %add3A_136 : i32
      %dma_wait3A_138 = arith.constant 0 : i32
      %dma_wait3A_139 = tpu.memref_slice %arg6[%add3A_137, %dma_wait3A_138] : memref<40x128xi32, #tpu.memory_space<vmem>> -> memref<1x128xi32, #tpu.memory_space<vmem>>
      %dma_wait3A_140 = tpu.memref_squeeze %dma_wait3A_139 : memref<1x128xi32, #tpu.memory_space<vmem>> -> memref<128xi32, #tpu.memory_space<vmem>>
      %dma_wait3A_141 = arith.constant 0 : i32
      %dma_wait3A_142 = arith.constant 0 : i32
      %dma_wait3A_143 = tpu.memref_slice %arg2[%dma_wait3A_141, %dma_wait3A_142] : memref<10000x128xf32, #tpu.memory_space<hbm>> -> memref<10000x128xf32, #tpu.memory_space<hbm>>
      tpu.wait_indirect_dma semaphore(%arg12 : memref<!tpu.dma_semaphore, #tpu.memory_space<semaphore_mem>>) src(%dma_wait3A_143 : memref<10000x128xf32, #tpu.memory_space<hbm>>) dst(%arg9 : memref<128x128xf32, #tpu.memory_space<vmem>>)
      %add3A_144 = arith.constant 1 : i32
      %add3A_145 = arith.addi %mul3A_117, %add3A_144 : i32
      "tpu.region"() ({
        %run_scoped3A = tpu.sem_alloc : memref<!tpu.dma_semaphore, #tpu.memory_space<semaphore_mem>>
        %dma_start3A_146 = arith.constant 0 : i32
        %dma_start3A_147 = tpu.memref_slice %arg7[%add3A_145, %dma_start3A_146] : memref<40x128xi32, #tpu.memory_space<vmem>> -> memref<1x128xi32, #tpu.memory_space<vmem>>
        %dma_start3A_148 = tpu.memref_squeeze %dma_start3A_147 : memref<1x128xi32, #tpu.memory_space<vmem>> -> memref<128xi32, #tpu.memory_space<vmem>>
        %dma_start3A_149 = arith.constant 0 : i32
        %dma_start3A_150 = arith.constant 0 : i32
        %dma_start3A_151 = tpu.memref_slice %arg10[%dma_start3A_149, %dma_start3A_150] : memref<10240x128xf32, #tpu.memory_space<vmem_shared>> -> memref<10240x128xf32, #tpu.memory_space<vmem_shared>>
        tpu.enqueue_indirect_dma source(%arg9 : memref<128x128xf32, #tpu.memory_space<vmem>>) target(%dma_start3A_151 : memref<10240x128xf32, #tpu.memory_space<vmem_shared>>) offsets(%dma_start3A_148 : memref<128xi32, #tpu.memory_space<vmem>>) semaphore(%run_scoped3A : memref<!tpu.dma_semaphore, #tpu.memory_space<semaphore_mem>>) {add = true}
        %dma_wait3A_152 = arith.constant 0 : i32
        %dma_wait3A_153 = tpu.memref_slice %arg7[%add3A_145, %dma_wait3A_152] : memref<40x128xi32, #tpu.memory_space<vmem>> -> memref<1x128xi32, #tpu.memory_space<vmem>>
        %dma_wait3A_154 = tpu.memref_squeeze %dma_wait3A_153 : memref<1x128xi32, #tpu.memory_space<vmem>> -> memref<128xi32, #tpu.memory_space<vmem>>
        %dma_wait3A_155 = arith.constant 0 : i32
        %dma_wait3A_156 = arith.constant 0 : i32
        %dma_wait3A_157 = tpu.memref_slice %arg10[%dma_wait3A_155, %dma_wait3A_156] : memref<10240x128xf32, #tpu.memory_space<vmem_shared>> -> memref<10240x128xf32, #tpu.memory_space<vmem_shared>>
        tpu.wait_indirect_dma semaphore(%run_scoped3A : memref<!tpu.dma_semaphore, #tpu.memory_space<semaphore_mem>>) src(%arg9 : memref<128x128xf32, #tpu.memory_space<vmem>>) dst(%dma_wait3A_157 : memref<10240x128xf32, #tpu.memory_space<vmem_shared>>)
        tpu.yield
      }) : () -> ()
    }
    %scan3A_109 = arith.constant 20 : i32
    %barrier3A_110 = arith.constant 0 : index
    tpu.barrier barrier_id(%barrier3A_110)
    %mul3A_111 = arith.constant 640 : i32
    %mul3A_112 = arith.muli %arg1, %mul3A_111 : i32
    %mul3A_113 = arith.constant 640 : i32
    %mul3A_114 = arith.muli %arg1, %mul3A_113 : i32
    "tpu.region"() ({
      %run_scoped3A = tpu.sem_alloc : memref<!tpu.dma_semaphore, #tpu.memory_space<semaphore_mem>>
      %dma_start3A_115 = arith.constant 0 : i32
      %dma_start3A_116 = tpu.memref_slice %arg5[%arg0, %mul3A_114, %dma_start3A_115] : memref<2x10240x128xf32, #tpu.memory_space<hbm>> -> memref<1x640x128xf32, #tpu.memory_space<hbm>>
      %dma_start3A_117 = tpu.memref_squeeze %dma_start3A_116 : memref<1x640x128xf32, #tpu.memory_space<hbm>> -> memref<640x128xf32, #tpu.memory_space<hbm>>
      %dma_start3A_118 = arith.constant 0 : i32
      %dma_start3A_119 = tpu.memref_slice %arg10[%mul3A_112, %dma_start3A_118] : memref<10240x128xf32, #tpu.memory_space<vmem_shared>> -> memref<640x128xf32, #tpu.memory_space<vmem_shared>>
      tpu.enqueue_dma source(%dma_start3A_119 : memref<640x128xf32, #tpu.memory_space<vmem_shared>>) target(%dma_start3A_117 : memref<640x128xf32, #tpu.memory_space<hbm>>) target_semaphore(%run_scoped3A : memref<!tpu.dma_semaphore, #tpu.memory_space<semaphore_mem>>)
      %dma_wait3A_120 = arith.constant 0 : i32
      %dma_wait3A_121 = tpu.memref_slice %arg5[%arg0, %mul3A_114, %dma_wait3A_120] : memref<2x10240x128xf32, #tpu.memory_space<hbm>> -> memref<1x640x128xf32, #tpu.memory_space<hbm>>
      %dma_wait3A_122 = tpu.memref_squeeze %dma_wait3A_121 : memref<1x640x128xf32, #tpu.memory_space<hbm>> -> memref<640x128xf32, #tpu.memory_space<hbm>>
      %dma_wait3A_123 = arith.constant 0 : i32
      %dma_wait3A_124 = tpu.memref_slice %arg10[%mul3A_112, %dma_wait3A_123] : memref<10240x128xf32, #tpu.memory_space<vmem_shared>> -> memref<640x128xf32, #tpu.memory_space<vmem_shared>>
      tpu.wait_dma2 semaphore(%run_scoped3A : memref<!tpu.dma_semaphore, #tpu.memory_space<semaphore_mem>>) src(%dma_wait3A_124 : memref<640x128xf32, #tpu.memory_space<vmem_shared>>) dst(%dma_wait3A_122 : memref<640x128xf32, #tpu.memory_space<hbm>>)
      tpu.yield
    }) : () -> ()
    return
  }
}

#map = affine_map<(d0, d1) -> (0, 0)>
#map1 = affine_map<(d0, d1) -> (0, 0, 0)>
module attributes {stable_mosaic.version = 14 : i64} {
  func.func @_scatter_body(%arg0: i32, %arg1: i32, %arg2: memref<10000x128xf32, #tpu.memory_space<hbm>>, %arg3: memref<32x80x128xi32, #tpu.memory_space<hbm>>, %arg4: memref<32x80x128xi32, #tpu.memory_space<hbm>>, %arg5: memref<2x10240x128xf32, #tpu.memory_space<hbm>>, %arg6: memref<40x128xi32, #tpu.memory_space<vmem>>, %arg7: memref<40x128xi32, #tpu.memory_space<vmem>>, %arg8: memref<128x128xf32, #tpu.memory_space<vmem>>, %arg9: memref<128x128xf32, #tpu.memory_space<vmem>>, %arg10: memref<10240x128xf32, #tpu.memory_space<vmem_shared>>, %arg11: memref<!tpu.dma_semaphore, #tpu.memory_space<semaphore_mem>>, %arg12: memref<!tpu.dma_semaphore, #tpu.memory_space<semaphore_mem>>) attributes {dimension_semantics = [#tpu.dimension_semantics<core_parallel>, #tpu.dimension_semantics<subcore_parallel>], iteration_bounds = array<i64: 2, 16>, scalar_prefetch = 0 : i64, scratch_operands = 7 : i64, tpu.core_type = #tpu.core_type<sc_vector_subcore>, window_params = [{transform_indices = #map}, {transform_indices = #map1}, {transform_indices = #map1}, {transform_indices = #map1}]} {
    %mul3A = arith.constant 16 : i32
    %mul3A_0 = arith.muli %arg0, %mul3A : i32
    %add3A = arith.addi %mul3A_0, %arg1 : i32
    "tpu.region"() ({
      %run_scoped3A = tpu.sem_alloc : memref<!tpu.dma_semaphore, #tpu.memory_space<semaphore_mem>>
      %dma_start3A_115 = arith.constant 0 : i32
      %dma_start3A_116 = arith.constant 0 : i32
      %dma_start3A_117 = tpu.memref_slice %arg3[%add3A, %dma_start3A_115, %dma_start3A_116] : memref<32x80x128xi32, #tpu.memory_space<hbm>> -> memref<1x40x128xi32, #tpu.memory_space<hbm>>
      %dma_start3A_118 = tpu.memref_squeeze %dma_start3A_117 : memref<1x40x128xi32, #tpu.memory_space<hbm>> -> memref<40x128xi32, #tpu.memory_space<hbm>>
      %dma_start3A_119 = arith.constant 0 : i32
      %dma_start3A_120 = arith.constant 0 : i32
      %dma_start3A_121 = tpu.memref_slice %arg3[%add3A, %dma_start3A_119, %dma_start3A_120] : memref<32x80x128xi32, #tpu.memory_space<hbm>> -> memref<1x40x128xi32, #tpu.memory_space<hbm>>
      %dma_start3A_122 = tpu.memref_squeeze %dma_start3A_121 : memref<1x40x128xi32, #tpu.memory_space<hbm>> -> memref<40x128xi32, #tpu.memory_space<hbm>>
      tpu.enqueue_dma source(%dma_start3A_122 : memref<40x128xi32, #tpu.memory_space<hbm>>) target(%arg6 : memref<40x128xi32, #tpu.memory_space<vmem>>) target_semaphore(%run_scoped3A : memref<!tpu.dma_semaphore, #tpu.memory_space<semaphore_mem>>)
      %dma_wait3A_123 = arith.constant 0 : i32
      %dma_wait3A_124 = arith.constant 0 : i32
      %dma_wait3A_125 = tpu.memref_slice %arg3[%add3A, %dma_wait3A_123, %dma_wait3A_124] : memref<32x80x128xi32, #tpu.memory_space<hbm>> -> memref<1x40x128xi32, #tpu.memory_space<hbm>>
      %dma_wait3A_126 = tpu.memref_squeeze %dma_wait3A_125 : memref<1x40x128xi32, #tpu.memory_space<hbm>> -> memref<40x128xi32, #tpu.memory_space<hbm>>
      %dma_wait3A_127 = arith.constant 0 : i32
      %dma_wait3A_128 = arith.constant 0 : i32
      %dma_wait3A_129 = tpu.memref_slice %arg3[%add3A, %dma_wait3A_127, %dma_wait3A_128] : memref<32x80x128xi32, #tpu.memory_space<hbm>> -> memref<1x40x128xi32, #tpu.memory_space<hbm>>
      %dma_wait3A_130 = tpu.memref_squeeze %dma_wait3A_129 : memref<1x40x128xi32, #tpu.memory_space<hbm>> -> memref<40x128xi32, #tpu.memory_space<hbm>>
      tpu.wait_dma2 semaphore(%run_scoped3A : memref<!tpu.dma_semaphore, #tpu.memory_space<semaphore_mem>>) src(%dma_wait3A_130 : memref<40x128xi32, #tpu.memory_space<hbm>>) dst(%arg6 : memref<40x128xi32, #tpu.memory_space<vmem>>)
      tpu.yield
    }) : () -> ()
    "tpu.region"() ({
      %run_scoped3A = tpu.sem_alloc : memref<!tpu.dma_semaphore, #tpu.memory_space<semaphore_mem>>
      %dma_start3A_115 = arith.constant 0 : i32
      %dma_start3A_116 = arith.constant 0 : i32
      %dma_start3A_117 = tpu.memref_slice %arg4[%add3A, %dma_start3A_115, %dma_start3A_116] : memref<32x80x128xi32, #tpu.memory_space<hbm>> -> memref<1x40x128xi32, #tpu.memory_space<hbm>>
      %dma_start3A_118 = tpu.memref_squeeze %dma_start3A_117 : memref<1x40x128xi32, #tpu.memory_space<hbm>> -> memref<40x128xi32, #tpu.memory_space<hbm>>
      %dma_start3A_119 = arith.constant 0 : i32
      %dma_start3A_120 = arith.constant 0 : i32
      %dma_start3A_121 = tpu.memref_slice %arg4[%add3A, %dma_start3A_119, %dma_start3A_120] : memref<32x80x128xi32, #tpu.memory_space<hbm>> -> memref<1x40x128xi32, #tpu.memory_space<hbm>>
      %dma_start3A_122 = tpu.memref_squeeze %dma_start3A_121 : memref<1x40x128xi32, #tpu.memory_space<hbm>> -> memref<40x128xi32, #tpu.memory_space<hbm>>
      tpu.enqueue_dma source(%dma_start3A_122 : memref<40x128xi32, #tpu.memory_space<hbm>>) target(%arg7 : memref<40x128xi32, #tpu.memory_space<vmem>>) target_semaphore(%run_scoped3A : memref<!tpu.dma_semaphore, #tpu.memory_space<semaphore_mem>>)
      %dma_wait3A_123 = arith.constant 0 : i32
      %dma_wait3A_124 = arith.constant 0 : i32
      %dma_wait3A_125 = tpu.memref_slice %arg4[%add3A, %dma_wait3A_123, %dma_wait3A_124] : memref<32x80x128xi32, #tpu.memory_space<hbm>> -> memref<1x40x128xi32, #tpu.memory_space<hbm>>
      %dma_wait3A_126 = tpu.memref_squeeze %dma_wait3A_125 : memref<1x40x128xi32, #tpu.memory_space<hbm>> -> memref<40x128xi32, #tpu.memory_space<hbm>>
      %dma_wait3A_127 = arith.constant 0 : i32
      %dma_wait3A_128 = arith.constant 0 : i32
      %dma_wait3A_129 = tpu.memref_slice %arg4[%add3A, %dma_wait3A_127, %dma_wait3A_128] : memref<32x80x128xi32, #tpu.memory_space<hbm>> -> memref<1x40x128xi32, #tpu.memory_space<hbm>>
      %dma_wait3A_130 = tpu.memref_squeeze %dma_wait3A_129 : memref<1x40x128xi32, #tpu.memory_space<hbm>> -> memref<40x128xi32, #tpu.memory_space<hbm>>
      tpu.wait_dma2 semaphore(%run_scoped3A : memref<!tpu.dma_semaphore, #tpu.memory_space<semaphore_mem>>) src(%dma_wait3A_130 : memref<40x128xi32, #tpu.memory_space<hbm>>) dst(%arg7 : memref<40x128xi32, #tpu.memory_space<vmem>>)
      tpu.yield
    }) : () -> ()
    %dma_start3A = arith.constant 0 : i32
    %dma_start3A_1 = arith.constant 0 : i32
    %dma_start3A_2 = tpu.memref_slice %arg6[%dma_start3A, %dma_start3A_1] : memref<40x128xi32, #tpu.memory_space<vmem>> -> memref<1x128xi32, #tpu.memory_space<vmem>>
    %dma_start3A_3 = tpu.memref_squeeze %dma_start3A_2 : memref<1x128xi32, #tpu.memory_space<vmem>> -> memref<128xi32, #tpu.memory_space<vmem>>
    %dma_start3A_4 = arith.constant 0 : i32
    %dma_start3A_5 = arith.constant 0 : i32
    %dma_start3A_6 = tpu.memref_slice %arg2[%dma_start3A_4, %dma_start3A_5] : memref<10000x128xf32, #tpu.memory_space<hbm>> -> memref<10000x128xf32, #tpu.memory_space<hbm>>
    tpu.enqueue_indirect_dma source(%dma_start3A_6 : memref<10000x128xf32, #tpu.memory_space<hbm>>) target(%arg8 : memref<128x128xf32, #tpu.memory_space<vmem>>) offsets(%dma_start3A_3 : memref<128xi32, #tpu.memory_space<vmem>>) semaphore(%arg11 : memref<!tpu.dma_semaphore, #tpu.memory_space<semaphore_mem>>)
    %scan3A = arith.constant 0 : i32
    %scan3A_7 = arith.constant 0 : i32
    %scan3A_8 = arith.constant 1024 : i32
    %scan3A_9 = arith.addi %scan3A_7, %scan3A_8 : i32
    %scan3A_10 = arith.constant 1 : i32
    scf.for %scan3A_115 = %scan3A_7 to %scan3A_9 step %scan3A_10  : i32 {
      %jit3A = arith.constant 8 : i32
      %div3A = arith.divsi %scan3A_115, %jit3A : i32
      %sign3A = arith.constant 0 : i32
      %sign3A_116 = arith.cmpi sgt, %scan3A_115, %sign3A : i32
      %sign3A_117 = arith.extui %sign3A_116 : i1 to i32
      %sign3A_118 = arith.constant 0 : i32
      %sign3A_119 = arith.cmpi slt, %scan3A_115, %sign3A_118 : i32
      %sign3A_120 = arith.extui %sign3A_119 : i1 to i32
      %sign3A_121 = arith.subi %sign3A_117, %sign3A_120 : i32
      %sign3A_122 = arith.constant 0 : i32
      %sign3A_123 = arith.cmpi sgt, %jit3A, %sign3A_122 : i32
      %sign3A_124 = arith.extui %sign3A_123 : i1 to i32
      %sign3A_125 = arith.constant 0 : i32
      %sign3A_126 = arith.cmpi slt, %jit3A, %sign3A_125 : i32
      %sign3A_127 = arith.extui %sign3A_126 : i1 to i32
      %sign3A_128 = arith.subi %sign3A_124, %sign3A_127 : i32
      %ne3A = arith.cmpi ne, %sign3A_121, %sign3A_128 : i32
      %rem3A = arith.remsi %scan3A_115, %jit3A : i32
      %ne3A_129 = arith.constant 0 : i32
      %ne3A_130 = arith.cmpi ne, %rem3A, %ne3A_129 : i32
      %and3A = arith.andi %ne3A, %ne3A_130 : i1
      %sub3A = arith.constant 1 : i32
      %sub3A_131 = arith.subi %div3A, %sub3A : i32
      %select_n3A = arith.select %and3A, %sub3A_131, %div3A : i32
      %jit3A_132 = arith.constant 8 : i32
      %eq3A = arith.constant 0 : i32
      %eq3A_133 = arith.cmpi eq, %jit3A_132, %eq3A : i32
      %jit3A_134 = arith.constant 1 : i32
      %select_n3A_135 = arith.select %eq3A_133, %jit3A_134, %jit3A_132 : i32
      %rem3A_136 = arith.remsi %scan3A_115, %select_n3A_135 : i32
      %ne3A_137 = arith.constant 0 : i32
      %ne3A_138 = arith.cmpi ne, %rem3A_136, %ne3A_137 : i32
      %lt3A = arith.constant 0 : i32
      %lt3A_139 = arith.cmpi slt, %rem3A_136, %lt3A : i32
      %lt3A_140 = arith.constant 0 : i32
      %lt3A_141 = arith.cmpi slt, %select_n3A_135, %lt3A_140 : i32
      %ne3A_142 = arith.xori %lt3A_139, %lt3A_141 : i1
      %and3A_143 = arith.andi %ne3A_142, %ne3A_138 : i1
      %add3A_144 = arith.addi %rem3A_136, %select_n3A_135 : i32
      %select_n3A_145 = arith.select %and3A_143, %add3A_144, %rem3A_136 : i32
      %mul3A_146 = arith.constant 16 : i32
      %mul3A_147 = arith.muli %select_n3A_145, %mul3A_146 : i32
      %broadcast_in_dim3A = arith.constant 0.000000e+00 : f32
      %broadcast_in_dim3A_148 = vector.broadcast %broadcast_in_dim3A : f32 to vector<16xf32>
      %swap3A = arith.index_cast %select_n3A : i32 to index
      %swap3A_149 = arith.index_cast %mul3A_147 : i32 to index
      %swap3A_150 = tpu.vector_load %arg9[%swap3A, %swap3A_149] {strides = array<i32>} : memref<128x128xf32, #tpu.memory_space<vmem>>, vector<1x16xf32>,
      %swap3A_151 = vector.shape_cast %swap3A_150 : vector<1x16xf32> to vector<16xf32>
      %swap3A_152 = vector.shape_cast %broadcast_in_dim3A_148 : vector<16xf32> to vector<1x16xf32>
      tpu.vector_store %arg9[%swap3A, %swap3A_149], %swap3A_152 {strides = array<i32>} : memref<128x128xf32, #tpu.memory_space<vmem>>, vector<1x16xf32>,
    }
    %scan3A_11 = arith.constant 1024 : i32
    %mul3A_12 = arith.constant 640 : i32
    %mul3A_13 = arith.muli %arg1, %mul3A_12 : i32
    %add3A_14 = arith.constant 0 : i32
    %add3A_15 = arith.addi %mul3A_13, %add3A_14 : i32
    %dma_start3A_16 = arith.constant 0 : i32
    %dma_start3A_17 = tpu.memref_slice %arg10[%add3A_15, %dma_start3A_16] : memref<10240x128xf32, #tpu.memory_space<vmem_shared>> -> memref<128x128xf32, #tpu.memory_space<vmem_shared>>
    %dma_start3A_18 = arith.constant 0 : i32
    %dma_start3A_19 = tpu.memref_slice %arg10[%add3A_15, %dma_start3A_18] : memref<10240x128xf32, #tpu.memory_space<vmem_shared>> -> memref<128x128xf32, #tpu.memory_space<vmem_shared>>
    tpu.enqueue_dma source(%arg9 : memref<128x128xf32, #tpu.memory_space<vmem>>) target(%dma_start3A_19 : memref<128x128xf32, #tpu.memory_space<vmem_shared>>) target_semaphore(%arg12 : memref<!tpu.dma_semaphore, #tpu.memory_space<semaphore_mem>>)
    %mul3A_20 = arith.constant 640 : i32
    %mul3A_21 = arith.muli %arg1, %mul3A_20 : i32
    %add3A_22 = arith.constant 128 : i32
    %add3A_23 = arith.addi %mul3A_21, %add3A_22 : i32
    %dma_start3A_24 = arith.constant 0 : i32
    %dma_start3A_25 = tpu.memref_slice %arg10[%add3A_23, %dma_start3A_24] : memref<10240x128xf32, #tpu.memory_space<vmem_shared>> -> memref<128x128xf32, #tpu.memory_space<vmem_shared>>
    %dma_start3A_26 = arith.constant 0 : i32
    %dma_start3A_27 = tpu.memref_slice %arg10[%add3A_23, %dma_start3A_26] : memref<10240x128xf32, #tpu.memory_space<vmem_shared>> -> memref<128x128xf32, #tpu.memory_space<vmem_shared>>
    tpu.enqueue_dma source(%arg9 : memref<128x128xf32, #tpu.memory_space<vmem>>) target(%dma_start3A_27 : memref<128x128xf32, #tpu.memory_space<vmem_shared>>) target_semaphore(%arg12 : memref<!tpu.dma_semaphore, #tpu.memory_space<semaphore_mem>>)
    %mul3A_28 = arith.constant 640 : i32
    %mul3A_29 = arith.muli %arg1, %mul3A_28 : i32
    %add3A_30 = arith.constant 256 : i32
    %add3A_31 = arith.addi %mul3A_29, %add3A_30 : i32
    %dma_start3A_32 = arith.constant 0 : i32
    %dma_start3A_33 = tpu.memref_slice %arg10[%add3A_31, %dma_start3A_32] : memref<10240x128xf32, #tpu.memory_space<vmem_shared>> -> memref<128x128xf32, #tpu.memory_space<vmem_shared>>
    %dma_start3A_34 = arith.constant 0 : i32
    %dma_start3A_35 = tpu.memref_slice %arg10[%add3A_31, %dma_start3A_34] : memref<10240x128xf32, #tpu.memory_space<vmem_shared>> -> memref<128x128xf32, #tpu.memory_space<vmem_shared>>
    tpu.enqueue_dma source(%arg9 : memref<128x128xf32, #tpu.memory_space<vmem>>) target(%dma_start3A_35 : memref<128x128xf32, #tpu.memory_space<vmem_shared>>) target_semaphore(%arg12 : memref<!tpu.dma_semaphore, #tpu.memory_space<semaphore_mem>>)
    %mul3A_36 = arith.constant 640 : i32
    %mul3A_37 = arith.muli %arg1, %mul3A_36 : i32
    %add3A_38 = arith.constant 384 : i32
    %add3A_39 = arith.addi %mul3A_37, %add3A_38 : i32
    %dma_start3A_40 = arith.constant 0 : i32
    %dma_start3A_41 = tpu.memref_slice %arg10[%add3A_39, %dma_start3A_40] : memref<10240x128xf32, #tpu.memory_space<vmem_shared>> -> memref<128x128xf32, #tpu.memory_space<vmem_shared>>
    %dma_start3A_42 = arith.constant 0 : i32
    %dma_start3A_43 = tpu.memref_slice %arg10[%add3A_39, %dma_start3A_42] : memref<10240x128xf32, #tpu.memory_space<vmem_shared>> -> memref<128x128xf32, #tpu.memory_space<vmem_shared>>
    tpu.enqueue_dma source(%arg9 : memref<128x128xf32, #tpu.memory_space<vmem>>) target(%dma_start3A_43 : memref<128x128xf32, #tpu.memory_space<vmem_shared>>) target_semaphore(%arg12 : memref<!tpu.dma_semaphore, #tpu.memory_space<semaphore_mem>>)
    %mul3A_44 = arith.constant 640 : i32
    %mul3A_45 = arith.muli %arg1, %mul3A_44 : i32
    %add3A_46 = arith.constant 512 : i32
    %add3A_47 = arith.addi %mul3A_45, %add3A_46 : i32
    %dma_start3A_48 = arith.constant 0 : i32
    %dma_start3A_49 = tpu.memref_slice %arg10[%add3A_47, %dma_start3A_48] : memref<10240x128xf32, #tpu.memory_space<vmem_shared>> -> memref<128x128xf32, #tpu.memory_space<vmem_shared>>
    %dma_start3A_50 = arith.constant 0 : i32
    %dma_start3A_51 = tpu.memref_slice %arg10[%add3A_47, %dma_start3A_50] : memref<10240x128xf32, #tpu.memory_space<vmem_shared>> -> memref<128x128xf32, #tpu.memory_space<vmem_shared>>
    tpu.enqueue_dma source(%arg9 : memref<128x128xf32, #tpu.memory_space<vmem>>) target(%dma_start3A_51 : memref<128x128xf32, #tpu.memory_space<vmem_shared>>) target_semaphore(%arg12 : memref<!tpu.dma_semaphore, #tpu.memory_space<semaphore_mem>>)
    %mul3A_52 = arith.constant 640 : i32
    %mul3A_53 = arith.muli %arg1, %mul3A_52 : i32
    %add3A_54 = arith.constant 0 : i32
    %add3A_55 = arith.addi %mul3A_53, %add3A_54 : i32
    %dma_wait3A = arith.constant 0 : i32
    %dma_wait3A_56 = tpu.memref_slice %arg10[%add3A_55, %dma_wait3A] : memref<10240x128xf32, #tpu.memory_space<vmem_shared>> -> memref<128x128xf32, #tpu.memory_space<vmem_shared>>
    %dma_wait3A_57 = arith.constant 0 : i32
    %dma_wait3A_58 = tpu.memref_slice %arg10[%add3A_55, %dma_wait3A_57] : memref<10240x128xf32, #tpu.memory_space<vmem_shared>> -> memref<128x128xf32, #tpu.memory_space<vmem_shared>>
    tpu.wait_dma2 semaphore(%arg12 : memref<!tpu.dma_semaphore, #tpu.memory_space<semaphore_mem>>) src(%arg9 : memref<128x128xf32, #tpu.memory_space<vmem>>) dst(%dma_wait3A_58 : memref<128x128xf32, #tpu.memory_space<vmem_shared>>)
    %mul3A_59 = arith.constant 640 : i32
    %mul3A_60 = arith.muli %arg1, %mul3A_59 : i32
    %add3A_61 = arith.constant 128 : i32
    %add3A_62 = arith.addi %mul3A_60, %add3A_61 : i32
    %dma_wait3A_63 = arith.constant 0 : i32
    %dma_wait3A_64 = tpu.memref_slice %arg10[%add3A_62, %dma_wait3A_63] : memref<10240x128xf32, #tpu.memory_space<vmem_shared>> -> memref<128x128xf32, #tpu.memory_space<vmem_shared>>
    %dma_wait3A_65 = arith.constant 0 : i32
    %dma_wait3A_66 = tpu.memref_slice %arg10[%add3A_62, %dma_wait3A_65] : memref<10240x128xf32, #tpu.memory_space<vmem_shared>> -> memref<128x128xf32, #tpu.memory_space<vmem_shared>>
    tpu.wait_dma2 semaphore(%arg12 : memref<!tpu.dma_semaphore, #tpu.memory_space<semaphore_mem>>) src(%arg9 : memref<128x128xf32, #tpu.memory_space<vmem>>) dst(%dma_wait3A_66 : memref<128x128xf32, #tpu.memory_space<vmem_shared>>)
    %mul3A_67 = arith.constant 640 : i32
    %mul3A_68 = arith.muli %arg1, %mul3A_67 : i32
    %add3A_69 = arith.constant 256 : i32
    %add3A_70 = arith.addi %mul3A_68, %add3A_69 : i32
    %dma_wait3A_71 = arith.constant 0 : i32
    %dma_wait3A_72 = tpu.memref_slice %arg10[%add3A_70, %dma_wait3A_71] : memref<10240x128xf32, #tpu.memory_space<vmem_shared>> -> memref<128x128xf32, #tpu.memory_space<vmem_shared>>
    %dma_wait3A_73 = arith.constant 0 : i32
    %dma_wait3A_74 = tpu.memref_slice %arg10[%add3A_70, %dma_wait3A_73] : memref<10240x128xf32, #tpu.memory_space<vmem_shared>> -> memref<128x128xf32, #tpu.memory_space<vmem_shared>>
    tpu.wait_dma2 semaphore(%arg12 : memref<!tpu.dma_semaphore, #tpu.memory_space<semaphore_mem>>) src(%arg9 : memref<128x128xf32, #tpu.memory_space<vmem>>) dst(%dma_wait3A_74 : memref<128x128xf32, #tpu.memory_space<vmem_shared>>)
    %mul3A_75 = arith.constant 640 : i32
    %mul3A_76 = arith.muli %arg1, %mul3A_75 : i32
    %add3A_77 = arith.constant 384 : i32
    %add3A_78 = arith.addi %mul3A_76, %add3A_77 : i32
    %dma_wait3A_79 = arith.constant 0 : i32
    %dma_wait3A_80 = tpu.memref_slice %arg10[%add3A_78, %dma_wait3A_79] : memref<10240x128xf32, #tpu.memory_space<vmem_shared>> -> memref<128x128xf32, #tpu.memory_space<vmem_shared>>
    %dma_wait3A_81 = arith.constant 0 : i32
    %dma_wait3A_82 = tpu.memref_slice %arg10[%add3A_78, %dma_wait3A_81] : memref<10240x128xf32, #tpu.memory_space<vmem_shared>> -> memref<128x128xf32, #tpu.memory_space<vmem_shared>>
    tpu.wait_dma2 semaphore(%arg12 : memref<!tpu.dma_semaphore, #tpu.memory_space<semaphore_mem>>) src(%arg9 : memref<128x128xf32, #tpu.memory_space<vmem>>) dst(%dma_wait3A_82 : memref<128x128xf32, #tpu.memory_space<vmem_shared>>)
    %mul3A_83 = arith.constant 640 : i32
    %mul3A_84 = arith.muli %arg1, %mul3A_83 : i32
    %add3A_85 = arith.constant 512 : i32
    %add3A_86 = arith.addi %mul3A_84, %add3A_85 : i32
    %dma_wait3A_87 = arith.constant 0 : i32
    %dma_wait3A_88 = tpu.memref_slice %arg10[%add3A_86, %dma_wait3A_87] : memref<10240x128xf32, #tpu.memory_space<vmem_shared>> -> memref<128x128xf32, #tpu.memory_space<vmem_shared>>
    %dma_wait3A_89 = arith.constant 0 : i32
    %dma_wait3A_90 = tpu.memref_slice %arg10[%add3A_86, %dma_wait3A_89] : memref<10240x128xf32, #tpu.memory_space<vmem_shared>> -> memref<128x128xf32, #tpu.memory_space<vmem_shared>>
    tpu.wait_dma2 semaphore(%arg12 : memref<!tpu.dma_semaphore, #tpu.memory_space<semaphore_mem>>) src(%arg9 : memref<128x128xf32, #tpu.memory_space<vmem>>) dst(%dma_wait3A_90 : memref<128x128xf32, #tpu.memory_space<vmem_shared>>)
    %barrier3A = arith.constant 0 : index
    tpu.barrier barrier_id(%barrier3A)
    %scan3A_91 = arith.constant 0 : i32
    %scan3A_92 = arith.constant 0 : i32
    %scan3A_93 = arith.constant 20 : i32
    %scan3A_94 = arith.addi %scan3A_92, %scan3A_93 : i32
    %scan3A_95 = arith.constant 1 : i32
    scf.for %scan3A_115 = %scan3A_92 to %scan3A_94 step %scan3A_95  : i32 {
      %mul3A_116 = arith.constant 2 : i32
      %mul3A_117 = arith.muli %mul3A_116, %scan3A_115 : i32
      %add3A_118 = arith.constant 1 : i32
      %add3A_119 = arith.addi %mul3A_117, %add3A_118 : i32
      %dma_start3A_120 = arith.constant 0 : i32
      %dma_start3A_121 = tpu.memref_slice %arg6[%add3A_119, %dma_start3A_120] : memref<40x128xi32, #tpu.memory_space<vmem>> -> memref<1x128xi32, #tpu.memory_space<vmem>>
      %dma_start3A_122 = tpu.memref_squeeze %dma_start3A_121 : memref<1x128xi32, #tpu.memory_space<vmem>> -> memref<128xi32, #tpu.memory_space<vmem>>
      %dma_start3A_123 = arith.constant 0 : i32
      %dma_start3A_124 = arith.constant 0 : i32
      %dma_start3A_125 = tpu.memref_slice %arg2[%dma_start3A_123, %dma_start3A_124] : memref<10000x128xf32, #tpu.memory_space<hbm>> -> memref<10000x128xf32, #tpu.memory_space<hbm>>
      tpu.enqueue_indirect_dma source(%dma_start3A_125 : memref<10000x128xf32, #tpu.memory_space<hbm>>) target(%arg9 : memref<128x128xf32, #tpu.memory_space<vmem>>) offsets(%dma_start3A_122 : memref<128xi32, #tpu.memory_space<vmem>>) semaphore(%arg12 : memref<!tpu.dma_semaphore, #tpu.memory_space<semaphore_mem>>)
      %dma_wait3A_126 = arith.constant 0 : i32
      %dma_wait3A_127 = tpu.memref_slice %arg6[%mul3A_117, %dma_wait3A_126] : memref<40x128xi32, #tpu.memory_space<vmem>> -> memref<1x128xi32, #tpu.memory_space<vmem>>
      %dma_wait3A_128 = tpu.memref_squeeze %dma_wait3A_127 : memref<1x128xi32, #tpu.memory_space<vmem>> -> memref<128xi32, #tpu.memory_space<vmem>>
      %dma_wait3A_129 = arith.constant 0 : i32
      %dma_wait3A_130 = arith.constant 0 : i32
      %dma_wait3A_131 = tpu.memref_slice %arg2[%dma_wait3A_129, %dma_wait3A_130] : memref<10000x128xf32, #tpu.memory_space<hbm>> -> memref<10000x128xf32, #tpu.memory_space<hbm>>
      tpu.wait_indirect_dma semaphore(%arg11 : memref<!tpu.dma_semaphore, #tpu.memory_space<semaphore_mem>>) src(%dma_wait3A_131 : memref<10000x128xf32, #tpu.memory_space<hbm>>) dst(%arg8 : memref<128x128xf32, #tpu.memory_space<vmem>>)
      "tpu.region"() ({
        %run_scoped3A = tpu.sem_alloc : memref<!tpu.dma_semaphore, #tpu.memory_space<semaphore_mem>>
        %dma_start3A_146 = arith.constant 0 : i32
        %dma_start3A_147 = tpu.memref_slice %arg7[%mul3A_117, %dma_start3A_146] : memref<40x128xi32, #tpu.memory_space<vmem>> -> memref<1x128xi32, #tpu.memory_space<vmem>>
        %dma_start3A_148 = tpu.memref_squeeze %dma_start3A_147 : memref<1x128xi32, #tpu.memory_space<vmem>> -> memref<128xi32, #tpu.memory_space<vmem>>
        %dma_start3A_149 = arith.constant 0 : i32
        %dma_start3A_150 = arith.constant 0 : i32
        %dma_start3A_151 = tpu.memref_slice %arg10[%dma_start3A_149, %dma_start3A_150] : memref<10240x128xf32, #tpu.memory_space<vmem_shared>> -> memref<10240x128xf32, #tpu.memory_space<vmem_shared>>
        tpu.enqueue_indirect_dma source(%arg8 : memref<128x128xf32, #tpu.memory_space<vmem>>) target(%dma_start3A_151 : memref<10240x128xf32, #tpu.memory_space<vmem_shared>>) offsets(%dma_start3A_148 : memref<128xi32, #tpu.memory_space<vmem>>) semaphore(%run_scoped3A : memref<!tpu.dma_semaphore, #tpu.memory_space<semaphore_mem>>) {add = true}
        %dma_wait3A_152 = arith.constant 0 : i32
        %dma_wait3A_153 = tpu.memref_slice %arg7[%mul3A_117, %dma_wait3A_152] : memref<40x128xi32, #tpu.memory_space<vmem>> -> memref<1x128xi32, #tpu.memory_space<vmem>>
        %dma_wait3A_154 = tpu.memref_squeeze %dma_wait3A_153 : memref<1x128xi32, #tpu.memory_space<vmem>> -> memref<128xi32, #tpu.memory_space<vmem>>
        %dma_wait3A_155 = arith.constant 0 : i32
        %dma_wait3A_156 = arith.constant 0 : i32
        %dma_wait3A_157 = tpu.memref_slice %arg10[%dma_wait3A_155, %dma_wait3A_156] : memref<10240x128xf32, #tpu.memory_space<vmem_shared>> -> memref<10240x128xf32, #tpu.memory_space<vmem_shared>>
        tpu.wait_indirect_dma semaphore(%run_scoped3A : memref<!tpu.dma_semaphore, #tpu.memory_space<semaphore_mem>>) src(%arg8 : memref<128x128xf32, #tpu.memory_space<vmem>>) dst(%dma_wait3A_157 : memref<10240x128xf32, #tpu.memory_space<vmem_shared>>)
        tpu.yield
      }) : () -> ()
      %add3A_132 = arith.constant 2 : i32
      %add3A_133 = arith.addi %mul3A_117, %add3A_132 : i32
      %lt3A = arith.constant 40 : i32
      %lt3A_134 = arith.cmpi slt, %add3A_133, %lt3A : i32
      %convert_element_type3A = arith.extui %lt3A_134 : i1 to i32
      %cond3A = arith.constant 0 : i32
      %cond3A_135 = arith.cmpi ne, %convert_element_type3A, %cond3A : i32
      scf.if %cond3A_135 {
        %add3A_146 = arith.constant 2 : i32
        %add3A_147 = arith.addi %mul3A_117, %add3A_146 : i32
        %dma_start3A_148 = arith.constant 0 : i32
        %dma_start3A_149 = tpu.memref_slice %arg6[%add3A_147, %dma_start3A_148] : memref<40x128xi32, #tpu.memory_space<vmem>> -> memref<1x128xi32, #tpu.memory_space<vmem>>
        %dma_start3A_150 = tpu.memref_squeeze %dma_start3A_149 : memref<1x128xi32, #tpu.memory_space<vmem>> -> memref<128xi32, #tpu.memory_space<vmem>>
        %dma_start3A_151 = arith.constant 0 : i32
        %dma_start3A_152 = arith.constant 0 : i32
        %dma_start3A_153 = tpu.memref_slice %arg2[%dma_start3A_151, %dma_start3A_152] : memref<10000x128xf32, #tpu.memory_space<hbm>> -> memref<10000x128xf32, #tpu.memory_space<hbm>>
        tpu.enqueue_indirect_dma source(%dma_start3A_153 : memref<10000x128xf32, #tpu.memory_space<hbm>>) target(%arg8 : memref<128x128xf32, #tpu.memory_space<vmem>>) offsets(%dma_start3A_150 : memref<128xi32, #tpu.memory_space<vmem>>) semaphore(%arg11 : memref<!tpu.dma_semaphore, #tpu.memory_space<semaphore_mem>>)
      } else {
      }
      %add3A_136 = arith.constant 1 : i32
      %add3A_137 = arith.addi %mul3A_117, %add3A_136 : i32
      %dma_wait3A_138 = arith.constant 0 : i32
      %dma_wait3A_139 = tpu.memref_slice %arg6[%add3A_137, %dma_wait3A_138] : memref<40x128xi32, #tpu.memory_space<vmem>> -> memref<1x128xi32, #tpu.memory_space<vmem>>
      %dma_wait3A_140 = tpu.memref_squeeze %dma_wait3A_139 : memref<1x128xi32, #tpu.memory_space<vmem>> -> memref<128xi32, #tpu.memory_space<vmem>>
      %dma_wait3A_141 = arith.constant 0 : i32
      %dma_wait3A_142 = arith.constant 0 : i32
      %dma_wait3A_143 = tpu.memref_slice %arg2[%dma_wait3A_141, %dma_wait3A_142] : memref<10000x128xf32, #tpu.memory_space<hbm>> -> memref<10000x128xf32, #tpu.memory_space<hbm>>
      tpu.wait_indirect_dma semaphore(%arg12 : memref<!tpu.dma_semaphore, #tpu.memory_space<semaphore_mem>>) src(%dma_wait3A_143 : memref<10000x128xf32, #tpu.memory_space<hbm>>) dst(%arg9 : memref<128x128xf32, #tpu.memory_space<vmem>>)
      %add3A_144 = arith.constant 1 : i32
      %add3A_145 = arith.addi %mul3A_117, %add3A_144 : i32
      "tpu.region"() ({
        %run_scoped3A = tpu.sem_alloc : memref<!tpu.dma_semaphore, #tpu.memory_space<semaphore_mem>>
        %dma_start3A_146 = arith.constant 0 : i32
        %dma_start3A_147 = tpu.memref_slice %arg7[%add3A_145, %dma_start3A_146] : memref<40x128xi32, #tpu.memory_space<vmem>> -> memref<1x128xi32, #tpu.memory_space<vmem>>
        %dma_start3A_148 = tpu.memref_squeeze %dma_start3A_147 : memref<1x128xi32, #tpu.memory_space<vmem>> -> memref<128xi32, #tpu.memory_space<vmem>>
        %dma_start3A_149 = arith.constant 0 : i32
        %dma_start3A_150 = arith.constant 0 : i32
        %dma_start3A_151 = tpu.memref_slice %arg10[%dma_start3A_149, %dma_start3A_150] : memref<10240x128xf32, #tpu.memory_space<vmem_shared>> -> memref<10240x128xf32, #tpu.memory_space<vmem_shared>>
        tpu.enqueue_indirect_dma source(%arg9 : memref<128x128xf32, #tpu.memory_space<vmem>>) target(%dma_start3A_151 : memref<10240x128xf32, #tpu.memory_space<vmem_shared>>) offsets(%dma_start3A_148 : memref<128xi32, #tpu.memory_space<vmem>>) semaphore(%run_scoped3A : memref<!tpu.dma_semaphore, #tpu.memory_space<semaphore_mem>>) {add = true}
        %dma_wait3A_152 = arith.constant 0 : i32
        %dma_wait3A_153 = tpu.memref_slice %arg7[%add3A_145, %dma_wait3A_152] : memref<40x128xi32, #tpu.memory_space<vmem>> -> memref<1x128xi32, #tpu.memory_space<vmem>>
        %dma_wait3A_154 = tpu.memref_squeeze %dma_wait3A_153 : memref<1x128xi32, #tpu.memory_space<vmem>> -> memref<128xi32, #tpu.memory_space<vmem>>
        %dma_wait3A_155 = arith.constant 0 : i32
        %dma_wait3A_156 = arith.constant 0 : i32
        %dma_wait3A_157 = tpu.memref_slice %arg10[%dma_wait3A_155, %dma_wait3A_156] : memref<10240x128xf32, #tpu.memory_space<vmem_shared>> -> memref<10240x128xf32, #tpu.memory_space<vmem_shared>>
        tpu.wait_indirect_dma semaphore(%run_scoped3A : memref<!tpu.dma_semaphore, #tpu.memory_space<semaphore_mem>>) src(%arg9 : memref<128x128xf32, #tpu.memory_space<vmem>>) dst(%dma_wait3A_157 : memref<10240x128xf32, #tpu.memory_space<vmem_shared>>)
        tpu.yield
      }) : () -> ()
    }
    %scan3A_96 = arith.constant 20 : i32
    "tpu.region"() ({
      %run_scoped3A = tpu.sem_alloc : memref<!tpu.dma_semaphore, #tpu.memory_space<semaphore_mem>>
      %dma_start3A_115 = arith.constant 40 : i32
      %dma_start3A_116 = arith.constant 0 : i32
      %dma_start3A_117 = tpu.memref_slice %arg3[%add3A, %dma_start3A_115, %dma_start3A_116] : memref<32x80x128xi32, #tpu.memory_space<hbm>> -> memref<1x40x128xi32, #tpu.memory_space<hbm>>
      %dma_start3A_118 = tpu.memref_squeeze %dma_start3A_117 : memref<1x40x128xi32, #tpu.memory_space<hbm>> -> memref<40x128xi32, #tpu.memory_space<hbm>>
      %dma_start3A_119 = arith.constant 40 : i32
      %dma_start3A_120 = arith.constant 0 : i32
      %dma_start3A_121 = tpu.memref_slice %arg3[%add3A, %dma_start3A_119, %dma_start3A_120] : memref<32x80x128xi32, #tpu.memory_space<hbm>> -> memref<1x40x128xi32, #tpu.memory_space<hbm>>
      %dma_start3A_122 = tpu.memref_squeeze %dma_start3A_121 : memref<1x40x128xi32, #tpu.memory_space<hbm>> -> memref<40x128xi32, #tpu.memory_space<hbm>>
      tpu.enqueue_dma source(%dma_start3A_122 : memref<40x128xi32, #tpu.memory_space<hbm>>) target(%arg6 : memref<40x128xi32, #tpu.memory_space<vmem>>) target_semaphore(%run_scoped3A : memref<!tpu.dma_semaphore, #tpu.memory_space<semaphore_mem>>)
      %dma_wait3A_123 = arith.constant 40 : i32
      %dma_wait3A_124 = arith.constant 0 : i32
      %dma_wait3A_125 = tpu.memref_slice %arg3[%add3A, %dma_wait3A_123, %dma_wait3A_124] : memref<32x80x128xi32, #tpu.memory_space<hbm>> -> memref<1x40x128xi32, #tpu.memory_space<hbm>>
      %dma_wait3A_126 = tpu.memref_squeeze %dma_wait3A_125 : memref<1x40x128xi32, #tpu.memory_space<hbm>> -> memref<40x128xi32, #tpu.memory_space<hbm>>
      %dma_wait3A_127 = arith.constant 40 : i32
      %dma_wait3A_128 = arith.constant 0 : i32
      %dma_wait3A_129 = tpu.memref_slice %arg3[%add3A, %dma_wait3A_127, %dma_wait3A_128] : memref<32x80x128xi32, #tpu.memory_space<hbm>> -> memref<1x40x128xi32, #tpu.memory_space<hbm>>
      %dma_wait3A_130 = tpu.memref_squeeze %dma_wait3A_129 : memref<1x40x128xi32, #tpu.memory_space<hbm>> -> memref<40x128xi32, #tpu.memory_space<hbm>>
      tpu.wait_dma2 semaphore(%run_scoped3A : memref<!tpu.dma_semaphore, #tpu.memory_space<semaphore_mem>>) src(%dma_wait3A_130 : memref<40x128xi32, #tpu.memory_space<hbm>>) dst(%arg6 : memref<40x128xi32, #tpu.memory_space<vmem>>)
      tpu.yield
    }) : () -> ()
    "tpu.region"() ({
      %run_scoped3A = tpu.sem_alloc : memref<!tpu.dma_semaphore, #tpu.memory_space<semaphore_mem>>
      %dma_start3A_115 = arith.constant 40 : i32
      %dma_start3A_116 = arith.constant 0 : i32
      %dma_start3A_117 = tpu.memref_slice %arg4[%add3A, %dma_start3A_115, %dma_start3A_116] : memref<32x80x128xi32, #tpu.memory_space<hbm>> -> memref<1x40x128xi32, #tpu.memory_space<hbm>>
      %dma_start3A_118 = tpu.memref_squeeze %dma_start3A_117 : memref<1x40x128xi32, #tpu.memory_space<hbm>> -> memref<40x128xi32, #tpu.memory_space<hbm>>
      %dma_start3A_119 = arith.constant 40 : i32
      %dma_start3A_120 = arith.constant 0 : i32
      %dma_start3A_121 = tpu.memref_slice %arg4[%add3A, %dma_start3A_119, %dma_start3A_120] : memref<32x80x128xi32, #tpu.memory_space<hbm>> -> memref<1x40x128xi32, #tpu.memory_space<hbm>>
      %dma_start3A_122 = tpu.memref_squeeze %dma_start3A_121 : memref<1x40x128xi32, #tpu.memory_space<hbm>> -> memref<40x128xi32, #tpu.memory_space<hbm>>
      tpu.enqueue_dma source(%dma_start3A_122 : memref<40x128xi32, #tpu.memory_space<hbm>>) target(%arg7 : memref<40x128xi32, #tpu.memory_space<vmem>>) target_semaphore(%run_scoped3A : memref<!tpu.dma_semaphore, #tpu.memory_space<semaphore_mem>>)
      %dma_wait3A_123 = arith.constant 40 : i32
      %dma_wait3A_124 = arith.constant 0 : i32
      %dma_wait3A_125 = tpu.memref_slice %arg4[%add3A, %dma_wait3A_123, %dma_wait3A_124] : memref<32x80x128xi32, #tpu.memory_space<hbm>> -> memref<1x40x128xi32, #tpu.memory_space<hbm>>
      %dma_wait3A_126 = tpu.memref_squeeze %dma_wait3A_125 : memref<1x40x128xi32, #tpu.memory_space<hbm>> -> memref<40x128xi32, #tpu.memory_space<hbm>>
      %dma_wait3A_127 = arith.constant 40 : i32
      %dma_wait3A_128 = arith.constant 0 : i32
      %dma_wait3A_129 = tpu.memref_slice %arg4[%add3A, %dma_wait3A_127, %dma_wait3A_128] : memref<32x80x128xi32, #tpu.memory_space<hbm>> -> memref<1x40x128xi32, #tpu.memory_space<hbm>>
      %dma_wait3A_130 = tpu.memref_squeeze %dma_wait3A_129 : memref<1x40x128xi32, #tpu.memory_space<hbm>> -> memref<40x128xi32, #tpu.memory_space<hbm>>
      tpu.wait_dma2 semaphore(%run_scoped3A : memref<!tpu.dma_semaphore, #tpu.memory_space<semaphore_mem>>) src(%dma_wait3A_130 : memref<40x128xi32, #tpu.memory_space<hbm>>) dst(%arg7 : memref<40x128xi32, #tpu.memory_space<vmem>>)
      tpu.yield
    }) : () -> ()
    %dma_start3A_97 = arith.constant 0 : i32
    %dma_start3A_98 = arith.constant 0 : i32
    %dma_start3A_99 = tpu.memref_slice %arg6[%dma_start3A_97, %dma_start3A_98] : memref<40x128xi32, #tpu.memory_space<vmem>> -> memref<1x128xi32, #tpu.memory_space<vmem>>
    %dma_start3A_100 = tpu.memref_squeeze %dma_start3A_99 : memref<1x128xi32, #tpu.memory_space<vmem>> -> memref<128xi32, #tpu.memory_space<vmem>>
    %dma_start3A_101 = arith.constant 0 : i32
    %dma_start3A_102 = arith.constant 0 : i32
    %dma_start3A_103 = tpu.memref_slice %arg2[%dma_start3A_101, %dma_start3A_102] : memref<10000x128xf32, #tpu.memory_space<hbm>> -> memref<10000x128xf32, #tpu.memory_space<hbm>>
    tpu.enqueue_indirect_dma source(%dma_start3A_103 : memref<10000x128xf32, #tpu.memory_space<hbm>>) target(%arg8 : memref<128x128xf32, #tpu.memory_space<vmem>>) offsets(%dma_start3A_100 : memref<128xi32, #tpu.memory_space<vmem>>) semaphore(%arg11 : memref<!tpu.dma_semaphore, #tpu.memory_space<semaphore_mem>>)
    %scan3A_104 = arith.constant 0 : i32
    %scan3A_105 = arith.constant 0 : i32
    %scan3A_106 = arith.constant 20 : i32
    %scan3A_107 = arith.addi %scan3A_105, %scan3A_106 : i32
    %scan3A_108 = arith.constant 1 : i32
    scf.for %scan3A_115 = %scan3A_105 to %scan3A_107 step %scan3A_108  : i32 {
      %mul3A_116 = arith.constant 2 : i32
      %mul3A_117 = arith.muli %mul3A_116, %scan3A_115 : i32
      %add3A_118 = arith.constant 1 : i32
      %add3A_119 = arith.addi %mul3A_117, %add3A_118 : i32
      %dma_start3A_120 = arith.constant 0 : i32
      %dma_start3A_121 = tpu.memref_slice %arg6[%add3A_119, %dma_start3A_120] : memref<40x128xi32, #tpu.memory_space<vmem>> -> memref<1x128xi32, #tpu.memory_space<vmem>>
      %dma_start3A_122 = tpu.memref_squeeze %dma_start3A_121 : memref<1x128xi32, #tpu.memory_space<vmem>> -> memref<128xi32, #tpu.memory_space<vmem>>
      %dma_start3A_123 = arith.constant 0 : i32
      %dma_start3A_124 = arith.constant 0 : i32
      %dma_start3A_125 = tpu.memref_slice %arg2[%dma_start3A_123, %dma_start3A_124] : memref<10000x128xf32, #tpu.memory_space<hbm>> -> memref<10000x128xf32, #tpu.memory_space<hbm>>
      tpu.enqueue_indirect_dma source(%dma_start3A_125 : memref<10000x128xf32, #tpu.memory_space<hbm>>) target(%arg9 : memref<128x128xf32, #tpu.memory_space<vmem>>) offsets(%dma_start3A_122 : memref<128xi32, #tpu.memory_space<vmem>>) semaphore(%arg12 : memref<!tpu.dma_semaphore, #tpu.memory_space<semaphore_mem>>)
      %dma_wait3A_126 = arith.constant 0 : i32
      %dma_wait3A_127 = tpu.memref_slice %arg6[%mul3A_117, %dma_wait3A_126] : memref<40x128xi32, #tpu.memory_space<vmem>> -> memref<1x128xi32, #tpu.memory_space<vmem>>
      %dma_wait3A_128 = tpu.memref_squeeze %dma_wait3A_127 : memref<1x128xi32, #tpu.memory_space<vmem>> -> memref<128xi32, #tpu.memory_space<vmem>>
      %dma_wait3A_129 = arith.constant 0 : i32
      %dma_wait3A_130 = arith.constant 0 : i32
      %dma_wait3A_131 = tpu.memref_slice %arg2[%dma_wait3A_129, %dma_wait3A_130] : memref<10000x128xf32, #tpu.memory_space<hbm>> -> memref<10000x128xf32, #tpu.memory_space<hbm>>
      tpu.wait_indirect_dma semaphore(%arg11 : memref<!tpu.dma_semaphore, #tpu.memory_space<semaphore_mem>>) src(%dma_wait3A_131 : memref<10000x128xf32, #tpu.memory_space<hbm>>) dst(%arg8 : memref<128x128xf32, #tpu.memory_space<vmem>>)
      "tpu.region"() ({
        %run_scoped3A = tpu.sem_alloc : memref<!tpu.dma_semaphore, #tpu.memory_space<semaphore_mem>>
        %dma_start3A_146 = arith.constant 0 : i32
        %dma_start3A_147 = tpu.memref_slice %arg7[%mul3A_117, %dma_start3A_146] : memref<40x128xi32, #tpu.memory_space<vmem>> -> memref<1x128xi32, #tpu.memory_space<vmem>>
        %dma_start3A_148 = tpu.memref_squeeze %dma_start3A_147 : memref<1x128xi32, #tpu.memory_space<vmem>> -> memref<128xi32, #tpu.memory_space<vmem>>
        %dma_start3A_149 = arith.constant 0 : i32
        %dma_start3A_150 = arith.constant 0 : i32
        %dma_start3A_151 = tpu.memref_slice %arg10[%dma_start3A_149, %dma_start3A_150] : memref<10240x128xf32, #tpu.memory_space<vmem_shared>> -> memref<10240x128xf32, #tpu.memory_space<vmem_shared>>
        tpu.enqueue_indirect_dma source(%arg8 : memref<128x128xf32, #tpu.memory_space<vmem>>) target(%dma_start3A_151 : memref<10240x128xf32, #tpu.memory_space<vmem_shared>>) offsets(%dma_start3A_148 : memref<128xi32, #tpu.memory_space<vmem>>) semaphore(%run_scoped3A : memref<!tpu.dma_semaphore, #tpu.memory_space<semaphore_mem>>) {add = true}
        %dma_wait3A_152 = arith.constant 0 : i32
        %dma_wait3A_153 = tpu.memref_slice %arg7[%mul3A_117, %dma_wait3A_152] : memref<40x128xi32, #tpu.memory_space<vmem>> -> memref<1x128xi32, #tpu.memory_space<vmem>>
        %dma_wait3A_154 = tpu.memref_squeeze %dma_wait3A_153 : memref<1x128xi32, #tpu.memory_space<vmem>> -> memref<128xi32, #tpu.memory_space<vmem>>
        %dma_wait3A_155 = arith.constant 0 : i32
        %dma_wait3A_156 = arith.constant 0 : i32
        %dma_wait3A_157 = tpu.memref_slice %arg10[%dma_wait3A_155, %dma_wait3A_156] : memref<10240x128xf32, #tpu.memory_space<vmem_shared>> -> memref<10240x128xf32, #tpu.memory_space<vmem_shared>>
        tpu.wait_indirect_dma semaphore(%run_scoped3A : memref<!tpu.dma_semaphore, #tpu.memory_space<semaphore_mem>>) src(%arg8 : memref<128x128xf32, #tpu.memory_space<vmem>>) dst(%dma_wait3A_157 : memref<10240x128xf32, #tpu.memory_space<vmem_shared>>)
        tpu.yield
      }) : () -> ()
      %add3A_132 = arith.constant 2 : i32
      %add3A_133 = arith.addi %mul3A_117, %add3A_132 : i32
      %lt3A = arith.constant 40 : i32
      %lt3A_134 = arith.cmpi slt, %add3A_133, %lt3A : i32
      %convert_element_type3A = arith.extui %lt3A_134 : i1 to i32
      %cond3A = arith.constant 0 : i32
      %cond3A_135 = arith.cmpi ne, %convert_element_type3A, %cond3A : i32
      scf.if %cond3A_135 {
        %add3A_146 = arith.constant 2 : i32
        %add3A_147 = arith.addi %mul3A_117, %add3A_146 : i32
        %dma_start3A_148 = arith.constant 0 : i32
        %dma_start3A_149 = tpu.memref_slice %arg6[%add3A_147, %dma_start3A_148] : memref<40x128xi32, #tpu.memory_space<vmem>> -> memref<1x128xi32, #tpu.memory_space<vmem>>
        %dma_start3A_150 = tpu.memref_squeeze %dma_start3A_149 : memref<1x128xi32, #tpu.memory_space<vmem>> -> memref<128xi32, #tpu.memory_space<vmem>>
        %dma_start3A_151 = arith.constant 0 : i32
        %dma_start3A_152 = arith.constant 0 : i32
        %dma_start3A_153 = tpu.memref_slice %arg2[%dma_start3A_151, %dma_start3A_152] : memref<10000x128xf32, #tpu.memory_space<hbm>> -> memref<10000x128xf32, #tpu.memory_space<hbm>>
        tpu.enqueue_indirect_dma source(%dma_start3A_153 : memref<10000x128xf32, #tpu.memory_space<hbm>>) target(%arg8 : memref<128x128xf32, #tpu.memory_space<vmem>>) offsets(%dma_start3A_150 : memref<128xi32, #tpu.memory_space<vmem>>) semaphore(%arg11 : memref<!tpu.dma_semaphore, #tpu.memory_space<semaphore_mem>>)
      } else {
      }
      %add3A_136 = arith.constant 1 : i32
      %add3A_137 = arith.addi %mul3A_117, %add3A_136 : i32
      %dma_wait3A_138 = arith.constant 0 : i32
      %dma_wait3A_139 = tpu.memref_slice %arg6[%add3A_137, %dma_wait3A_138] : memref<40x128xi32, #tpu.memory_space<vmem>> -> memref<1x128xi32, #tpu.memory_space<vmem>>
      %dma_wait3A_140 = tpu.memref_squeeze %dma_wait3A_139 : memref<1x128xi32, #tpu.memory_space<vmem>> -> memref<128xi32, #tpu.memory_space<vmem>>
      %dma_wait3A_141 = arith.constant 0 : i32
      %dma_wait3A_142 = arith.constant 0 : i32
      %dma_wait3A_143 = tpu.memref_slice %arg2[%dma_wait3A_141, %dma_wait3A_142] : memref<10000x128xf32, #tpu.memory_space<hbm>> -> memref<10000x128xf32, #tpu.memory_space<hbm>>
      tpu.wait_indirect_dma semaphore(%arg12 : memref<!tpu.dma_semaphore, #tpu.memory_space<semaphore_mem>>) src(%dma_wait3A_143 : memref<10000x128xf32, #tpu.memory_space<hbm>>) dst(%arg9 : memref<128x128xf32, #tpu.memory_space<vmem>>)
      %add3A_144 = arith.constant 1 : i32
      %add3A_145 = arith.addi %mul3A_117, %add3A_144 : i32
      "tpu.region"() ({
        %run_scoped3A = tpu.sem_alloc : memref<!tpu.dma_semaphore, #tpu.memory_space<semaphore_mem>>
        %dma_start3A_146 = arith.constant 0 : i32
        %dma_start3A_147 = tpu.memref_slice %arg7[%add3A_145, %dma_start3A_146] : memref<40x128xi32, #tpu.memory_space<vmem>> -> memref<1x128xi32, #tpu.memory_space<vmem>>
        %dma_start3A_148 = tpu.memref_squeeze %dma_start3A_147 : memref<1x128xi32, #tpu.memory_space<vmem>> -> memref<128xi32, #tpu.memory_space<vmem>>
        %dma_start3A_149 = arith.constant 0 : i32
        %dma_start3A_150 = arith.constant 0 : i32
        %dma_start3A_151 = tpu.memref_slice %arg10[%dma_start3A_149, %dma_start3A_150] : memref<10240x128xf32, #tpu.memory_space<vmem_shared>> -> memref<10240x128xf32, #tpu.memory_space<vmem_shared>>
        tpu.enqueue_indirect_dma source(%arg9 : memref<128x128xf32, #tpu.memory_space<vmem>>) target(%dma_start3A_151 : memref<10240x128xf32, #tpu.memory_space<vmem_shared>>) offsets(%dma_start3A_148 : memref<128xi32, #tpu.memory_space<vmem>>) semaphore(%run_scoped3A : memref<!tpu.dma_semaphore, #tpu.memory_space<semaphore_mem>>) {add = true}
        %dma_wait3A_152 = arith.constant 0 : i32
        %dma_wait3A_153 = tpu.memref_slice %arg7[%add3A_145, %dma_wait3A_152] : memref<40x128xi32, #tpu.memory_space<vmem>> -> memref<1x128xi32, #tpu.memory_space<vmem>>
        %dma_wait3A_154 = tpu.memref_squeeze %dma_wait3A_153 : memref<1x128xi32, #tpu.memory_space<vmem>> -> memref<128xi32, #tpu.memory_space<vmem>>
        %dma_wait3A_155 = arith.constant 0 : i32
        %dma_wait3A_156 = arith.constant 0 : i32
        %dma_wait3A_157 = tpu.memref_slice %arg10[%dma_wait3A_155, %dma_wait3A_156] : memref<10240x128xf32, #tpu.memory_space<vmem_shared>> -> memref<10240x128xf32, #tpu.memory_space<vmem_shared>>
        tpu.wait_indirect_dma semaphore(%run_scoped3A : memref<!tpu.dma_semaphore, #tpu.memory_space<semaphore_mem>>) src(%arg9 : memref<128x128xf32, #tpu.memory_space<vmem>>) dst(%dma_wait3A_157 : memref<10240x128xf32, #tpu.memory_space<vmem_shared>>)
        tpu.yield
      }) : () -> ()
    }
    %scan3A_109 = arith.constant 20 : i32
    %barrier3A_110 = arith.constant 0 : index
    tpu.barrier barrier_id(%barrier3A_110)
    %mul3A_111 = arith.constant 640 : i32
    %mul3A_112 = arith.muli %arg1, %mul3A_111 : i32
    %mul3A_113 = arith.constant 640 : i32
    %mul3A_114 = arith.muli %arg1, %mul3A_113 : i32
    "tpu.region"() ({
      %run_scoped3A = tpu.sem_alloc : memref<!tpu.dma_semaphore, #tpu.memory_space<semaphore_mem>>
      %dma_start3A_115 = arith.constant 0 : i32
      %dma_start3A_116 = tpu.memref_slice %arg5[%arg0, %mul3A_114, %dma_start3A_115] : memref<2x10240x128xf32, #tpu.memory_space<hbm>> -> memref<1x640x128xf32, #tpu.memory_space<hbm>>
      %dma_start3A_117 = tpu.memref_squeeze %dma_start3A_116 : memref<1x640x128xf32, #tpu.memory_space<hbm>> -> memref<640x128xf32, #tpu.memory_space<hbm>>
      %dma_start3A_118 = arith.constant 0 : i32
      %dma_start3A_119 = tpu.memref_slice %arg10[%mul3A_112, %dma_start3A_118] : memref<10240x128xf32, #tpu.memory_space<vmem_shared>> -> memref<640x128xf32, #tpu.memory_space<vmem_shared>>
      tpu.enqueue_dma source(%dma_start3A_119 : memref<640x128xf32, #tpu.memory_space<vmem_shared>>) target(%dma_start3A_117 : memref<640x128xf32, #tpu.memory_space<hbm>>) target_semaphore(%run_scoped3A : memref<!tpu.dma_semaphore, #tpu.memory_space<semaphore_mem>>)
      %dma_wait3A_120 = arith.constant 0 : i32
      %dma_wait3A_121 = tpu.memref_slice %arg5[%arg0, %mul3A_114, %dma_wait3A_120] : memref<2x10240x128xf32, #tpu.memory_space<hbm>> -> memref<1x640x128xf32, #tpu.memory_space<hbm>>
      %dma_wait3A_122 = tpu.memref_squeeze %dma_wait3A_121 : memref<1x640x128xf32, #tpu.memory_space<hbm>> -> memref<640x128xf32, #tpu.memory_space<hbm>>
      %dma_wait3A_123 = arith.constant 0 : i32
      %dma_wait3A_124 = tpu.memref_slice %arg10[%mul3A_112, %dma_wait3A_123] : memref<10240x128xf32, #tpu.memory_space<vmem_shared>> -> memref<640x128xf32, #tpu.memory_space<vmem_shared>>
      tpu.wait_dma2 semaphore(%run_scoped3A : memref<!tpu.dma_semaphore, #tpu.memory_space<semaphore_mem>>) src(%dma_wait3A_124 : memref<640x128xf32, #tpu.memory_space<vmem_shared>>) dst(%dma_wait3A_122 : memref<640x128xf32, #tpu.memory_space<hbm>>)
      tpu.yield
    }) : () -> ()
    return
  }
}

#map = affine_map<(d0, d1) -> (0, 0)>
#map1 = affine_map<(d0, d1) -> (0, 0, 0)>
module attributes {stable_mosaic.version = 14 : i64} {
  func.func @_scatter_body(%arg0: i32, %arg1: i32, %arg2: memref<10000x128xf32, #tpu.memory_space<hbm>>, %arg3: memref<32x80x128xi32, #tpu.memory_space<hbm>>, %arg4: memref<32x80x128xi32, #tpu.memory_space<hbm>>, %arg5: memref<2x10240x128xf32, #tpu.memory_space<hbm>>, %arg6: memref<40x128xi32, #tpu.memory_space<vmem>>, %arg7: memref<40x128xi32, #tpu.memory_space<vmem>>, %arg8: memref<128x128xf32, #tpu.memory_space<vmem>>, %arg9: memref<128x128xf32, #tpu.memory_space<vmem>>, %arg10: memref<10240x128xf32, #tpu.memory_space<vmem_shared>>, %arg11: memref<!tpu.dma_semaphore, #tpu.memory_space<semaphore_mem>>, %arg12: memref<!tpu.dma_semaphore, #tpu.memory_space<semaphore_mem>>) attributes {dimension_semantics = [#tpu.dimension_semantics<core_parallel>, #tpu.dimension_semantics<subcore_parallel>], iteration_bounds = array<i64: 2, 16>, scalar_prefetch = 0 : i64, scratch_operands = 7 : i64, tpu.core_type = #tpu.core_type<sc_vector_subcore>, window_params = [{transform_indices = #map}, {transform_indices = #map1}, {transform_indices = #map1}, {transform_indices = #map1}]} {
    %mul3A = arith.constant 16 : i32
    %mul3A_0 = arith.muli %arg0, %mul3A : i32
    %add3A = arith.addi %mul3A_0, %arg1 : i32
    "tpu.region"() ({
      %run_scoped3A = tpu.sem_alloc : memref<!tpu.dma_semaphore, #tpu.memory_space<semaphore_mem>>
      %dma_start3A_115 = arith.constant 0 : i32
      %dma_start3A_116 = arith.constant 0 : i32
      %dma_start3A_117 = tpu.memref_slice %arg3[%add3A, %dma_start3A_115, %dma_start3A_116] : memref<32x80x128xi32, #tpu.memory_space<hbm>> -> memref<1x40x128xi32, #tpu.memory_space<hbm>>
      %dma_start3A_118 = tpu.memref_squeeze %dma_start3A_117 : memref<1x40x128xi32, #tpu.memory_space<hbm>> -> memref<40x128xi32, #tpu.memory_space<hbm>>
      %dma_start3A_119 = arith.constant 0 : i32
      %dma_start3A_120 = arith.constant 0 : i32
      %dma_start3A_121 = tpu.memref_slice %arg3[%add3A, %dma_start3A_119, %dma_start3A_120] : memref<32x80x128xi32, #tpu.memory_space<hbm>> -> memref<1x40x128xi32, #tpu.memory_space<hbm>>
      %dma_start3A_122 = tpu.memref_squeeze %dma_start3A_121 : memref<1x40x128xi32, #tpu.memory_space<hbm>> -> memref<40x128xi32, #tpu.memory_space<hbm>>
      tpu.enqueue_dma source(%dma_start3A_122 : memref<40x128xi32, #tpu.memory_space<hbm>>) target(%arg6 : memref<40x128xi32, #tpu.memory_space<vmem>>) target_semaphore(%run_scoped3A : memref<!tpu.dma_semaphore, #tpu.memory_space<semaphore_mem>>)
      %dma_wait3A_123 = arith.constant 0 : i32
      %dma_wait3A_124 = arith.constant 0 : i32
      %dma_wait3A_125 = tpu.memref_slice %arg3[%add3A, %dma_wait3A_123, %dma_wait3A_124] : memref<32x80x128xi32, #tpu.memory_space<hbm>> -> memref<1x40x128xi32, #tpu.memory_space<hbm>>
      %dma_wait3A_126 = tpu.memref_squeeze %dma_wait3A_125 : memref<1x40x128xi32, #tpu.memory_space<hbm>> -> memref<40x128xi32, #tpu.memory_space<hbm>>
      %dma_wait3A_127 = arith.constant 0 : i32
      %dma_wait3A_128 = arith.constant 0 : i32
      %dma_wait3A_129 = tpu.memref_slice %arg3[%add3A, %dma_wait3A_127, %dma_wait3A_128] : memref<32x80x128xi32, #tpu.memory_space<hbm>> -> memref<1x40x128xi32, #tpu.memory_space<hbm>>
      %dma_wait3A_130 = tpu.memref_squeeze %dma_wait3A_129 : memref<1x40x128xi32, #tpu.memory_space<hbm>> -> memref<40x128xi32, #tpu.memory_space<hbm>>
      tpu.wait_dma2 semaphore(%run_scoped3A : memref<!tpu.dma_semaphore, #tpu.memory_space<semaphore_mem>>) src(%dma_wait3A_130 : memref<40x128xi32, #tpu.memory_space<hbm>>) dst(%arg6 : memref<40x128xi32, #tpu.memory_space<vmem>>)
      tpu.yield
    }) : () -> ()
    "tpu.region"() ({
      %run_scoped3A = tpu.sem_alloc : memref<!tpu.dma_semaphore, #tpu.memory_space<semaphore_mem>>
      %dma_start3A_115 = arith.constant 0 : i32
      %dma_start3A_116 = arith.constant 0 : i32
      %dma_start3A_117 = tpu.memref_slice %arg4[%add3A, %dma_start3A_115, %dma_start3A_116] : memref<32x80x128xi32, #tpu.memory_space<hbm>> -> memref<1x40x128xi32, #tpu.memory_space<hbm>>
      %dma_start3A_118 = tpu.memref_squeeze %dma_start3A_117 : memref<1x40x128xi32, #tpu.memory_space<hbm>> -> memref<40x128xi32, #tpu.memory_space<hbm>>
      %dma_start3A_119 = arith.constant 0 : i32
      %dma_start3A_120 = arith.constant 0 : i32
      %dma_start3A_121 = tpu.memref_slice %arg4[%add3A, %dma_start3A_119, %dma_start3A_120] : memref<32x80x128xi32, #tpu.memory_space<hbm>> -> memref<1x40x128xi32, #tpu.memory_space<hbm>>
      %dma_start3A_122 = tpu.memref_squeeze %dma_start3A_121 : memref<1x40x128xi32, #tpu.memory_space<hbm>> -> memref<40x128xi32, #tpu.memory_space<hbm>>
      tpu.enqueue_dma source(%dma_start3A_122 : memref<40x128xi32, #tpu.memory_space<hbm>>) target(%arg7 : memref<40x128xi32, #tpu.memory_space<vmem>>) target_semaphore(%run_scoped3A : memref<!tpu.dma_semaphore, #tpu.memory_space<semaphore_mem>>)
      %dma_wait3A_123 = arith.constant 0 : i32
      %dma_wait3A_124 = arith.constant 0 : i32
      %dma_wait3A_125 = tpu.memref_slice %arg4[%add3A, %dma_wait3A_123, %dma_wait3A_124] : memref<32x80x128xi32, #tpu.memory_space<hbm>> -> memref<1x40x128xi32, #tpu.memory_space<hbm>>
      %dma_wait3A_126 = tpu.memref_squeeze %dma_wait3A_125 : memref<1x40x128xi32, #tpu.memory_space<hbm>> -> memref<40x128xi32, #tpu.memory_space<hbm>>
      %dma_wait3A_127 = arith.constant 0 : i32
      %dma_wait3A_128 = arith.constant 0 : i32
      %dma_wait3A_129 = tpu.memref_slice %arg4[%add3A, %dma_wait3A_127, %dma_wait3A_128] : memref<32x80x128xi32, #tpu.memory_space<hbm>> -> memref<1x40x128xi32, #tpu.memory_space<hbm>>
      %dma_wait3A_130 = tpu.memref_squeeze %dma_wait3A_129 : memref<1x40x128xi32, #tpu.memory_space<hbm>> -> memref<40x128xi32, #tpu.memory_space<hbm>>
      tpu.wait_dma2 semaphore(%run_scoped3A : memref<!tpu.dma_semaphore, #tpu.memory_space<semaphore_mem>>) src(%dma_wait3A_130 : memref<40x128xi32, #tpu.memory_space<hbm>>) dst(%arg7 : memref<40x128xi32, #tpu.memory_space<vmem>>)
      tpu.yield
    }) : () -> ()
    %dma_start3A = arith.constant 0 : i32
    %dma_start3A_1 = arith.constant 0 : i32
    %dma_start3A_2 = tpu.memref_slice %arg6[%dma_start3A, %dma_start3A_1] : memref<40x128xi32, #tpu.memory_space<vmem>> -> memref<1x128xi32, #tpu.memory_space<vmem>>
    %dma_start3A_3 = tpu.memref_squeeze %dma_start3A_2 : memref<1x128xi32, #tpu.memory_space<vmem>> -> memref<128xi32, #tpu.memory_space<vmem>>
    %dma_start3A_4 = arith.constant 0 : i32
    %dma_start3A_5 = arith.constant 0 : i32
    %dma_start3A_6 = tpu.memref_slice %arg2[%dma_start3A_4, %dma_start3A_5] : memref<10000x128xf32, #tpu.memory_space<hbm>> -> memref<10000x128xf32, #tpu.memory_space<hbm>>
    tpu.enqueue_indirect_dma source(%dma_start3A_6 : memref<10000x128xf32, #tpu.memory_space<hbm>>) target(%arg8 : memref<128x128xf32, #tpu.memory_space<vmem>>) offsets(%dma_start3A_3 : memref<128xi32, #tpu.memory_space<vmem>>) semaphore(%arg11 : memref<!tpu.dma_semaphore, #tpu.memory_space<semaphore_mem>>)
    %scan3A = arith.constant 0 : i32
    %scan3A_7 = arith.constant 0 : i32
    %scan3A_8 = arith.constant 1024 : i32
    %scan3A_9 = arith.addi %scan3A_7, %scan3A_8 : i32
    %scan3A_10 = arith.constant 1 : i32
    scf.for %scan3A_115 = %scan3A_7 to %scan3A_9 step %scan3A_10  : i32 {
      %jit3A = arith.constant 8 : i32
      %div3A = arith.divsi %scan3A_115, %jit3A : i32
      %sign3A = arith.constant 0 : i32
      %sign3A_116 = arith.cmpi sgt, %scan3A_115, %sign3A : i32
      %sign3A_117 = arith.extui %sign3A_116 : i1 to i32
      %sign3A_118 = arith.constant 0 : i32
      %sign3A_119 = arith.cmpi slt, %scan3A_115, %sign3A_118 : i32
      %sign3A_120 = arith.extui %sign3A_119 : i1 to i32
      %sign3A_121 = arith.subi %sign3A_117, %sign3A_120 : i32
      %sign3A_122 = arith.constant 0 : i32
      %sign3A_123 = arith.cmpi sgt, %jit3A, %sign3A_122 : i32
      %sign3A_124 = arith.extui %sign3A_123 : i1 to i32
      %sign3A_125 = arith.constant 0 : i32
      %sign3A_126 = arith.cmpi slt, %jit3A, %sign3A_125 : i32
      %sign3A_127 = arith.extui %sign3A_126 : i1 to i32
      %sign3A_128 = arith.subi %sign3A_124, %sign3A_127 : i32
      %ne3A = arith.cmpi ne, %sign3A_121, %sign3A_128 : i32
      %rem3A = arith.remsi %scan3A_115, %jit3A : i32
      %ne3A_129 = arith.constant 0 : i32
      %ne3A_130 = arith.cmpi ne, %rem3A, %ne3A_129 : i32
      %and3A = arith.andi %ne3A, %ne3A_130 : i1
      %sub3A = arith.constant 1 : i32
      %sub3A_131 = arith.subi %div3A, %sub3A : i32
      %select_n3A = arith.select %and3A, %sub3A_131, %div3A : i32
      %jit3A_132 = arith.constant 8 : i32
      %eq3A = arith.constant 0 : i32
      %eq3A_133 = arith.cmpi eq, %jit3A_132, %eq3A : i32
      %jit3A_134 = arith.constant 1 : i32
      %select_n3A_135 = arith.select %eq3A_133, %jit3A_134, %jit3A_132 : i32
      %rem3A_136 = arith.remsi %scan3A_115, %select_n3A_135 : i32
      %ne3A_137 = arith.constant 0 : i32
      %ne3A_138 = arith.cmpi ne, %rem3A_136, %ne3A_137 : i32
      %lt3A = arith.constant 0 : i32
      %lt3A_139 = arith.cmpi slt, %rem3A_136, %lt3A : i32
      %lt3A_140 = arith.constant 0 : i32
      %lt3A_141 = arith.cmpi slt, %select_n3A_135, %lt3A_140 : i32
      %ne3A_142 = arith.xori %lt3A_139, %lt3A_141 : i1
      %and3A_143 = arith.andi %ne3A_142, %ne3A_138 : i1
      %add3A_144 = arith.addi %rem3A_136, %select_n3A_135 : i32
      %select_n3A_145 = arith.select %and3A_143, %add3A_144, %rem3A_136 : i32
      %mul3A_146 = arith.constant 16 : i32
      %mul3A_147 = arith.muli %select_n3A_145, %mul3A_146 : i32
      %broadcast_in_dim3A = arith.constant 0.000000e+00 : f32
      %broadcast_in_dim3A_148 = vector.broadcast %broadcast_in_dim3A : f32 to vector<16xf32>
      %swap3A = arith.index_cast %select_n3A : i32 to index
      %swap3A_149 = arith.index_cast %mul3A_147 : i32 to index
      %swap3A_150 = tpu.vector_load %arg9[%swap3A, %swap3A_149] {strides = array<i32>} : memref<128x128xf32, #tpu.memory_space<vmem>>, vector<1x16xf32>,
      %swap3A_151 = vector.shape_cast %swap3A_150 : vector<1x16xf32> to vector<16xf32>
      %swap3A_152 = vector.shape_cast %broadcast_in_dim3A_148 : vector<16xf32> to vector<1x16xf32>
      tpu.vector_store %arg9[%swap3A, %swap3A_149], %swap3A_152 {strides = array<i32>} : memref<128x128xf32, #tpu.memory_space<vmem>>, vector<1x16xf32>,
    }
    %scan3A_11 = arith.constant 1024 : i32
    %mul3A_12 = arith.constant 640 : i32
    %mul3A_13 = arith.muli %arg1, %mul3A_12 : i32
    %add3A_14 = arith.constant 0 : i32
    %add3A_15 = arith.addi %mul3A_13, %add3A_14 : i32
    %dma_start3A_16 = arith.constant 0 : i32
    %dma_start3A_17 = tpu.memref_slice %arg10[%add3A_15, %dma_start3A_16] : memref<10240x128xf32, #tpu.memory_space<vmem_shared>> -> memref<128x128xf32, #tpu.memory_space<vmem_shared>>
    %dma_start3A_18 = arith.constant 0 : i32
    %dma_start3A_19 = tpu.memref_slice %arg10[%add3A_15, %dma_start3A_18] : memref<10240x128xf32, #tpu.memory_space<vmem_shared>> -> memref<128x128xf32, #tpu.memory_space<vmem_shared>>
    tpu.enqueue_dma source(%arg9 : memref<128x128xf32, #tpu.memory_space<vmem>>) target(%dma_start3A_19 : memref<128x128xf32, #tpu.memory_space<vmem_shared>>) target_semaphore(%arg12 : memref<!tpu.dma_semaphore, #tpu.memory_space<semaphore_mem>>)
    %mul3A_20 = arith.constant 640 : i32
    %mul3A_21 = arith.muli %arg1, %mul3A_20 : i32
    %add3A_22 = arith.constant 128 : i32
    %add3A_23 = arith.addi %mul3A_21, %add3A_22 : i32
    %dma_start3A_24 = arith.constant 0 : i32
    %dma_start3A_25 = tpu.memref_slice %arg10[%add3A_23, %dma_start3A_24] : memref<10240x128xf32, #tpu.memory_space<vmem_shared>> -> memref<128x128xf32, #tpu.memory_space<vmem_shared>>
    %dma_start3A_26 = arith.constant 0 : i32
    %dma_start3A_27 = tpu.memref_slice %arg10[%add3A_23, %dma_start3A_26] : memref<10240x128xf32, #tpu.memory_space<vmem_shared>> -> memref<128x128xf32, #tpu.memory_space<vmem_shared>>
    tpu.enqueue_dma source(%arg9 : memref<128x128xf32, #tpu.memory_space<vmem>>) target(%dma_start3A_27 : memref<128x128xf32, #tpu.memory_space<vmem_shared>>) target_semaphore(%arg12 : memref<!tpu.dma_semaphore, #tpu.memory_space<semaphore_mem>>)
    %mul3A_28 = arith.constant 640 : i32
    %mul3A_29 = arith.muli %arg1, %mul3A_28 : i32
    %add3A_30 = arith.constant 256 : i32
    %add3A_31 = arith.addi %mul3A_29, %add3A_30 : i32
    %dma_start3A_32 = arith.constant 0 : i32
    %dma_start3A_33 = tpu.memref_slice %arg10[%add3A_31, %dma_start3A_32] : memref<10240x128xf32, #tpu.memory_space<vmem_shared>> -> memref<128x128xf32, #tpu.memory_space<vmem_shared>>
    %dma_start3A_34 = arith.constant 0 : i32
    %dma_start3A_35 = tpu.memref_slice %arg10[%add3A_31, %dma_start3A_34] : memref<10240x128xf32, #tpu.memory_space<vmem_shared>> -> memref<128x128xf32, #tpu.memory_space<vmem_shared>>
    tpu.enqueue_dma source(%arg9 : memref<128x128xf32, #tpu.memory_space<vmem>>) target(%dma_start3A_35 : memref<128x128xf32, #tpu.memory_space<vmem_shared>>) target_semaphore(%arg12 : memref<!tpu.dma_semaphore, #tpu.memory_space<semaphore_mem>>)
    %mul3A_36 = arith.constant 640 : i32
    %mul3A_37 = arith.muli %arg1, %mul3A_36 : i32
    %add3A_38 = arith.constant 384 : i32
    %add3A_39 = arith.addi %mul3A_37, %add3A_38 : i32
    %dma_start3A_40 = arith.constant 0 : i32
    %dma_start3A_41 = tpu.memref_slice %arg10[%add3A_39, %dma_start3A_40] : memref<10240x128xf32, #tpu.memory_space<vmem_shared>> -> memref<128x128xf32, #tpu.memory_space<vmem_shared>>
    %dma_start3A_42 = arith.constant 0 : i32
    %dma_start3A_43 = tpu.memref_slice %arg10[%add3A_39, %dma_start3A_42] : memref<10240x128xf32, #tpu.memory_space<vmem_shared>> -> memref<128x128xf32, #tpu.memory_space<vmem_shared>>
    tpu.enqueue_dma source(%arg9 : memref<128x128xf32, #tpu.memory_space<vmem>>) target(%dma_start3A_43 : memref<128x128xf32, #tpu.memory_space<vmem_shared>>) target_semaphore(%arg12 : memref<!tpu.dma_semaphore, #tpu.memory_space<semaphore_mem>>)
    %mul3A_44 = arith.constant 640 : i32
    %mul3A_45 = arith.muli %arg1, %mul3A_44 : i32
    %add3A_46 = arith.constant 512 : i32
    %add3A_47 = arith.addi %mul3A_45, %add3A_46 : i32
    %dma_start3A_48 = arith.constant 0 : i32
    %dma_start3A_49 = tpu.memref_slice %arg10[%add3A_47, %dma_start3A_48] : memref<10240x128xf32, #tpu.memory_space<vmem_shared>> -> memref<128x128xf32, #tpu.memory_space<vmem_shared>>
    %dma_start3A_50 = arith.constant 0 : i32
    %dma_start3A_51 = tpu.memref_slice %arg10[%add3A_47, %dma_start3A_50] : memref<10240x128xf32, #tpu.memory_space<vmem_shared>> -> memref<128x128xf32, #tpu.memory_space<vmem_shared>>
    tpu.enqueue_dma source(%arg9 : memref<128x128xf32, #tpu.memory_space<vmem>>) target(%dma_start3A_51 : memref<128x128xf32, #tpu.memory_space<vmem_shared>>) target_semaphore(%arg12 : memref<!tpu.dma_semaphore, #tpu.memory_space<semaphore_mem>>)
    %mul3A_52 = arith.constant 640 : i32
    %mul3A_53 = arith.muli %arg1, %mul3A_52 : i32
    %add3A_54 = arith.constant 0 : i32
    %add3A_55 = arith.addi %mul3A_53, %add3A_54 : i32
    %dma_wait3A = arith.constant 0 : i32
    %dma_wait3A_56 = tpu.memref_slice %arg10[%add3A_55, %dma_wait3A] : memref<10240x128xf32, #tpu.memory_space<vmem_shared>> -> memref<128x128xf32, #tpu.memory_space<vmem_shared>>
    %dma_wait3A_57 = arith.constant 0 : i32
    %dma_wait3A_58 = tpu.memref_slice %arg10[%add3A_55, %dma_wait3A_57] : memref<10240x128xf32, #tpu.memory_space<vmem_shared>> -> memref<128x128xf32, #tpu.memory_space<vmem_shared>>
    tpu.wait_dma2 semaphore(%arg12 : memref<!tpu.dma_semaphore, #tpu.memory_space<semaphore_mem>>) src(%arg9 : memref<128x128xf32, #tpu.memory_space<vmem>>) dst(%dma_wait3A_58 : memref<128x128xf32, #tpu.memory_space<vmem_shared>>)
    %mul3A_59 = arith.constant 640 : i32
    %mul3A_60 = arith.muli %arg1, %mul3A_59 : i32
    %add3A_61 = arith.constant 128 : i32
    %add3A_62 = arith.addi %mul3A_60, %add3A_61 : i32
    %dma_wait3A_63 = arith.constant 0 : i32
    %dma_wait3A_64 = tpu.memref_slice %arg10[%add3A_62, %dma_wait3A_63] : memref<10240x128xf32, #tpu.memory_space<vmem_shared>> -> memref<128x128xf32, #tpu.memory_space<vmem_shared>>
    %dma_wait3A_65 = arith.constant 0 : i32
    %dma_wait3A_66 = tpu.memref_slice %arg10[%add3A_62, %dma_wait3A_65] : memref<10240x128xf32, #tpu.memory_space<vmem_shared>> -> memref<128x128xf32, #tpu.memory_space<vmem_shared>>
    tpu.wait_dma2 semaphore(%arg12 : memref<!tpu.dma_semaphore, #tpu.memory_space<semaphore_mem>>) src(%arg9 : memref<128x128xf32, #tpu.memory_space<vmem>>) dst(%dma_wait3A_66 : memref<128x128xf32, #tpu.memory_space<vmem_shared>>)
    %mul3A_67 = arith.constant 640 : i32
    %mul3A_68 = arith.muli %arg1, %mul3A_67 : i32
    %add3A_69 = arith.constant 256 : i32
    %add3A_70 = arith.addi %mul3A_68, %add3A_69 : i32
    %dma_wait3A_71 = arith.constant 0 : i32
    %dma_wait3A_72 = tpu.memref_slice %arg10[%add3A_70, %dma_wait3A_71] : memref<10240x128xf32, #tpu.memory_space<vmem_shared>> -> memref<128x128xf32, #tpu.memory_space<vmem_shared>>
    %dma_wait3A_73 = arith.constant 0 : i32
    %dma_wait3A_74 = tpu.memref_slice %arg10[%add3A_70, %dma_wait3A_73] : memref<10240x128xf32, #tpu.memory_space<vmem_shared>> -> memref<128x128xf32, #tpu.memory_space<vmem_shared>>
    tpu.wait_dma2 semaphore(%arg12 : memref<!tpu.dma_semaphore, #tpu.memory_space<semaphore_mem>>) src(%arg9 : memref<128x128xf32, #tpu.memory_space<vmem>>) dst(%dma_wait3A_74 : memref<128x128xf32, #tpu.memory_space<vmem_shared>>)
    %mul3A_75 = arith.constant 640 : i32
    %mul3A_76 = arith.muli %arg1, %mul3A_75 : i32
    %add3A_77 = arith.constant 384 : i32
    %add3A_78 = arith.addi %mul3A_76, %add3A_77 : i32
    %dma_wait3A_79 = arith.constant 0 : i32
    %dma_wait3A_80 = tpu.memref_slice %arg10[%add3A_78, %dma_wait3A_79] : memref<10240x128xf32, #tpu.memory_space<vmem_shared>> -> memref<128x128xf32, #tpu.memory_space<vmem_shared>>
    %dma_wait3A_81 = arith.constant 0 : i32
    %dma_wait3A_82 = tpu.memref_slice %arg10[%add3A_78, %dma_wait3A_81] : memref<10240x128xf32, #tpu.memory_space<vmem_shared>> -> memref<128x128xf32, #tpu.memory_space<vmem_shared>>
    tpu.wait_dma2 semaphore(%arg12 : memref<!tpu.dma_semaphore, #tpu.memory_space<semaphore_mem>>) src(%arg9 : memref<128x128xf32, #tpu.memory_space<vmem>>) dst(%dma_wait3A_82 : memref<128x128xf32, #tpu.memory_space<vmem_shared>>)
    %mul3A_83 = arith.constant 640 : i32
    %mul3A_84 = arith.muli %arg1, %mul3A_83 : i32
    %add3A_85 = arith.constant 512 : i32
    %add3A_86 = arith.addi %mul3A_84, %add3A_85 : i32
    %dma_wait3A_87 = arith.constant 0 : i32
    %dma_wait3A_88 = tpu.memref_slice %arg10[%add3A_86, %dma_wait3A_87] : memref<10240x128xf32, #tpu.memory_space<vmem_shared>> -> memref<128x128xf32, #tpu.memory_space<vmem_shared>>
    %dma_wait3A_89 = arith.constant 0 : i32
    %dma_wait3A_90 = tpu.memref_slice %arg10[%add3A_86, %dma_wait3A_89] : memref<10240x128xf32, #tpu.memory_space<vmem_shared>> -> memref<128x128xf32, #tpu.memory_space<vmem_shared>>
    tpu.wait_dma2 semaphore(%arg12 : memref<!tpu.dma_semaphore, #tpu.memory_space<semaphore_mem>>) src(%arg9 : memref<128x128xf32, #tpu.memory_space<vmem>>) dst(%dma_wait3A_90 : memref<128x128xf32, #tpu.memory_space<vmem_shared>>)
    %barrier3A = arith.constant 0 : index
    tpu.barrier barrier_id(%barrier3A)
    %scan3A_91 = arith.constant 0 : i32
    %scan3A_92 = arith.constant 0 : i32
    %scan3A_93 = arith.constant 20 : i32
    %scan3A_94 = arith.addi %scan3A_92, %scan3A_93 : i32
    %scan3A_95 = arith.constant 1 : i32
    scf.for %scan3A_115 = %scan3A_92 to %scan3A_94 step %scan3A_95  : i32 {
      %mul3A_116 = arith.constant 2 : i32
      %mul3A_117 = arith.muli %mul3A_116, %scan3A_115 : i32
      %add3A_118 = arith.constant 1 : i32
      %add3A_119 = arith.addi %mul3A_117, %add3A_118 : i32
      %dma_start3A_120 = arith.constant 0 : i32
      %dma_start3A_121 = tpu.memref_slice %arg6[%add3A_119, %dma_start3A_120] : memref<40x128xi32, #tpu.memory_space<vmem>> -> memref<1x128xi32, #tpu.memory_space<vmem>>
      %dma_start3A_122 = tpu.memref_squeeze %dma_start3A_121 : memref<1x128xi32, #tpu.memory_space<vmem>> -> memref<128xi32, #tpu.memory_space<vmem>>
      %dma_start3A_123 = arith.constant 0 : i32
      %dma_start3A_124 = arith.constant 0 : i32
      %dma_start3A_125 = tpu.memref_slice %arg2[%dma_start3A_123, %dma_start3A_124] : memref<10000x128xf32, #tpu.memory_space<hbm>> -> memref<10000x128xf32, #tpu.memory_space<hbm>>
      tpu.enqueue_indirect_dma source(%dma_start3A_125 : memref<10000x128xf32, #tpu.memory_space<hbm>>) target(%arg9 : memref<128x128xf32, #tpu.memory_space<vmem>>) offsets(%dma_start3A_122 : memref<128xi32, #tpu.memory_space<vmem>>) semaphore(%arg12 : memref<!tpu.dma_semaphore, #tpu.memory_space<semaphore_mem>>)
      %dma_wait3A_126 = arith.constant 0 : i32
      %dma_wait3A_127 = tpu.memref_slice %arg6[%mul3A_117, %dma_wait3A_126] : memref<40x128xi32, #tpu.memory_space<vmem>> -> memref<1x128xi32, #tpu.memory_space<vmem>>
      %dma_wait3A_128 = tpu.memref_squeeze %dma_wait3A_127 : memref<1x128xi32, #tpu.memory_space<vmem>> -> memref<128xi32, #tpu.memory_space<vmem>>
      %dma_wait3A_129 = arith.constant 0 : i32
      %dma_wait3A_130 = arith.constant 0 : i32
      %dma_wait3A_131 = tpu.memref_slice %arg2[%dma_wait3A_129, %dma_wait3A_130] : memref<10000x128xf32, #tpu.memory_space<hbm>> -> memref<10000x128xf32, #tpu.memory_space<hbm>>
      tpu.wait_indirect_dma semaphore(%arg11 : memref<!tpu.dma_semaphore, #tpu.memory_space<semaphore_mem>>) src(%dma_wait3A_131 : memref<10000x128xf32, #tpu.memory_space<hbm>>) dst(%arg8 : memref<128x128xf32, #tpu.memory_space<vmem>>)
      "tpu.region"() ({
        %run_scoped3A = tpu.sem_alloc : memref<!tpu.dma_semaphore, #tpu.memory_space<semaphore_mem>>
        %dma_start3A_146 = arith.constant 0 : i32
        %dma_start3A_147 = tpu.memref_slice %arg7[%mul3A_117, %dma_start3A_146] : memref<40x128xi32, #tpu.memory_space<vmem>> -> memref<1x128xi32, #tpu.memory_space<vmem>>
        %dma_start3A_148 = tpu.memref_squeeze %dma_start3A_147 : memref<1x128xi32, #tpu.memory_space<vmem>> -> memref<128xi32, #tpu.memory_space<vmem>>
        %dma_start3A_149 = arith.constant 0 : i32
        %dma_start3A_150 = arith.constant 0 : i32
        %dma_start3A_151 = tpu.memref_slice %arg10[%dma_start3A_149, %dma_start3A_150] : memref<10240x128xf32, #tpu.memory_space<vmem_shared>> -> memref<10240x128xf32, #tpu.memory_space<vmem_shared>>
        tpu.enqueue_indirect_dma source(%arg8 : memref<128x128xf32, #tpu.memory_space<vmem>>) target(%dma_start3A_151 : memref<10240x128xf32, #tpu.memory_space<vmem_shared>>) offsets(%dma_start3A_148 : memref<128xi32, #tpu.memory_space<vmem>>) semaphore(%run_scoped3A : memref<!tpu.dma_semaphore, #tpu.memory_space<semaphore_mem>>) {add = true}
        %dma_wait3A_152 = arith.constant 0 : i32
        %dma_wait3A_153 = tpu.memref_slice %arg7[%mul3A_117, %dma_wait3A_152] : memref<40x128xi32, #tpu.memory_space<vmem>> -> memref<1x128xi32, #tpu.memory_space<vmem>>
        %dma_wait3A_154 = tpu.memref_squeeze %dma_wait3A_153 : memref<1x128xi32, #tpu.memory_space<vmem>> -> memref<128xi32, #tpu.memory_space<vmem>>
        %dma_wait3A_155 = arith.constant 0 : i32
        %dma_wait3A_156 = arith.constant 0 : i32
        %dma_wait3A_157 = tpu.memref_slice %arg10[%dma_wait3A_155, %dma_wait3A_156] : memref<10240x128xf32, #tpu.memory_space<vmem_shared>> -> memref<10240x128xf32, #tpu.memory_space<vmem_shared>>
        tpu.wait_indirect_dma semaphore(%run_scoped3A : memref<!tpu.dma_semaphore, #tpu.memory_space<semaphore_mem>>) src(%arg8 : memref<128x128xf32, #tpu.memory_space<vmem>>) dst(%dma_wait3A_157 : memref<10240x128xf32, #tpu.memory_space<vmem_shared>>)
        tpu.yield
      }) : () -> ()
      %add3A_132 = arith.constant 2 : i32
      %add3A_133 = arith.addi %mul3A_117, %add3A_132 : i32
      %lt3A = arith.constant 40 : i32
      %lt3A_134 = arith.cmpi slt, %add3A_133, %lt3A : i32
      %convert_element_type3A = arith.extui %lt3A_134 : i1 to i32
      %cond3A = arith.constant 0 : i32
      %cond3A_135 = arith.cmpi ne, %convert_element_type3A, %cond3A : i32
      scf.if %cond3A_135 {
        %add3A_146 = arith.constant 2 : i32
        %add3A_147 = arith.addi %mul3A_117, %add3A_146 : i32
        %dma_start3A_148 = arith.constant 0 : i32
        %dma_start3A_149 = tpu.memref_slice %arg6[%add3A_147, %dma_start3A_148] : memref<40x128xi32, #tpu.memory_space<vmem>> -> memref<1x128xi32, #tpu.memory_space<vmem>>
        %dma_start3A_150 = tpu.memref_squeeze %dma_start3A_149 : memref<1x128xi32, #tpu.memory_space<vmem>> -> memref<128xi32, #tpu.memory_space<vmem>>
        %dma_start3A_151 = arith.constant 0 : i32
        %dma_start3A_152 = arith.constant 0 : i32
        %dma_start3A_153 = tpu.memref_slice %arg2[%dma_start3A_151, %dma_start3A_152] : memref<10000x128xf32, #tpu.memory_space<hbm>> -> memref<10000x128xf32, #tpu.memory_space<hbm>>
        tpu.enqueue_indirect_dma source(%dma_start3A_153 : memref<10000x128xf32, #tpu.memory_space<hbm>>) target(%arg8 : memref<128x128xf32, #tpu.memory_space<vmem>>) offsets(%dma_start3A_150 : memref<128xi32, #tpu.memory_space<vmem>>) semaphore(%arg11 : memref<!tpu.dma_semaphore, #tpu.memory_space<semaphore_mem>>)
      } else {
      }
      %add3A_136 = arith.constant 1 : i32
      %add3A_137 = arith.addi %mul3A_117, %add3A_136 : i32
      %dma_wait3A_138 = arith.constant 0 : i32
      %dma_wait3A_139 = tpu.memref_slice %arg6[%add3A_137, %dma_wait3A_138] : memref<40x128xi32, #tpu.memory_space<vmem>> -> memref<1x128xi32, #tpu.memory_space<vmem>>
      %dma_wait3A_140 = tpu.memref_squeeze %dma_wait3A_139 : memref<1x128xi32, #tpu.memory_space<vmem>> -> memref<128xi32, #tpu.memory_space<vmem>>
      %dma_wait3A_141 = arith.constant 0 : i32
      %dma_wait3A_142 = arith.constant 0 : i32
      %dma_wait3A_143 = tpu.memref_slice %arg2[%dma_wait3A_141, %dma_wait3A_142] : memref<10000x128xf32, #tpu.memory_space<hbm>> -> memref<10000x128xf32, #tpu.memory_space<hbm>>
      tpu.wait_indirect_dma semaphore(%arg12 : memref<!tpu.dma_semaphore, #tpu.memory_space<semaphore_mem>>) src(%dma_wait3A_143 : memref<10000x128xf32, #tpu.memory_space<hbm>>) dst(%arg9 : memref<128x128xf32, #tpu.memory_space<vmem>>)
      %add3A_144 = arith.constant 1 : i32
      %add3A_145 = arith.addi %mul3A_117, %add3A_144 : i32
      "tpu.region"() ({
        %run_scoped3A = tpu.sem_alloc : memref<!tpu.dma_semaphore, #tpu.memory_space<semaphore_mem>>
        %dma_start3A_146 = arith.constant 0 : i32
        %dma_start3A_147 = tpu.memref_slice %arg7[%add3A_145, %dma_start3A_146] : memref<40x128xi32, #tpu.memory_space<vmem>> -> memref<1x128xi32, #tpu.memory_space<vmem>>
        %dma_start3A_148 = tpu.memref_squeeze %dma_start3A_147 : memref<1x128xi32, #tpu.memory_space<vmem>> -> memref<128xi32, #tpu.memory_space<vmem>>
        %dma_start3A_149 = arith.constant 0 : i32
        %dma_start3A_150 = arith.constant 0 : i32
        %dma_start3A_151 = tpu.memref_slice %arg10[%dma_start3A_149, %dma_start3A_150] : memref<10240x128xf32, #tpu.memory_space<vmem_shared>> -> memref<10240x128xf32, #tpu.memory_space<vmem_shared>>
        tpu.enqueue_indirect_dma source(%arg9 : memref<128x128xf32, #tpu.memory_space<vmem>>) target(%dma_start3A_151 : memref<10240x128xf32, #tpu.memory_space<vmem_shared>>) offsets(%dma_start3A_148 : memref<128xi32, #tpu.memory_space<vmem>>) semaphore(%run_scoped3A : memref<!tpu.dma_semaphore, #tpu.memory_space<semaphore_mem>>) {add = true}
        %dma_wait3A_152 = arith.constant 0 : i32
        %dma_wait3A_153 = tpu.memref_slice %arg7[%add3A_145, %dma_wait3A_152] : memref<40x128xi32, #tpu.memory_space<vmem>> -> memref<1x128xi32, #tpu.memory_space<vmem>>
        %dma_wait3A_154 = tpu.memref_squeeze %dma_wait3A_153 : memref<1x128xi32, #tpu.memory_space<vmem>> -> memref<128xi32, #tpu.memory_space<vmem>>
        %dma_wait3A_155 = arith.constant 0 : i32
        %dma_wait3A_156 = arith.constant 0 : i32
        %dma_wait3A_157 = tpu.memref_slice %arg10[%dma_wait3A_155, %dma_wait3A_156] : memref<10240x128xf32, #tpu.memory_space<vmem_shared>> -> memref<10240x128xf32, #tpu.memory_space<vmem_shared>>
        tpu.wait_indirect_dma semaphore(%run_scoped3A : memref<!tpu.dma_semaphore, #tpu.memory_space<semaphore_mem>>) src(%arg9 : memref<128x128xf32, #tpu.memory_space<vmem>>) dst(%dma_wait3A_157 : memref<10240x128xf32, #tpu.memory_space<vmem_shared>>)
        tpu.yield
      }) : () -> ()
    }
    %scan3A_96 = arith.constant 20 : i32
    "tpu.region"() ({
      %run_scoped3A = tpu.sem_alloc : memref<!tpu.dma_semaphore, #tpu.memory_space<semaphore_mem>>
      %dma_start3A_115 = arith.constant 40 : i32
      %dma_start3A_116 = arith.constant 0 : i32
      %dma_start3A_117 = tpu.memref_slice %arg3[%add3A, %dma_start3A_115, %dma_start3A_116] : memref<32x80x128xi32, #tpu.memory_space<hbm>> -> memref<1x40x128xi32, #tpu.memory_space<hbm>>
      %dma_start3A_118 = tpu.memref_squeeze %dma_start3A_117 : memref<1x40x128xi32, #tpu.memory_space<hbm>> -> memref<40x128xi32, #tpu.memory_space<hbm>>
      %dma_start3A_119 = arith.constant 40 : i32
      %dma_start3A_120 = arith.constant 0 : i32
      %dma_start3A_121 = tpu.memref_slice %arg3[%add3A, %dma_start3A_119, %dma_start3A_120] : memref<32x80x128xi32, #tpu.memory_space<hbm>> -> memref<1x40x128xi32, #tpu.memory_space<hbm>>
      %dma_start3A_122 = tpu.memref_squeeze %dma_start3A_121 : memref<1x40x128xi32, #tpu.memory_space<hbm>> -> memref<40x128xi32, #tpu.memory_space<hbm>>
      tpu.enqueue_dma source(%dma_start3A_122 : memref<40x128xi32, #tpu.memory_space<hbm>>) target(%arg6 : memref<40x128xi32, #tpu.memory_space<vmem>>) target_semaphore(%run_scoped3A : memref<!tpu.dma_semaphore, #tpu.memory_space<semaphore_mem>>)
      %dma_wait3A_123 = arith.constant 40 : i32
      %dma_wait3A_124 = arith.constant 0 : i32
      %dma_wait3A_125 = tpu.memref_slice %arg3[%add3A, %dma_wait3A_123, %dma_wait3A_124] : memref<32x80x128xi32, #tpu.memory_space<hbm>> -> memref<1x40x128xi32, #tpu.memory_space<hbm>>
      %dma_wait3A_126 = tpu.memref_squeeze %dma_wait3A_125 : memref<1x40x128xi32, #tpu.memory_space<hbm>> -> memref<40x128xi32, #tpu.memory_space<hbm>>
      %dma_wait3A_127 = arith.constant 40 : i32
      %dma_wait3A_128 = arith.constant 0 : i32
      %dma_wait3A_129 = tpu.memref_slice %arg3[%add3A, %dma_wait3A_127, %dma_wait3A_128] : memref<32x80x128xi32, #tpu.memory_space<hbm>> -> memref<1x40x128xi32, #tpu.memory_space<hbm>>
      %dma_wait3A_130 = tpu.memref_squeeze %dma_wait3A_129 : memref<1x40x128xi32, #tpu.memory_space<hbm>> -> memref<40x128xi32, #tpu.memory_space<hbm>>
      tpu.wait_dma2 semaphore(%run_scoped3A : memref<!tpu.dma_semaphore, #tpu.memory_space<semaphore_mem>>) src(%dma_wait3A_130 : memref<40x128xi32, #tpu.memory_space<hbm>>) dst(%arg6 : memref<40x128xi32, #tpu.memory_space<vmem>>)
      tpu.yield
    }) : () -> ()
    "tpu.region"() ({
      %run_scoped3A = tpu.sem_alloc : memref<!tpu.dma_semaphore, #tpu.memory_space<semaphore_mem>>
      %dma_start3A_115 = arith.constant 40 : i32
      %dma_start3A_116 = arith.constant 0 : i32
      %dma_start3A_117 = tpu.memref_slice %arg4[%add3A, %dma_start3A_115, %dma_start3A_116] : memref<32x80x128xi32, #tpu.memory_space<hbm>> -> memref<1x40x128xi32, #tpu.memory_space<hbm>>
      %dma_start3A_118 = tpu.memref_squeeze %dma_start3A_117 : memref<1x40x128xi32, #tpu.memory_space<hbm>> -> memref<40x128xi32, #tpu.memory_space<hbm>>
      %dma_start3A_119 = arith.constant 40 : i32
      %dma_start3A_120 = arith.constant 0 : i32
      %dma_start3A_121 = tpu.memref_slice %arg4[%add3A, %dma_start3A_119, %dma_start3A_120] : memref<32x80x128xi32, #tpu.memory_space<hbm>> -> memref<1x40x128xi32, #tpu.memory_space<hbm>>
      %dma_start3A_122 = tpu.memref_squeeze %dma_start3A_121 : memref<1x40x128xi32, #tpu.memory_space<hbm>> -> memref<40x128xi32, #tpu.memory_space<hbm>>
      tpu.enqueue_dma source(%dma_start3A_122 : memref<40x128xi32, #tpu.memory_space<hbm>>) target(%arg7 : memref<40x128xi32, #tpu.memory_space<vmem>>) target_semaphore(%run_scoped3A : memref<!tpu.dma_semaphore, #tpu.memory_space<semaphore_mem>>)
      %dma_wait3A_123 = arith.constant 40 : i32
      %dma_wait3A_124 = arith.constant 0 : i32
      %dma_wait3A_125 = tpu.memref_slice %arg4[%add3A, %dma_wait3A_123, %dma_wait3A_124] : memref<32x80x128xi32, #tpu.memory_space<hbm>> -> memref<1x40x128xi32, #tpu.memory_space<hbm>>
      %dma_wait3A_126 = tpu.memref_squeeze %dma_wait3A_125 : memref<1x40x128xi32, #tpu.memory_space<hbm>> -> memref<40x128xi32, #tpu.memory_space<hbm>>
      %dma_wait3A_127 = arith.constant 40 : i32
      %dma_wait3A_128 = arith.constant 0 : i32
      %dma_wait3A_129 = tpu.memref_slice %arg4[%add3A, %dma_wait3A_127, %dma_wait3A_128] : memref<32x80x128xi32, #tpu.memory_space<hbm>> -> memref<1x40x128xi32, #tpu.memory_space<hbm>>
      %dma_wait3A_130 = tpu.memref_squeeze %dma_wait3A_129 : memref<1x40x128xi32, #tpu.memory_space<hbm>> -> memref<40x128xi32, #tpu.memory_space<hbm>>
      tpu.wait_dma2 semaphore(%run_scoped3A : memref<!tpu.dma_semaphore, #tpu.memory_space<semaphore_mem>>) src(%dma_wait3A_130 : memref<40x128xi32, #tpu.memory_space<hbm>>) dst(%arg7 : memref<40x128xi32, #tpu.memory_space<vmem>>)
      tpu.yield
    }) : () -> ()
    %dma_start3A_97 = arith.constant 0 : i32
    %dma_start3A_98 = arith.constant 0 : i32
    %dma_start3A_99 = tpu.memref_slice %arg6[%dma_start3A_97, %dma_start3A_98] : memref<40x128xi32, #tpu.memory_space<vmem>> -> memref<1x128xi32, #tpu.memory_space<vmem>>
    %dma_start3A_100 = tpu.memref_squeeze %dma_start3A_99 : memref<1x128xi32, #tpu.memory_space<vmem>> -> memref<128xi32, #tpu.memory_space<vmem>>
    %dma_start3A_101 = arith.constant 0 : i32
    %dma_start3A_102 = arith.constant 0 : i32
    %dma_start3A_103 = tpu.memref_slice %arg2[%dma_start3A_101, %dma_start3A_102] : memref<10000x128xf32, #tpu.memory_space<hbm>> -> memref<10000x128xf32, #tpu.memory_space<hbm>>
    tpu.enqueue_indirect_dma source(%dma_start3A_103 : memref<10000x128xf32, #tpu.memory_space<hbm>>) target(%arg8 : memref<128x128xf32, #tpu.memory_space<vmem>>) offsets(%dma_start3A_100 : memref<128xi32, #tpu.memory_space<vmem>>) semaphore(%arg11 : memref<!tpu.dma_semaphore, #tpu.memory_space<semaphore_mem>>)
    %scan3A_104 = arith.constant 0 : i32
    %scan3A_105 = arith.constant 0 : i32
    %scan3A_106 = arith.constant 20 : i32
    %scan3A_107 = arith.addi %scan3A_105, %scan3A_106 : i32
    %scan3A_108 = arith.constant 1 : i32
    scf.for %scan3A_115 = %scan3A_105 to %scan3A_107 step %scan3A_108  : i32 {
      %mul3A_116 = arith.constant 2 : i32
      %mul3A_117 = arith.muli %mul3A_116, %scan3A_115 : i32
      %add3A_118 = arith.constant 1 : i32
      %add3A_119 = arith.addi %mul3A_117, %add3A_118 : i32
      %dma_start3A_120 = arith.constant 0 : i32
      %dma_start3A_121 = tpu.memref_slice %arg6[%add3A_119, %dma_start3A_120] : memref<40x128xi32, #tpu.memory_space<vmem>> -> memref<1x128xi32, #tpu.memory_space<vmem>>
      %dma_start3A_122 = tpu.memref_squeeze %dma_start3A_121 : memref<1x128xi32, #tpu.memory_space<vmem>> -> memref<128xi32, #tpu.memory_space<vmem>>
      %dma_start3A_123 = arith.constant 0 : i32
      %dma_start3A_124 = arith.constant 0 : i32
      %dma_start3A_125 = tpu.memref_slice %arg2[%dma_start3A_123, %dma_start3A_124] : memref<10000x128xf32, #tpu.memory_space<hbm>> -> memref<10000x128xf32, #tpu.memory_space<hbm>>
      tpu.enqueue_indirect_dma source(%dma_start3A_125 : memref<10000x128xf32, #tpu.memory_space<hbm>>) target(%arg9 : memref<128x128xf32, #tpu.memory_space<vmem>>) offsets(%dma_start3A_122 : memref<128xi32, #tpu.memory_space<vmem>>) semaphore(%arg12 : memref<!tpu.dma_semaphore, #tpu.memory_space<semaphore_mem>>)
      %dma_wait3A_126 = arith.constant 0 : i32
      %dma_wait3A_127 = tpu.memref_slice %arg6[%mul3A_117, %dma_wait3A_126] : memref<40x128xi32, #tpu.memory_space<vmem>> -> memref<1x128xi32, #tpu.memory_space<vmem>>
      %dma_wait3A_128 = tpu.memref_squeeze %dma_wait3A_127 : memref<1x128xi32, #tpu.memory_space<vmem>> -> memref<128xi32, #tpu.memory_space<vmem>>
      %dma_wait3A_129 = arith.constant 0 : i32
      %dma_wait3A_130 = arith.constant 0 : i32
      %dma_wait3A_131 = tpu.memref_slice %arg2[%dma_wait3A_129, %dma_wait3A_130] : memref<10000x128xf32, #tpu.memory_space<hbm>> -> memref<10000x128xf32, #tpu.memory_space<hbm>>
      tpu.wait_indirect_dma semaphore(%arg11 : memref<!tpu.dma_semaphore, #tpu.memory_space<semaphore_mem>>) src(%dma_wait3A_131 : memref<10000x128xf32, #tpu.memory_space<hbm>>) dst(%arg8 : memref<128x128xf32, #tpu.memory_space<vmem>>)
      "tpu.region"() ({
        %run_scoped3A = tpu.sem_alloc : memref<!tpu.dma_semaphore, #tpu.memory_space<semaphore_mem>>
        %dma_start3A_146 = arith.constant 0 : i32
        %dma_start3A_147 = tpu.memref_slice %arg7[%mul3A_117, %dma_start3A_146] : memref<40x128xi32, #tpu.memory_space<vmem>> -> memref<1x128xi32, #tpu.memory_space<vmem>>
        %dma_start3A_148 = tpu.memref_squeeze %dma_start3A_147 : memref<1x128xi32, #tpu.memory_space<vmem>> -> memref<128xi32, #tpu.memory_space<vmem>>
        %dma_start3A_149 = arith.constant 0 : i32
        %dma_start3A_150 = arith.constant 0 : i32
        %dma_start3A_151 = tpu.memref_slice %arg10[%dma_start3A_149, %dma_start3A_150] : memref<10240x128xf32, #tpu.memory_space<vmem_shared>> -> memref<10240x128xf32, #tpu.memory_space<vmem_shared>>
        tpu.enqueue_indirect_dma source(%arg8 : memref<128x128xf32, #tpu.memory_space<vmem>>) target(%dma_start3A_151 : memref<10240x128xf32, #tpu.memory_space<vmem_shared>>) offsets(%dma_start3A_148 : memref<128xi32, #tpu.memory_space<vmem>>) semaphore(%run_scoped3A : memref<!tpu.dma_semaphore, #tpu.memory_space<semaphore_mem>>) {add = true}
        %dma_wait3A_152 = arith.constant 0 : i32
        %dma_wait3A_153 = tpu.memref_slice %arg7[%mul3A_117, %dma_wait3A_152] : memref<40x128xi32, #tpu.memory_space<vmem>> -> memref<1x128xi32, #tpu.memory_space<vmem>>
        %dma_wait3A_154 = tpu.memref_squeeze %dma_wait3A_153 : memref<1x128xi32, #tpu.memory_space<vmem>> -> memref<128xi32, #tpu.memory_space<vmem>>
        %dma_wait3A_155 = arith.constant 0 : i32
        %dma_wait3A_156 = arith.constant 0 : i32
        %dma_wait3A_157 = tpu.memref_slice %arg10[%dma_wait3A_155, %dma_wait3A_156] : memref<10240x128xf32, #tpu.memory_space<vmem_shared>> -> memref<10240x128xf32, #tpu.memory_space<vmem_shared>>
        tpu.wait_indirect_dma semaphore(%run_scoped3A : memref<!tpu.dma_semaphore, #tpu.memory_space<semaphore_mem>>) src(%arg8 : memref<128x128xf32, #tpu.memory_space<vmem>>) dst(%dma_wait3A_157 : memref<10240x128xf32, #tpu.memory_space<vmem_shared>>)
        tpu.yield
      }) : () -> ()
      %add3A_132 = arith.constant 2 : i32
      %add3A_133 = arith.addi %mul3A_117, %add3A_132 : i32
      %lt3A = arith.constant 40 : i32
      %lt3A_134 = arith.cmpi slt, %add3A_133, %lt3A : i32
      %convert_element_type3A = arith.extui %lt3A_134 : i1 to i32
      %cond3A = arith.constant 0 : i32
      %cond3A_135 = arith.cmpi ne, %convert_element_type3A, %cond3A : i32
      scf.if %cond3A_135 {
        %add3A_146 = arith.constant 2 : i32
        %add3A_147 = arith.addi %mul3A_117, %add3A_146 : i32
        %dma_start3A_148 = arith.constant 0 : i32
        %dma_start3A_149 = tpu.memref_slice %arg6[%add3A_147, %dma_start3A_148] : memref<40x128xi32, #tpu.memory_space<vmem>> -> memref<1x128xi32, #tpu.memory_space<vmem>>
        %dma_start3A_150 = tpu.memref_squeeze %dma_start3A_149 : memref<1x128xi32, #tpu.memory_space<vmem>> -> memref<128xi32, #tpu.memory_space<vmem>>
        %dma_start3A_151 = arith.constant 0 : i32
        %dma_start3A_152 = arith.constant 0 : i32
        %dma_start3A_153 = tpu.memref_slice %arg2[%dma_start3A_151, %dma_start3A_152] : memref<10000x128xf32, #tpu.memory_space<hbm>> -> memref<10000x128xf32, #tpu.memory_space<hbm>>
        tpu.enqueue_indirect_dma source(%dma_start3A_153 : memref<10000x128xf32, #tpu.memory_space<hbm>>) target(%arg8 : memref<128x128xf32, #tpu.memory_space<vmem>>) offsets(%dma_start3A_150 : memref<128xi32, #tpu.memory_space<vmem>>) semaphore(%arg11 : memref<!tpu.dma_semaphore, #tpu.memory_space<semaphore_mem>>)
      } else {
      }
      %add3A_136 = arith.constant 1 : i32
      %add3A_137 = arith.addi %mul3A_117, %add3A_136 : i32
      %dma_wait3A_138 = arith.constant 0 : i32
      %dma_wait3A_139 = tpu.memref_slice %arg6[%add3A_137, %dma_wait3A_138] : memref<40x128xi32, #tpu.memory_space<vmem>> -> memref<1x128xi32, #tpu.memory_space<vmem>>
      %dma_wait3A_140 = tpu.memref_squeeze %dma_wait3A_139 : memref<1x128xi32, #tpu.memory_space<vmem>> -> memref<128xi32, #tpu.memory_space<vmem>>
      %dma_wait3A_141 = arith.constant 0 : i32
      %dma_wait3A_142 = arith.constant 0 : i32
      %dma_wait3A_143 = tpu.memref_slice %arg2[%dma_wait3A_141, %dma_wait3A_142] : memref<10000x128xf32, #tpu.memory_space<hbm>> -> memref<10000x128xf32, #tpu.memory_space<hbm>>
      tpu.wait_indirect_dma semaphore(%arg12 : memref<!tpu.dma_semaphore, #tpu.memory_space<semaphore_mem>>) src(%dma_wait3A_143 : memref<10000x128xf32, #tpu.memory_space<hbm>>) dst(%arg9 : memref<128x128xf32, #tpu.memory_space<vmem>>)
      %add3A_144 = arith.constant 1 : i32
      %add3A_145 = arith.addi %mul3A_117, %add3A_144 : i32
      "tpu.region"() ({
        %run_scoped3A = tpu.sem_alloc : memref<!tpu.dma_semaphore, #tpu.memory_space<semaphore_mem>>
        %dma_start3A_146 = arith.constant 0 : i32
        %dma_start3A_147 = tpu.memref_slice %arg7[%add3A_145, %dma_start3A_146] : memref<40x128xi32, #tpu.memory_space<vmem>> -> memref<1x128xi32, #tpu.memory_space<vmem>>
        %dma_start3A_148 = tpu.memref_squeeze %dma_start3A_147 : memref<1x128xi32, #tpu.memory_space<vmem>> -> memref<128xi32, #tpu.memory_space<vmem>>
        %dma_start3A_149 = arith.constant 0 : i32
        %dma_start3A_150 = arith.constant 0 : i32
        %dma_start3A_151 = tpu.memref_slice %arg10[%dma_start3A_149, %dma_start3A_150] : memref<10240x128xf32, #tpu.memory_space<vmem_shared>> -> memref<10240x128xf32, #tpu.memory_space<vmem_shared>>
        tpu.enqueue_indirect_dma source(%arg9 : memref<128x128xf32, #tpu.memory_space<vmem>>) target(%dma_start3A_151 : memref<10240x128xf32, #tpu.memory_space<vmem_shared>>) offsets(%dma_start3A_148 : memref<128xi32, #tpu.memory_space<vmem>>) semaphore(%run_scoped3A : memref<!tpu.dma_semaphore, #tpu.memory_space<semaphore_mem>>) {add = true}
        %dma_wait3A_152 = arith.constant 0 : i32
        %dma_wait3A_153 = tpu.memref_slice %arg7[%add3A_145, %dma_wait3A_152] : memref<40x128xi32, #tpu.memory_space<vmem>> -> memref<1x128xi32, #tpu.memory_space<vmem>>
        %dma_wait3A_154 = tpu.memref_squeeze %dma_wait3A_153 : memref<1x128xi32, #tpu.memory_space<vmem>> -> memref<128xi32, #tpu.memory_space<vmem>>
        %dma_wait3A_155 = arith.constant 0 : i32
        %dma_wait3A_156 = arith.constant 0 : i32
        %dma_wait3A_157 = tpu.memref_slice %arg10[%dma_wait3A_155, %dma_wait3A_156] : memref<10240x128xf32, #tpu.memory_space<vmem_shared>> -> memref<10240x128xf32, #tpu.memory_space<vmem_shared>>
        tpu.wait_indirect_dma semaphore(%run_scoped3A : memref<!tpu.dma_semaphore, #tpu.memory_space<semaphore_mem>>) src(%arg9 : memref<128x128xf32, #tpu.memory_space<vmem>>) dst(%dma_wait3A_157 : memref<10240x128xf32, #tpu.memory_space<vmem_shared>>)
        tpu.yield
      }) : () -> ()
    }
    %scan3A_109 = arith.constant 20 : i32
    %barrier3A_110 = arith.constant 0 : index
    tpu.barrier barrier_id(%barrier3A_110)
    %mul3A_111 = arith.constant 640 : i32
    %mul3A_112 = arith.muli %arg1, %mul3A_111 : i32
    %mul3A_113 = arith.constant 640 : i32
    %mul3A_114 = arith.muli %arg1, %mul3A_113 : i32
    "tpu.region"() ({
      %run_scoped3A = tpu.sem_alloc : memref<!tpu.dma_semaphore, #tpu.memory_space<semaphore_mem>>
      %dma_start3A_115 = arith.constant 0 : i32
      %dma_start3A_116 = tpu.memref_slice %arg5[%arg0, %mul3A_114, %dma_start3A_115] : memref<2x10240x128xf32, #tpu.memory_space<hbm>> -> memref<1x640x128xf32, #tpu.memory_space<hbm>>
      %dma_start3A_117 = tpu.memref_squeeze %dma_start3A_116 : memref<1x640x128xf32, #tpu.memory_space<hbm>> -> memref<640x128xf32, #tpu.memory_space<hbm>>
      %dma_start3A_118 = arith.constant 0 : i32
      %dma_start3A_119 = tpu.memref_slice %arg10[%mul3A_112, %dma_start3A_118] : memref<10240x128xf32, #tpu.memory_space<vmem_shared>> -> memref<640x128xf32, #tpu.memory_space<vmem_shared>>
      tpu.enqueue_dma source(%dma_start3A_119 : memref<640x128xf32, #tpu.memory_space<vmem_shared>>) target(%dma_start3A_117 : memref<640x128xf32, #tpu.memory_space<hbm>>) target_semaphore(%run_scoped3A : memref<!tpu.dma_semaphore, #tpu.memory_space<semaphore_mem>>)
      %dma_wait3A_120 = arith.constant 0 : i32
      %dma_wait3A_121 = tpu.memref_slice %arg5[%arg0, %mul3A_114, %dma_wait3A_120] : memref<2x10240x128xf32, #tpu.memory_space<hbm>> -> memref<1x640x128xf32, #tpu.memory_space<hbm>>
      %dma_wait3A_122 = tpu.memref_squeeze %dma_wait3A_121 : memref<1x640x128xf32, #tpu.memory_space<hbm>> -> memref<640x128xf32, #tpu.memory_space<hbm>>
      %dma_wait3A_123 = arith.constant 0 : i32
      %dma_wait3A_124 = tpu.memref_slice %arg10[%mul3A_112, %dma_wait3A_123] : memref<10240x128xf32, #tpu.memory_space<vmem_shared>> -> memref<640x128xf32, #tpu.memory_space<vmem_shared>>
      tpu.wait_dma2 semaphore(%run_scoped3A : memref<!tpu.dma_semaphore, #tpu.memory_space<semaphore_mem>>) src(%dma_wait3A_124 : memref<640x128xf32, #tpu.memory_space<vmem_shared>>) dst(%dma_wait3A_122 : memref<640x128xf32, #tpu.memory_space<hbm>>)
      tpu.yield
    }) : () -> ()
    return
  }
}

module attributes {stable_mosaic.version = 14 : i64} {
  func.func @_fuse_body(%arg0: i32, %arg1: memref<1x2000x128xf32, #tpu.memory_space<vmem>>, %arg2: memref<1x2000x128xf32, #tpu.memory_space<vmem>>, %arg3: memref<2000x128xf32, #tpu.memory_space<vmem>>, %arg4: memref<1x2000x16xf32, #tpu.memory_space<vmem>>, %arg5: memref<1x2000x16xf32, #tpu.memory_space<vmem>>, %arg6: memref<1x128xf32, #tpu.memory_space<vmem>>, %arg7: memref<128x128xf32, #tpu.memory_space<vmem>>, %arg8: memref<2000x128xf32, #tpu.memory_space<vmem>>, %arg9: memref<2000x128xf32, #tpu.memory_space<vmem>>) attributes {dimension_semantics = [#tpu.dimension_semantics<arbitrary>], iteration_bounds = array<i64: 5>, scalar_prefetch = 0 : i64, scratch_operands = 0 : i64, tpu.core_type = #tpu.core_type<tc>, window_params = [{transform_indices = @transform_0, window_bounds = array<i64: 1, 2000, 128>}, {transform_indices = @transform_1, window_bounds = array<i64: 1, 2000, 128>}, {transform_indices = @transform_2, window_bounds = array<i64: 2000, 128>}, {transform_indices = @transform_3, window_bounds = array<i64: 1, 2000, 16>}, {transform_indices = @transform_4, window_bounds = array<i64: 1, 2000, 16>}, {pipeline_mode = #tpu.pipeline_mode<synchronous>, transform_indices = @transform_5, window_bounds = array<i64: 1, 128>}, {pipeline_mode = #tpu.pipeline_mode<synchronous>, transform_indices = @transform_6, window_bounds = array<i64: 128, 128>}, {transform_indices = @transform_7, window_bounds = array<i64: 2000, 128>}, {transform_indices = @transform_8, window_bounds = array<i64: 2000, 128>}]} {
    %get3A = arith.constant 0 : index
    %get3A_0 = arith.constant 0 : index
    %get3A_1 = arith.constant 0 : index
    %get3A_2 = vector.load %arg4[%get3A, %get3A_0, %get3A_1] : memref<1x2000x16xf32, #tpu.memory_space<vmem>>, vector<1x2000x1xf32>
    %get3A_3 = vector.shape_cast %get3A_2 : vector<1x2000x1xf32> to vector<2000x1xf32>
    %get3A_4 = arith.constant 0 : index
    %get3A_5 = arith.constant 0 : index
    %get3A_6 = arith.constant 0 : index
    %get3A_7 = vector.load %arg5[%get3A_4, %get3A_5, %get3A_6] : memref<1x2000x16xf32, #tpu.memory_space<vmem>>, vector<1x2000x1xf32>
    %get3A_8 = vector.shape_cast %get3A_7 : vector<1x2000x1xf32> to vector<2000x1xf32>
    %add3A = arith.addf %get3A_3, %get3A_8 : vector<2000x1xf32>
    %add3A_9 = arith.constant 1.000000e+00 : f32
    %add3A_10 = vector.broadcast %add3A_9 : f32 to vector<2000x1xf32>
    %add3A_11 = arith.addf %add3A, %add3A_10 : vector<2000x1xf32>
    %rsqrt3A = math.rsqrt %add3A_11 : vector<2000x1xf32>
    %get3A_12 = arith.constant 0 : index
    %get3A_13 = arith.constant 0 : index
    %get3A_14 = arith.constant 0 : index
    %get3A_15 = vector.load %arg1[%get3A_12, %get3A_13, %get3A_14] : memref<1x2000x128xf32, #tpu.memory_space<vmem>>, vector<1x2000x128xf32>
    %get3A_16 = vector.shape_cast %get3A_15 : vector<1x2000x128xf32> to vector<2000x128xf32>
    %get3A_17 = arith.constant 0 : index
    %get3A_18 = arith.constant 0 : index
    %get3A_19 = arith.constant 0 : index
    %get3A_20 = vector.load %arg2[%get3A_17, %get3A_18, %get3A_19] : memref<1x2000x128xf32, #tpu.memory_space<vmem>>, vector<1x2000x128xf32>
    %get3A_21 = vector.shape_cast %get3A_20 : vector<1x2000x128xf32> to vector<2000x128xf32>
    %add3A_22 = arith.addf %get3A_16, %get3A_21 : vector<2000x128xf32>
    %get3A_23 = arith.constant 0 : index
    %get3A_24 = arith.constant 0 : index
    %get3A_25 = vector.load %arg3[%get3A_23, %get3A_24] : memref<2000x128xf32, #tpu.memory_space<vmem>>, vector<2000x128xf32>
    %add3A_26 = arith.addf %add3A_22, %get3A_25 : vector<2000x128xf32>
    %mul3A = vector.broadcast %rsqrt3A : vector<2000x1xf32> to vector<2000x128xf32>
    %mul3A_27 = arith.mulf %mul3A, %add3A_26 : vector<2000x128xf32>
    %get3A_28 = arith.constant 0 : index
    %get3A_29 = arith.constant 0 : index
    %get3A_30 = vector.load %arg6[%get3A_28, %get3A_29] : memref<1x128xf32, #tpu.memory_space<vmem>>, vector<1x128xf32>
    %add3A_31 = vector.broadcast %get3A_30 : vector<1x128xf32> to vector<2000x128xf32>
    %add3A_32 = arith.addf %mul3A_27, %add3A_31 : vector<2000x128xf32>
    %max3A = arith.constant 0.000000e+00 : f32
    %max3A_33 = vector.broadcast %max3A : f32 to vector<2000x128xf32>
    %max3A_34 = arith.maximumf %add3A_32, %max3A_33 : vector<2000x128xf32>
    %swap3A = arith.constant 0 : index
    %swap3A_35 = arith.constant 0 : index
    %swap3A_36 = vector.load %arg8[%swap3A, %swap3A_35] : memref<2000x128xf32, #tpu.memory_space<vmem>>, vector<2000x128xf32>
    tpu.vector_store %arg8[%swap3A, %swap3A_35], %max3A_34 {strides = array<i32>} : memref<2000x128xf32, #tpu.memory_space<vmem>>, vector<2000x128xf32>,
    %get3A_37 = arith.constant 0 : index
    %get3A_38 = arith.constant 0 : index
    %get3A_39 = vector.load %arg7[%get3A_37, %get3A_38] : memref<128x128xf32, #tpu.memory_space<vmem>>, vector<128x128xf32>
    %dot_general3A = arith.constant dense<0.000000e+00> : vector<2000x128xf32>
    %dot_general3A_40 = tpu.matmul %max3A_34, %get3A_39, %dot_general3A {dimension_numbers = #tpu.dot_dimension_numbers<[1], [0], [0], [1], [0, 0, 1, 1], [], []>, transpose_lhs_hint = false} : vector<2000x128xf32>, vector<128x128xf32>, vector<2000x128xf32> -> vector<2000x128xf32>
    %mul3A_41 = vector.broadcast %rsqrt3A : vector<2000x1xf32> to vector<2000x128xf32>
    %mul3A_42 = arith.mulf %dot_general3A_40, %mul3A_41 : vector<2000x128xf32>
    %swap3A_43 = arith.constant 0 : index
    %swap3A_44 = arith.constant 0 : index
    %swap3A_45 = vector.load %arg9[%swap3A_43, %swap3A_44] : memref<2000x128xf32, #tpu.memory_space<vmem>>, vector<2000x128xf32>
    tpu.vector_store %arg9[%swap3A_43, %swap3A_44], %mul3A_42 {strides = array<i32>} : memref<2000x128xf32, #tpu.memory_space<vmem>>, vector<2000x128xf32>,
    return
  }
  func.func @transform_0(%arg0: i32) -> (i32, i32, i32) {
    %c0_i32 = arith.constant 0 : i32
    %c0_i32_0 = arith.constant 0 : i32
    %c0_i32_1 = arith.constant 0 : i32
    return %c0_i32, %arg0, %c0_i32_0 : i32, i32, i32
  }
  func.func @transform_1(%arg0: i32) -> (i32, i32, i32) {
    %c1_i32 = arith.constant 1 : i32
    %c0_i32 = arith.constant 0 : i32
    %c0_i32_0 = arith.constant 0 : i32
    return %c1_i32, %arg0, %c0_i32 : i32, i32, i32
  }
  func.func @transform_2(%arg0: i32) -> (i32, i32) {
    %c0_i32 = arith.constant 0 : i32
    %c0_i32_0 = arith.constant 0 : i32
    return %arg0, %c0_i32 : i32, i32
  }
  func.func @transform_3(%arg0: i32) -> (i32, i32, i32) {
    %c0_i32 = arith.constant 0 : i32
    %c0_i32_0 = arith.constant 0 : i32
    %c0_i32_1 = arith.constant 0 : i32
    return %c0_i32, %arg0, %c0_i32_0 : i32, i32, i32
  }
  func.func @transform_4(%arg0: i32) -> (i32, i32, i32) {
    %c1_i32 = arith.constant 1 : i32
    %c0_i32 = arith.constant 0 : i32
    %c0_i32_0 = arith.constant 0 : i32
    return %c1_i32, %arg0, %c0_i32 : i32, i32, i32
  }
  func.func @transform_5(%arg0: i32) -> (i32, i32) {
    %c0_i32 = arith.constant 0 : i32
    %c0_i32_0 = arith.constant 0 : i32
    %c0_i32_1 = arith.constant 0 : i32
    return %c0_i32, %c0_i32_0 : i32, i32
  }
  func.func @transform_6(%arg0: i32) -> (i32, i32) {
    %c0_i32 = arith.constant 0 : i32
    %c0_i32_0 = arith.constant 0 : i32
    %c0_i32_1 = arith.constant 0 : i32
    return %c0_i32, %c0_i32_0 : i32, i32
  }
  func.func @transform_7(%arg0: i32) -> (i32, i32) {
    %c0_i32 = arith.constant 0 : i32
    %c0_i32_0 = arith.constant 0 : i32
    return %arg0, %c0_i32 : i32, i32
  }
  func.func @transform_8(%arg0: i32) -> (i32, i32) {
    %c0_i32 = arith.constant 0 : i32
    %c0_i32_0 = arith.constant 0 : i32
    return %arg0, %c0_i32 : i32, i32
  }
}

module attributes {stable_mosaic.version = 14 : i64} {
  func.func @_mm1_body(%arg0: i32, %arg1: memref<2000x128xf32, #tpu.memory_space<vmem>>, %arg2: memref<128x128xf32, #tpu.memory_space<vmem>>, %arg3: memref<1x2000x16xf32, #tpu.memory_space<vmem>>, %arg4: memref<1x2000x16xf32, #tpu.memory_space<vmem>>, %arg5: memref<2000x128xf32, #tpu.memory_space<vmem>>) attributes {dimension_semantics = [#tpu.dimension_semantics<arbitrary>], iteration_bounds = array<i64: 5>, scalar_prefetch = 0 : i64, scratch_operands = 0 : i64, tpu.core_type = #tpu.core_type<tc>, window_params = [{transform_indices = @transform_0, window_bounds = array<i64: 2000, 128>}, {pipeline_mode = #tpu.pipeline_mode<synchronous>, transform_indices = @transform_1, window_bounds = array<i64: 128, 128>}, {transform_indices = @transform_2, window_bounds = array<i64: 1, 2000, 16>}, {transform_indices = @transform_3, window_bounds = array<i64: 1, 2000, 16>}, {transform_indices = @transform_4, window_bounds = array<i64: 2000, 128>}]} {
    %get3A = arith.constant 0 : index
    %get3A_0 = arith.constant 0 : index
    %get3A_1 = arith.constant 0 : index
    %get3A_2 = vector.load %arg3[%get3A, %get3A_0, %get3A_1] : memref<1x2000x16xf32, #tpu.memory_space<vmem>>, vector<1x2000x1xf32>
    %get3A_3 = vector.shape_cast %get3A_2 : vector<1x2000x1xf32> to vector<2000x1xf32>
    %get3A_4 = arith.constant 0 : index
    %get3A_5 = arith.constant 0 : index
    %get3A_6 = arith.constant 0 : index
    %get3A_7 = vector.load %arg4[%get3A_4, %get3A_5, %get3A_6] : memref<1x2000x16xf32, #tpu.memory_space<vmem>>, vector<1x2000x1xf32>
    %get3A_8 = vector.shape_cast %get3A_7 : vector<1x2000x1xf32> to vector<2000x1xf32>
    %add3A = arith.addf %get3A_3, %get3A_8 : vector<2000x1xf32>
    %add3A_9 = arith.constant 1.000000e+00 : f32
    %add3A_10 = vector.broadcast %add3A_9 : f32 to vector<2000x1xf32>
    %add3A_11 = arith.addf %add3A, %add3A_10 : vector<2000x1xf32>
    %rsqrt3A = math.rsqrt %add3A_11 : vector<2000x1xf32>
    %get3A_12 = arith.constant 0 : index
    %get3A_13 = arith.constant 0 : index
    %get3A_14 = vector.load %arg1[%get3A_12, %get3A_13] : memref<2000x128xf32, #tpu.memory_space<vmem>>, vector<2000x128xf32>
    %get3A_15 = arith.constant 0 : index
    %get3A_16 = arith.constant 0 : index
    %get3A_17 = vector.load %arg2[%get3A_15, %get3A_16] : memref<128x128xf32, #tpu.memory_space<vmem>>, vector<128x128xf32>
    %dot_general3A = arith.constant dense<0.000000e+00> : vector<2000x128xf32>
    %dot_general3A_18 = tpu.matmul %get3A_14, %get3A_17, %dot_general3A {dimension_numbers = #tpu.dot_dimension_numbers<[1], [0], [0], [1], [0, 0, 1, 1], [], []>, transpose_lhs_hint = false} : vector<2000x128xf32>, vector<128x128xf32>, vector<2000x128xf32> -> vector<2000x128xf32>
    %mul3A = vector.broadcast %rsqrt3A : vector<2000x1xf32> to vector<2000x128xf32>
    %mul3A_19 = arith.mulf %dot_general3A_18, %mul3A : vector<2000x128xf32>
    %swap3A = arith.constant 0 : index
    %swap3A_20 = arith.constant 0 : index
    %swap3A_21 = vector.load %arg5[%swap3A, %swap3A_20] : memref<2000x128xf32, #tpu.memory_space<vmem>>, vector<2000x128xf32>
    tpu.vector_store %arg5[%swap3A, %swap3A_20], %mul3A_19 {strides = array<i32>} : memref<2000x128xf32, #tpu.memory_space<vmem>>, vector<2000x128xf32>,
    return
  }
  func.func @transform_0(%arg0: i32) -> (i32, i32) {
    %c0_i32 = arith.constant 0 : i32
    %c0_i32_0 = arith.constant 0 : i32
    return %arg0, %c0_i32 : i32, i32
  }
  func.func @transform_1(%arg0: i32) -> (i32, i32) {
    %c0_i32 = arith.constant 0 : i32
    %c0_i32_0 = arith.constant 0 : i32
    %c0_i32_1 = arith.constant 0 : i32
    return %c0_i32, %c0_i32_0 : i32, i32
  }
  func.func @transform_2(%arg0: i32) -> (i32, i32, i32) {
    %c0_i32 = arith.constant 0 : i32
    %c0_i32_0 = arith.constant 0 : i32
    %c0_i32_1 = arith.constant 0 : i32
    return %c0_i32, %arg0, %c0_i32_0 : i32, i32, i32
  }
  func.func @transform_3(%arg0: i32) -> (i32, i32, i32) {
    %c1_i32 = arith.constant 1 : i32
    %c0_i32 = arith.constant 0 : i32
    %c0_i32_0 = arith.constant 0 : i32
    return %c1_i32, %arg0, %c0_i32 : i32, i32, i32
  }
  func.func @transform_4(%arg0: i32) -> (i32, i32) {
    %c0_i32 = arith.constant 0 : i32
    %c0_i32_0 = arith.constant 0 : i32
    return %arg0, %c0_i32 : i32, i32
  }
}

module attributes {stable_mosaic.version = 14 : i64} {
  func.func @_final_body(%arg0: i32, %arg1: memref<1x2000x128xf32, #tpu.memory_space<vmem>>, %arg2: memref<1x2000x128xf32, #tpu.memory_space<vmem>>, %arg3: memref<2000x128xf32, #tpu.memory_space<vmem>>, %arg4: memref<1x2000x16xf32, #tpu.memory_space<vmem>>, %arg5: memref<1x2000x16xf32, #tpu.memory_space<vmem>>, %arg6: memref<1x128xf32, #tpu.memory_space<vmem>>, %arg7: memref<2000x128xf32, #tpu.memory_space<vmem>>, %arg8: memref<2000x128xf32, #tpu.memory_space<vmem>>, %arg9: memref<2000x128xf32, #tpu.memory_space<vmem>>, %arg10: memref<128x32xf32, #tpu.memory_space<vmem>>, %arg11: memref<128x32xf32, #tpu.memory_space<vmem>>, %arg12: memref<128x32xf32, #tpu.memory_space<vmem>>, %arg13: memref<128x32xf32, #tpu.memory_space<vmem>>, %arg14: memref<1x32xf32, #tpu.memory_space<vmem>>, %arg15: memref<32x32xf32, #tpu.memory_space<vmem>>, %arg16: memref<1x32xf32, #tpu.memory_space<vmem>>, %arg17: memref<1x32xf32, #tpu.memory_space<vmem>>, %arg18: memref<1x1xf32, #tpu.memory_space<vmem>>, %arg19: memref<2000x1xf32, #tpu.memory_space<vmem>>, %arg20: memref<1x1xf32, #tpu.memory_space<vmem>>, %arg21: memref<1x1xf32, #tpu.memory_space<vmem>>) attributes {dimension_semantics = [#tpu.dimension_semantics<arbitrary>], iteration_bounds = array<i64: 5>, scalar_prefetch = 0 : i64, scratch_operands = 0 : i64, tpu.core_type = #tpu.core_type<tc>, window_params = [{transform_indices = @transform_0, window_bounds = array<i64: 1, 2000, 128>}, {transform_indices = @transform_1, window_bounds = array<i64: 1, 2000, 128>}, {transform_indices = @transform_2, window_bounds = array<i64: 2000, 128>}, {transform_indices = @transform_3, window_bounds = array<i64: 1, 2000, 16>}, {transform_indices = @transform_4, window_bounds = array<i64: 1, 2000, 16>}, {pipeline_mode = #tpu.pipeline_mode<synchronous>, transform_indices = @transform_5, window_bounds = array<i64: 1, 128>}, {transform_indices = @transform_6, window_bounds = array<i64: 2000, 128>}, {transform_indices = @transform_7, window_bounds = array<i64: 2000, 128>}, {transform_indices = @transform_8, window_bounds = array<i64: 2000, 128>}, {pipeline_mode = #tpu.pipeline_mode<synchronous>, transform_indices = @transform_9, window_bounds = array<i64: 128, 32>}, {pipeline_mode = #tpu.pipeline_mode<synchronous>, transform_indices = @transform_10, window_bounds = array<i64: 128, 32>}, {pipeline_mode = #tpu.pipeline_mode<synchronous>, transform_indices = @transform_11, window_bounds = array<i64: 128, 32>}, {pipeline_mode = #tpu.pipeline_mode<synchronous>, transform_indices = @transform_12, window_bounds = array<i64: 128, 32>}, {pipeline_mode = #tpu.pipeline_mode<synchronous>, transform_indices = @transform_13, window_bounds = array<i64: 1, 32>}, {pipeline_mode = #tpu.pipeline_mode<synchronous>, transform_indices = @transform_14, window_bounds = array<i64: 32, 32>}, {pipeline_mode = #tpu.pipeline_mode<synchronous>, transform_indices = @transform_15, window_bounds = array<i64: 1, 32>}, {pipeline_mode = #tpu.pipeline_mode<synchronous>, transform_indices = @transform_16, window_bounds = array<i64: 1, 32>}, {pipeline_mode = #tpu.pipeline_mode<synchronous>, transform_indices = @transform_17, window_bounds = array<i64: 1, 1>}, {transform_indices = @transform_18, window_bounds = array<i64: 2000, 1>}, {pipeline_mode = #tpu.pipeline_mode<synchronous>, transform_indices = @transform_19, window_bounds = array<i64: 1, 1>}, {pipeline_mode = #tpu.pipeline_mode<synchronous>, transform_indices = @transform_20, window_bounds = array<i64: 1, 1>}]} {
    %get3A = arith.constant 0 : index
    %get3A_0 = arith.constant 0 : index
    %get3A_1 = arith.constant 0 : index
    %get3A_2 = vector.load %arg4[%get3A, %get3A_0, %get3A_1] : memref<1x2000x16xf32, #tpu.memory_space<vmem>>, vector<1x2000x1xf32>
    %get3A_3 = vector.shape_cast %get3A_2 : vector<1x2000x1xf32> to vector<2000x1xf32>
    %get3A_4 = arith.constant 0 : index
    %get3A_5 = arith.constant 0 : index
    %get3A_6 = arith.constant 0 : index
    %get3A_7 = vector.load %arg5[%get3A_4, %get3A_5, %get3A_6] : memref<1x2000x16xf32, #tpu.memory_space<vmem>>, vector<1x2000x1xf32>
    %get3A_8 = vector.shape_cast %get3A_7 : vector<1x2000x1xf32> to vector<2000x1xf32>
    %add3A = arith.addf %get3A_3, %get3A_8 : vector<2000x1xf32>
    %add3A_9 = arith.constant 1.000000e+00 : f32
    %add3A_10 = vector.broadcast %add3A_9 : f32 to vector<2000x1xf32>
    %add3A_11 = arith.addf %add3A, %add3A_10 : vector<2000x1xf32>
    %rsqrt3A = math.rsqrt %add3A_11 : vector<2000x1xf32>
    %get3A_12 = arith.constant 0 : index
    %get3A_13 = arith.constant 0 : index
    %get3A_14 = arith.constant 0 : index
    %get3A_15 = vector.load %arg1[%get3A_12, %get3A_13, %get3A_14] : memref<1x2000x128xf32, #tpu.memory_space<vmem>>, vector<1x2000x128xf32>
    %get3A_16 = vector.shape_cast %get3A_15 : vector<1x2000x128xf32> to vector<2000x128xf32>
    %get3A_17 = arith.constant 0 : index
    %get3A_18 = arith.constant 0 : index
    %get3A_19 = arith.constant 0 : index
    %get3A_20 = vector.load %arg2[%get3A_17, %get3A_18, %get3A_19] : memref<1x2000x128xf32, #tpu.memory_space<vmem>>, vector<1x2000x128xf32>
    %get3A_21 = vector.shape_cast %get3A_20 : vector<1x2000x128xf32> to vector<2000x128xf32>
    %add3A_22 = arith.addf %get3A_16, %get3A_21 : vector<2000x128xf32>
    %get3A_23 = arith.constant 0 : index
    %get3A_24 = arith.constant 0 : index
    %get3A_25 = vector.load %arg3[%get3A_23, %get3A_24] : memref<2000x128xf32, #tpu.memory_space<vmem>>, vector<2000x128xf32>
    %add3A_26 = arith.addf %add3A_22, %get3A_25 : vector<2000x128xf32>
    %mul3A = vector.broadcast %rsqrt3A : vector<2000x1xf32> to vector<2000x128xf32>
    %mul3A_27 = arith.mulf %mul3A, %add3A_26 : vector<2000x128xf32>
    %get3A_28 = arith.constant 0 : index
    %get3A_29 = arith.constant 0 : index
    %get3A_30 = vector.load %arg6[%get3A_28, %get3A_29] : memref<1x128xf32, #tpu.memory_space<vmem>>, vector<1x128xf32>
    %add3A_31 = vector.broadcast %get3A_30 : vector<1x128xf32> to vector<2000x128xf32>
    %add3A_32 = arith.addf %mul3A_27, %add3A_31 : vector<2000x128xf32>
    %max3A = arith.constant 0.000000e+00 : f32
    %max3A_33 = vector.broadcast %max3A : f32 to vector<2000x128xf32>
    %max3A_34 = arith.maximumf %add3A_32, %max3A_33 : vector<2000x128xf32>
    %get3A_35 = arith.constant 0 : index
    %get3A_36 = arith.constant 0 : index
    %get3A_37 = vector.load %arg7[%get3A_35, %get3A_36] : memref<2000x128xf32, #tpu.memory_space<vmem>>, vector<2000x128xf32>
    %get3A_38 = arith.constant 0 : index
    %get3A_39 = arith.constant 0 : index
    %get3A_40 = vector.load %arg10[%get3A_38, %get3A_39] : memref<128x32xf32, #tpu.memory_space<vmem>>, vector<128x32xf32>
    %dot_general3A = arith.constant dense<0.000000e+00> : vector<2000x32xf32>
    %dot_general3A_41 = tpu.matmul %get3A_37, %get3A_40, %dot_general3A {dimension_numbers = #tpu.dot_dimension_numbers<[1], [0], [0], [1], [0, 0, 1, 1], [], []>, transpose_lhs_hint = false} : vector<2000x128xf32>, vector<128x32xf32>, vector<2000x32xf32> -> vector<2000x32xf32>
    %get3A_42 = arith.constant 0 : index
    %get3A_43 = arith.constant 0 : index
    %get3A_44 = vector.load %arg8[%get3A_42, %get3A_43] : memref<2000x128xf32, #tpu.memory_space<vmem>>, vector<2000x128xf32>
    %get3A_45 = arith.constant 0 : index
    %get3A_46 = arith.constant 0 : index
    %get3A_47 = vector.load %arg11[%get3A_45, %get3A_46] : memref<128x32xf32, #tpu.memory_space<vmem>>, vector<128x32xf32>
    %dot_general3A_48 = arith.constant dense<0.000000e+00> : vector<2000x32xf32>
    %dot_general3A_49 = tpu.matmul %get3A_44, %get3A_47, %dot_general3A_48 {dimension_numbers = #tpu.dot_dimension_numbers<[1], [0], [0], [1], [0, 0, 1, 1], [], []>, transpose_lhs_hint = false} : vector<2000x128xf32>, vector<128x32xf32>, vector<2000x32xf32> -> vector<2000x32xf32>
    %add3A_50 = arith.addf %dot_general3A_41, %dot_general3A_49 : vector<2000x32xf32>
    %get3A_51 = arith.constant 0 : index
    %get3A_52 = arith.constant 0 : index
    %get3A_53 = vector.load %arg12[%get3A_51, %get3A_52] : memref<128x32xf32, #tpu.memory_space<vmem>>, vector<128x32xf32>
    %dot_general3A_54 = arith.constant dense<0.000000e+00> : vector<2000x32xf32>
    %dot_general3A_55 = tpu.matmul %max3A_34, %get3A_53, %dot_general3A_54 {dimension_numbers = #tpu.dot_dimension_numbers<[1], [0], [0], [1], [0, 0, 1, 1], [], []>, transpose_lhs_hint = false} : vector<2000x128xf32>, vector<128x32xf32>, vector<2000x32xf32> -> vector<2000x32xf32>
    %add3A_56 = arith.addf %add3A_50, %dot_general3A_55 : vector<2000x32xf32>
    %get3A_57 = arith.constant 0 : index
    %get3A_58 = arith.constant 0 : index
    %get3A_59 = vector.load %arg9[%get3A_57, %get3A_58] : memref<2000x128xf32, #tpu.memory_space<vmem>>, vector<2000x128xf32>
    %get3A_60 = arith.constant 0 : index
    %get3A_61 = arith.constant 0 : index
    %get3A_62 = vector.load %arg13[%get3A_60, %get3A_61] : memref<128x32xf32, #tpu.memory_space<vmem>>, vector<128x32xf32>
    %dot_general3A_63 = arith.constant dense<0.000000e+00> : vector<2000x32xf32>
    %dot_general3A_64 = tpu.matmul %get3A_59, %get3A_62, %dot_general3A_63 {dimension_numbers = #tpu.dot_dimension_numbers<[1], [0], [0], [1], [0, 0, 1, 1], [], []>, transpose_lhs_hint = false} : vector<2000x128xf32>, vector<128x32xf32>, vector<2000x32xf32> -> vector<2000x32xf32>
    %add3A_65 = arith.addf %add3A_56, %dot_general3A_64 : vector<2000x32xf32>
    %get3A_66 = arith.constant 0 : index
    %get3A_67 = arith.constant 0 : index
    %get3A_68 = vector.load %arg14[%get3A_66, %get3A_67] : memref<1x32xf32, #tpu.memory_space<vmem>>, vector<1x32xf32>
    %add3A_69 = vector.broadcast %get3A_68 : vector<1x32xf32> to vector<2000x32xf32>
    %add3A_70 = arith.addf %add3A_65, %add3A_69 : vector<2000x32xf32>
    %ge3A = arith.constant 0.000000e+00 : f32
    %ge3A_71 = vector.broadcast %ge3A : f32 to vector<2000x32xf32>
    %ge3A_72 = arith.cmpf oge, %add3A_70, %ge3A_71 : vector<2000x32xf32>
    %mul3A_73 = arith.constant 0.00999999977 : f32
    %mul3A_74 = vector.broadcast %mul3A_73 : f32 to vector<2000x32xf32>
    %mul3A_75 = arith.mulf %mul3A_74, %add3A_70 : vector<2000x32xf32>
    %select_n3A = arith.select %ge3A_72, %add3A_70, %mul3A_75 : vector<2000x32xi1>, vector<2000x32xf32>
    %get3A_76 = arith.constant 0 : index
    %get3A_77 = arith.constant 0 : index
    %get3A_78 = vector.load %arg15[%get3A_76, %get3A_77] : memref<32x32xf32, #tpu.memory_space<vmem>>, vector<32x32xf32>
    %dot_general3A_79 = arith.constant dense<0.000000e+00> : vector<2000x32xf32>
    %dot_general3A_80 = tpu.matmul %select_n3A, %get3A_78, %dot_general3A_79 {dimension_numbers = #tpu.dot_dimension_numbers<[1], [0], [0], [1], [0, 0, 1, 1], [], []>, transpose_lhs_hint = false} : vector<2000x32xf32>, vector<32x32xf32>, vector<2000x32xf32> -> vector<2000x32xf32>
    %get3A_81 = arith.constant 0 : index
    %get3A_82 = arith.constant 0 : index
    %get3A_83 = vector.load %arg16[%get3A_81, %get3A_82] : memref<1x32xf32, #tpu.memory_space<vmem>>, vector<1x32xf32>
    %add3A_84 = vector.broadcast %get3A_83 : vector<1x32xf32> to vector<2000x32xf32>
    %add3A_85 = arith.addf %dot_general3A_80, %add3A_84 : vector<2000x32xf32>
    %ge3A_86 = arith.constant 0.000000e+00 : f32
    %ge3A_87 = vector.broadcast %ge3A_86 : f32 to vector<2000x32xf32>
    %ge3A_88 = arith.cmpf oge, %add3A_85, %ge3A_87 : vector<2000x32xf32>
    %mul3A_89 = arith.constant 0.00999999977 : f32
    %mul3A_90 = vector.broadcast %mul3A_89 : f32 to vector<2000x32xf32>
    %mul3A_91 = arith.mulf %mul3A_90, %add3A_85 : vector<2000x32xf32>
    %select_n3A_92 = arith.select %ge3A_88, %add3A_85, %mul3A_91 : vector<2000x32xi1>, vector<2000x32xf32>
    %get3A_93 = arith.constant 0 : index
    %get3A_94 = arith.constant 0 : index
    %get3A_95 = vector.load %arg17[%get3A_93, %get3A_94] : memref<1x32xf32, #tpu.memory_space<vmem>>, vector<1x32xf32>
    %mul3A_96 = vector.broadcast %get3A_95 : vector<1x32xf32> to vector<2000x32xf32>
    %mul3A_97 = arith.mulf %select_n3A_92, %mul3A_96 : vector<2000x32xf32>
    %reduce_sum3A = arith.constant dense<0.000000e+00> : vector<2000xf32>
    %reduce_sum3A_98 = vector.multi_reduction <add>, %mul3A_97, %reduce_sum3A [1] : vector<2000x32xf32> to vector<2000xf32>
    %broadcast_in_dim3A = vector.shape_cast %reduce_sum3A_98 : vector<2000xf32> to vector<2000x1xf32>
    %get3A_99 = arith.constant 0 : index
    %get3A_100 = arith.constant 0 : index
    %get3A_101 = vector.load %arg18[%get3A_99, %get3A_100] : memref<1x1xf32, #tpu.memory_space<vmem>>, vector<1x1xf32>
    %add3A_102 = vector.broadcast %get3A_101 : vector<1x1xf32> to vector<2000x1xf32>
    %add3A_103 = arith.addf %broadcast_in_dim3A, %add3A_102 : vector<2000x1xf32>
    %max3A_104 = arith.constant 0.000000e+00 : f32
    %max3A_105 = vector.broadcast %max3A_104 : f32 to vector<2000x1xf32>
    %max3A_106 = arith.maximumf %add3A_103, %max3A_105 : vector<2000x1xf32>
    %abs3A = math.absf %add3A_103 : vector<2000x1xf32>
    %neg3A = arith.constant 0.000000e+00 : f32
    %neg3A_107 = vector.broadcast %neg3A : f32 to vector<2000x1xf32>
    %neg3A_108 = arith.subf %neg3A_107, %abs3A : vector<2000x1xf32>
    %exp3A = math.exp %neg3A_108 : vector<2000x1xf32>
    %log1p3A = math.log1p %exp3A : vector<2000x1xf32>
    %add3A_109 = arith.addf %max3A_106, %log1p3A : vector<2000x1xf32>
    %swap3A = arith.constant 0 : index
    %swap3A_110 = arith.constant 0 : index
    %swap3A_111 = vector.load %arg19[%swap3A, %swap3A_110] : memref<2000x1xf32, #tpu.memory_space<vmem>>, vector<2000x1xf32>
    tpu.vector_store %arg19[%swap3A, %swap3A_110], %add3A_109 {strides = array<i32>} : memref<2000x1xf32, #tpu.memory_space<vmem>>, vector<2000x1xf32>,
    %eq3A = arith.constant 0 : i32
    %eq3A_112 = arith.cmpi eq, %arg0, %eq3A : i32
    %convert_element_type3A = arith.extui %eq3A_112 : i1 to i32
    %cond3A = arith.constant 0 : i32
    %cond3A_113 = arith.cmpi ne, %convert_element_type3A, %cond3A : i32
    scf.if %cond3A_113 {
      %broadcast_in_dim3A_140 = arith.constant 0.000000e+00 : f32
      %broadcast_in_dim3A_141 = vector.broadcast %broadcast_in_dim3A_140 : f32 to vector<1x1xf32>
      %swap3A_142 = arith.constant 0 : index
      %swap3A_143 = arith.constant 0 : index
      %swap3A_144 = vector.load %arg20[%swap3A_142, %swap3A_143] : memref<1x1xf32, #tpu.memory_space<vmem>>, vector<1x1xf32>
      tpu.vector_store %arg20[%swap3A_142, %swap3A_143], %broadcast_in_dim3A_141 {strides = array<i32>} : memref<1x1xf32, #tpu.memory_space<vmem>>, vector<1x1xf32>,
      %broadcast_in_dim3A_145 = arith.constant 0.000000e+00 : f32
      %broadcast_in_dim3A_146 = vector.broadcast %broadcast_in_dim3A_145 : f32 to vector<1x1xf32>
      %swap3A_147 = arith.constant 0 : index
      %swap3A_148 = arith.constant 0 : index
      %swap3A_149 = vector.load %arg21[%swap3A_147, %swap3A_148] : memref<1x1xf32, #tpu.memory_space<vmem>>, vector<1x1xf32>
      tpu.vector_store %arg21[%swap3A_147, %swap3A_148], %broadcast_in_dim3A_146 {strides = array<i32>} : memref<1x1xf32, #tpu.memory_space<vmem>>, vector<1x1xf32>,
    } else {
    }
    %get3A_114 = arith.constant 0 : index
    %get3A_115 = arith.constant 0 : index
    %get3A_116 = vector.load %arg20[%get3A_114, %get3A_115] : memref<1x1xf32, #tpu.memory_space<vmem>>, vector<1x1xf32>
    %reduce_sum3A_117 = vector.shape_cast %add3A_109 : vector<2000x1xf32> to vector<1x2000x1xf32>
    %reduce_sum3A_118 = arith.constant dense<0.000000e+00> : vector<1xf32>
    %reduce_sum3A_119 = vector.multi_reduction <add>, %reduce_sum3A_117, %reduce_sum3A_118 [1, 2] : vector<1x2000x1xf32> to vector<1xf32>
    %reduce_sum3A_120 = vector.shape_cast %reduce_sum3A_119 : vector<1xf32> to vector<1x1x1xf32>
    %reduce_sum3A_121 = vector.extract %reduce_sum3A_120[0, 0, 0] : f32 from vector<1x1x1xf32>
    %reshape3A = vector.broadcast %reduce_sum3A_121 : f32 to vector<1x1xf32>
    %add3A_122 = arith.addf %get3A_116, %reshape3A : vector<1x1xf32>
    %swap3A_123 = arith.constant 0 : index
    %swap3A_124 = arith.constant 0 : index
    %swap3A_125 = vector.load %arg20[%swap3A_123, %swap3A_124] : memref<1x1xf32, #tpu.memory_space<vmem>>, vector<1x1xf32>
    tpu.vector_store %arg20[%swap3A_123, %swap3A_124], %add3A_122 {strides = array<i32>} : memref<1x1xf32, #tpu.memory_space<vmem>>, vector<1x1xf32>,
    %get3A_126 = arith.constant 0 : index
    %get3A_127 = arith.constant 0 : index
    %get3A_128 = vector.load %arg21[%get3A_126, %get3A_127] : memref<1x1xf32, #tpu.memory_space<vmem>>, vector<1x1xf32>
    %abs3A_129 = math.absf %add3A_109 : vector<2000x1xf32>
    %reduce_sum3A_130 = vector.shape_cast %abs3A_129 : vector<2000x1xf32> to vector<1x2000x1xf32>
    %reduce_sum3A_131 = arith.constant dense<0.000000e+00> : vector<1xf32>
    %reduce_sum3A_132 = vector.multi_reduction <add>, %reduce_sum3A_130, %reduce_sum3A_131 [1, 2] : vector<1x2000x1xf32> to vector<1xf32>
    %reduce_sum3A_133 = vector.shape_cast %reduce_sum3A_132 : vector<1xf32> to vector<1x1x1xf32>
    %reduce_sum3A_134 = vector.extract %reduce_sum3A_133[0, 0, 0] : f32 from vector<1x1x1xf32>
    %reshape3A_135 = vector.broadcast %reduce_sum3A_134 : f32 to vector<1x1xf32>
    %add3A_136 = arith.addf %get3A_128, %reshape3A_135 : vector<1x1xf32>
    %swap3A_137 = arith.constant 0 : index
    %swap3A_138 = arith.constant 0 : index
    %swap3A_139 = vector.load %arg21[%swap3A_137, %swap3A_138] : memref<1x1xf32, #tpu.memory_space<vmem>>, vector<1x1xf32>
    tpu.vector_store %arg21[%swap3A_137, %swap3A_138], %add3A_136 {strides = array<i32>} : memref<1x1xf32, #tpu.memory_space<vmem>>, vector<1x1xf32>,
    return
  }
  func.func @transform_0(%arg0: i32) -> (i32, i32, i32) {
    %c0_i32 = arith.constant 0 : i32
    %c0_i32_0 = arith.constant 0 : i32
    %c0_i32_1 = arith.constant 0 : i32
    return %c0_i32, %arg0, %c0_i32_0 : i32, i32, i32
  }
  func.func @transform_1(%arg0: i32) -> (i32, i32, i32) {
    %c1_i32 = arith.constant 1 : i32
    %c0_i32 = arith.constant 0 : i32
    %c0_i32_0 = arith.constant 0 : i32
    return %c1_i32, %arg0, %c0_i32 : i32, i32, i32
  }
  func.func @transform_2(%arg0: i32) -> (i32, i32) {
    %c0_i32 = arith.constant 0 : i32
    %c0_i32_0 = arith.constant 0 : i32
    return %arg0, %c0_i32 : i32, i32
  }
  func.func @transform_3(%arg0: i32) -> (i32, i32, i32) {
    %c0_i32 = arith.constant 0 : i32
    %c0_i32_0 = arith.constant 0 : i32
    %c0_i32_1 = arith.constant 0 : i32
    return %c0_i32, %arg0, %c0_i32_0 : i32, i32, i32
  }
  func.func @transform_4(%arg0: i32) -> (i32, i32, i32) {
    %c1_i32 = arith.constant 1 : i32
    %c0_i32 = arith.constant 0 : i32
    %c0_i32_0 = arith.constant 0 : i32
    return %c1_i32, %arg0, %c0_i32 : i32, i32, i32
  }
  func.func @transform_5(%arg0: i32) -> (i32, i32) {
    %c0_i32 = arith.constant 0 : i32
    %c0_i32_0 = arith.constant 0 : i32
    %c0_i32_1 = arith.constant 0 : i32
    return %c0_i32, %c0_i32_0 : i32, i32
  }
  func.func @transform_6(%arg0: i32) -> (i32, i32) {
    %c0_i32 = arith.constant 0 : i32
    %c0_i32_0 = arith.constant 0 : i32
    return %arg0, %c0_i32 : i32, i32
  }
  func.func @transform_7(%arg0: i32) -> (i32, i32) {
    %c0_i32 = arith.constant 0 : i32
    %c0_i32_0 = arith.constant 0 : i32
    return %arg0, %c0_i32 : i32, i32
  }
  func.func @transform_8(%arg0: i32) -> (i32, i32) {
    %c0_i32 = arith.constant 0 : i32
    %c0_i32_0 = arith.constant 0 : i32
    return %arg0, %c0_i32 : i32, i32
  }
  func.func @transform_9(%arg0: i32) -> (i32, i32) {
    %c0_i32 = arith.constant 0 : i32
    %c0_i32_0 = arith.constant 0 : i32
    %c0_i32_1 = arith.constant 0 : i32
    return %c0_i32, %c0_i32_0 : i32, i32
  }
  func.func @transform_10(%arg0: i32) -> (i32, i32) {
    %c0_i32 = arith.constant 0 : i32
    %c0_i32_0 = arith.constant 0 : i32
    %c0_i32_1 = arith.constant 0 : i32
    return %c0_i32, %c0_i32_0 : i32, i32
  }
  func.func @transform_11(%arg0: i32) -> (i32, i32) {
    %c0_i32 = arith.constant 0 : i32
    %c0_i32_0 = arith.constant 0 : i32
    %c0_i32_1 = arith.constant 0 : i32
    return %c0_i32, %c0_i32_0 : i32, i32
  }
  func.func @transform_12(%arg0: i32) -> (i32, i32) {
    %c0_i32 = arith.constant 0 : i32
    %c0_i32_0 = arith.constant 0 : i32
    %c0_i32_1 = arith.constant 0 : i32
    return %c0_i32, %c0_i32_0 : i32, i32
  }
  func.func @transform_13(%arg0: i32) -> (i32, i32) {
    %c0_i32 = arith.constant 0 : i32
    %c0_i32_0 = arith.constant 0 : i32
    %c0_i32_1 = arith.constant 0 : i32
    return %c0_i32, %c0_i32_0 : i32, i32
  }
  func.func @transform_14(%arg0: i32) -> (i32, i32) {
    %c0_i32 = arith.constant 0 : i32
    %c0_i32_0 = arith.constant 0 : i32
    %c0_i32_1 = arith.constant 0 : i32
    return %c0_i32, %c0_i32_0 : i32, i32
  }
  func.func @transform_15(%arg0: i32) -> (i32, i32) {
    %c0_i32 = arith.constant 0 : i32
    %c0_i32_0 = arith.constant 0 : i32
    %c0_i32_1 = arith.constant 0 : i32
    return %c0_i32, %c0_i32_0 : i32, i32
  }
  func.func @transform_16(%arg0: i32) -> (i32, i32) {
    %c0_i32 = arith.constant 0 : i32
    %c0_i32_0 = arith.constant 0 : i32
    %c0_i32_1 = arith.constant 0 : i32
    return %c0_i32, %c0_i32_0 : i32, i32
  }
  func.func @transform_17(%arg0: i32) -> (i32, i32) {
    %c0_i32 = arith.constant 0 : i32
    %c0_i32_0 = arith.constant 0 : i32
    %c0_i32_1 = arith.constant 0 : i32
    return %c0_i32, %c0_i32_0 : i32, i32
  }
  func.func @transform_18(%arg0: i32) -> (i32, i32) {
    %c0_i32 = arith.constant 0 : i32
    %c0_i32_0 = arith.constant 0 : i32
    return %arg0, %c0_i32 : i32, i32
  }
  func.func @transform_19(%arg0: i32) -> (i32, i32) {
    %c0_i32 = arith.constant 0 : i32
    %c0_i32_0 = arith.constant 0 : i32
    %c0_i32_1 = arith.constant 0 : i32
    return %c0_i32, %c0_i32_0 : i32, i32
  }
  func.func @transform_20(%arg0: i32) -> (i32, i32) {
    %c0_i32 = arith.constant 0 : i32
    %c0_i32_0 = arith.constant 0 : i32
    %c0_i32_1 = arith.constant 0 : i32
    return %c0_i32, %c0_i32_0 : i32, i32
  }
}

</mosaic_0001>

<sc_bundles>
// kernel: kernel.10.cloned.1.call-start
scs
__scs_entry_jumppad:
0x0: {  	(pc) =	sbr.rel $0x88, $3  }
0x1: {  	(tag) =	ssettag $0x0;
	lr =	simm.s32 $0x1  }
0x2: {  	[smem:$0x3F93] =	sst lr;
	_ =	strace $0xD0000000  }
0x3: {  	_ = 	snop  }
0x4: {  	_ = 	snop  }
0x5: {  	_ = 	snop  }
0x6: {  	_ = 	snop  }
0x7: {  	_ = 	snop  }
__scs_overlays_trampoline_lowered:
0x8: {  	[smem:$0x3FA2] =	sst s0  }
0x9: {  	[smem:$0x3FA3] =	sst s1  }
0xa: {  	[smem:$0x3FA4] =	sst s2  }
0xb: {  	[smem:$0x3FA5] =	sst s3  }
0xc: {  	[smem:$0x3FA6] =	sst s4  }
0xd: {  	[smem:$0x3FA7] =	sst s5  }
0xe: {  	[smem:$0x3FA8] =	sst s6  }
0xf: {  	[smem:$0x3FA9] =	sst s7  }
0x10: {  	[smem:$0x3FAA] =	sst s8  }
0x11: {  	[smem:$0x3FAB] =	sst s9;
	s0 =	simm.s32 @!p0 $0x0  }
0x12: {  	s1 =	sld [smem:$0x3F91];
	s0 =	simm.s32 @p0 $0x1  }
0x13: {  	[smem:$0x3FAC] =	sst s0;
	s0 =	simm.s32 @!p1 $0x0  }
0x14: {  	s2 =	sld [smem:$0x3F90];
	s0 =	simm.s32 @p1 $0x1  }
0x15: {  	[smem:$0x3FAD] =	sst s0;
	s0 =	simm.s32 @!p2 $0x0  }
0x16: {  	s3 =	sld [smem:$0x3FDB];
	s0 =	simm.s32 @p2 $0x1  }
0x17: {  	s4 =	simm.s32 $0x1BF5;
	[smem:$0x3FAF] =	sst s0  }
0x18: {  	s0 =	sld [smem:$0x3F92];
	_ =	swait.ge [sflag:s4], $0x0  }
0x19: {  	s7 =	sld [smem:$0x3F93]  }
0x1a: {  	s8 =	sadd.s32 $0xFFFFE003, lr  }
0x1b: {  	s9 =	sadd.s32 $0xFFFFFEF7, lr;
	s5 =	simm.s32 $0xFFFFFFFF;
	p2 =	slt.u32 s8, $0xFFFFF086  }
0x1c: {  	p1 =	slt.u32 s9, $0xF7A;
	s5 =	simm.s32 @!p2 $0x0  }
0x1d: {  	s5 =	simm.s32 @p1 $0x1;
	p0 =	seq.s32 s7, s2  }
0x1e: {  	s7 =	smul.u32 @!p0 $0xF7A, s2;
	p2 =	seq.s32 @!p0 s5, $0x0  }
0x1f: {  	s9 =	smul.u32 $0xF7A, s1;
	s8 =	simm.s32 @!p0 $0x1BF5;
	p2 =	por !p2, p0  }
0x20: {  	[sflag:s8] =	ssyncset.s32 @!p0 $0xFFFFF086;
	s6 =	sadd.s32 @!p0 s3, s7;
	s7 =	simm.s32 @!p0 $0x108  }
0x21: {  	s3 =	sadd.s32 s3, s9;
	s6 =	sadd.s32 @!p0 $0x88, s6;
	s7 =	simm.s32 @p2 $0x1082  }
0x22: {  	[simem:s7], [sflag:s8] =	dma.local @!p0 [hbm:s6], $0xF7A  }
0x23: {  	s9 =	sor.u32 $0xD0000000, s2;
	s6 =	simm.s32 $0x108;
	_ =	swait.ge @!p0 [sflag:s8], $0x0  }
0x24: {  	s3 =	sadd.s32 $0x88, s3;
	s6 =	simm.s32 @!p1 $0x1082;
	[sflag:s4] =	ssyncset.s32 $0xFFFFF086  }
0x25: {  	[simem:s6], [sflag:s4] =	dma.local [hbm:s3], $0xF7A  }
0x26: {  	[smem:$0x3F93] =	sst s1;
	(tag) =	ssettag s2;
	_ =	strace s9  }
0x27: {  	s1 =	sld [smem:$0x3FA3]  }
0x28: {  	s2 =	sld [smem:$0x3FA4]  }
0x29: {  	s4 =	sld [smem:$0x3FA6]  }
0x2a: {  	p0 =	seq.s32 s5, $0x0;
	s5 =	sld [smem:$0x3FA7]  }
0x2b: {  	s6 =	sld [smem:$0x3FA8]  }
0x2c: {  	s7 =	sld [smem:$0x3FA9]  }
0x2d: {  	s3 =	simm.s32 $0x108;
	s8 =	sld [smem:$0x3FAA]  }
0x2e: {  	s3 =	simm.s32 @!p0 $0x1082;
	s9 =	sld [smem:$0x3FAB]  }
0x2f: {  	lr =	sadd.s32 s0, s3;
	s0 =	sld [smem:$0x3FA2]  }
0x30: {  	s3 =	sld [smem:$0x3FA5]  }
0x31: {  	[smem:$0x3FAE] =	sst s10  }
0x32: {  	s10 =	sld [smem:$0x3FAC];
	_ =	sdelay $0x3  }
0x33: {  	p0 =	seq.s32 s10, $0x1;
	s10 =	sld [smem:$0x3FAE];
	_ =	sdelay $0x3  }
0x34: {  	[smem:$0x3FAE] =	sst s10  }
0x35: {  	s10 =	sld [smem:$0x3FAD];
	_ =	sdelay $0x3  }
0x36: {  	p1 =	seq.s32 s10, $0x1;
	s10 =	sld [smem:$0x3FAE];
	_ =	sdelay $0x3  }
0x37: {  	[smem:$0x3FAE] =	sst s10  }
0x38: {  	s10 =	sld [smem:$0x3FAF]  }
0x39: {  	_ = 	snop;
	(pc) =	sbr.ind lr, $3  }
0x3a: {  	_ = 	snop  }
0x3b: {  	_ = 	snop  }
0x3c: {  	p2 =	seq.s32 s10, $0x1;
	s10 =	sld [smem:$0x3FAE]  }
0x3d: {  	_ =	shalt  }
0x3e: {  	_ =	shalt  }
0x3f: {  	_ =	shalt  }
0x40: {  	_ =	shalt  }
0x41: {  	_ =	shalt  }
0x42: {  	_ =	shalt  }
0x43: {  	_ =	shalt  }
0x44: {  	_ =	shalt  }
0x45: {  	_ =	shalt  }
0x46: {  	_ =	shalt  }
0x47: {  	_ =	shalt  }
0x48: {  	_ =	shalt  }
0x49: {  	_ =	shalt  }
0x4a: {  	_ =	shalt  }
0x4b: {  	_ =	shalt  }
0x4c: {  	_ =	shalt  }
0x4d: {  	_ =	shalt  }
0x4e: {  	_ =	shalt  }
0x4f: {  	_ =	shalt  }
0x50: {  	_ =	shalt  }
0x51: {  	_ =	shalt  }
0x52: {  	_ =	shalt  }
0x53: {  	_ =	shalt  }
0x54: {  	_ =	shalt  }
0x55: {  	_ =	shalt  }
0x56: {  	_ =	shalt  }
0x57: {  	_ =	shalt  }
0x58: {  	_ =	shalt  }
0x59: {  	_ =	shalt  }
0x5a: {  	_ =	shalt  }
0x5b: {  	_ =	shalt  }
0x5c: {  	_ =	shalt  }
0x5d: {  	_ =	shalt  }
0x5e: {  	_ =	shalt  }
0x5f: {  	_ =	shalt  }
0x60: {  	_ =	shalt  }
0x61: {  	_ =	shalt  }
0x62: {  	_ =	shalt  }
0x63: {  	_ =	shalt  }
0x64: {  	_ =	shalt  }
0x65: {  	_ =	shalt  }
0x66: {  	_ =	shalt  }
0x67: {  	_ =	shalt  }
0x68: {  	_ =	shalt  }
0x69: {  	_ =	shalt  }
0x6a: {  	_ =	shalt  }
0x6b: {  	_ =	shalt  }
0x6c: {  	_ =	shalt  }
0x6d: {  	_ =	shalt  }
0x6e: {  	_ =	shalt  }
0x6f: {  	_ =	shalt  }
0x70: {  	_ =	shalt  }
0x71: {  	_ =	shalt  }
0x72: {  	_ =	shalt  }
0x73: {  	_ =	shalt  }
0x74: {  	_ =	shalt  }
0x75: {  	_ =	shalt  }
0x76: {  	_ =	shalt  }
0x77: {  	_ =	shalt  }
0x78: {  	_ =	shalt  }
0x79: {  	_ =	shalt  }
0x7a: {  	_ =	shalt  }
0x7b: {  	_ =	shalt  }
0x7c: {  	_ =	shalt  }
0x7d: {  	_ =	shalt  }
0x7e: {  	_ =	shalt  }
0x7f: {  	_ =	shalt  }
0x80: {  	_ =	shalt  }
0x81: {  	_ =	shalt  }
0x82: {  	_ =	shalt  }
0x83: {  	_ =	shalt  }
0x84: {  	_ =	shalt  }
0x85: {  	_ =	shalt  }
0x86: {  	_ =	shalt  }
0x87: {  	_ =	shalt  }
.Lfunc_end0:
.L_simem_size_0:
called_computation_lowered:
.L_overlay_start_0:
0x88: {  	s2 =	sld [smem:$0x3FD9]  }
0x89: {  	s3 =	sld [smem:$0x3FFE];
	_ =	sdelay $0x1  }
0x8a: {  	s1 =	srdreg.scid  }
0x8b: {  	s0 =	sand.u32 $0x1, s1  }
0x8c: {  	s16 =	sshll.u32 s0, $0xA;
	s2 =	sadd.s32 s3, s2  }
0x8d: {  	s2 =	sadd.s32 s2, s16  }
0x8e: {  	[smem:$0x3FBA] =	sst s2  }
0x8f: {  	_ = 	snop  }
0x90: {  	(tm) =	ssettm $0x1  }
0x91: {  	s17 =	sld [smem:$0x3FFB];
	_ =	sdelay $0x3  }
0x92: {  	_ =	strace s17  }
0x93: {  	s2 =	sld [smem:$0x3FFC];
	_ =	sdelay $0x3  }
0x94: {  	_ =	strace s2  }
0x95: {  	s2 =	sld [smem:$0x3FFD];
	_ =	sdelay $0x3  }
0x96: {  	_ =	strace s2  }
0x97: {  	_ =	strace $0x8FFFFFFF  }
0x98: {  	s18 =	sld [smem:$0x3FDB];
	_ =	sdelay $0x1  }
0x99: {  	s19 =	simm.s32 $_scs_section_size  }
0x9a: {  	s4 =	simm.s32 $_size__tile_overlayer_lowered;
	s5 =	simm.s32 $_tile_overlayer_lowered  }
0x9b: {  	s22 =	simm.s32 $0x1BFF;
	s21 =	sshll.u32 s5, $0x1;
	s2 =	sadd.s32 s19, s18  }
0x9c: {  	s6 =	simm.s32 $0x0;
	s20 =	sshll.u32 s4, $0x1;
	s4 =	sadd.s32 s21, s2  }
0x9d: {  	[timem:s6], [sflag:s22] =	dma.local [hbm:s4], s20  }
0x9e: {  	_ =	swait.ge [sflag:s22], s20  }
0x9f: {  	s3 =	ssub.s32 $0x0, s20;
	[sflag:s22] =	ssyncset.done $0x0  }
0xa0: {  	[sflag:s22] =	ssyncadd.s32 s3;
	_ =	sdelay $0x1  }
0xa1: {  	s23 =	simm.s32 $0x1B8B  }
0xa2: {  	_ =	swait.ge [sflag:s23], $0x1  }
0xa3: {  	[sflag:s23] =	ssyncset.done $0x0  }
0xa4: {  	s25 =	simm.s32 $0x1B8E;
	s24 =	sld [smem:$0x3FFE];
	[sflag:s23] =	ssyncadd.s32 $0xFFFFFFFF  }
0xa5: {  	s26 =	simm.s32 $execute0_lowered;
	[smem:$0x3FD2] =	sst s25  }
0xa6: {  	s4 =	sshll.u32 s26, $0x1;
	_ =	strace $0x80000046;
	[dreg:$0x1] =	wrdreg $0xFFFFFFFF  }
0xa7: {  	s28 =	simm.s32 $_size_execute0_lowered;
	s2 =	sadd.s32 s2, s4;
	[dreg:$0x0] =	wrdreg $0x0  }
0xa8: {  	s4 =	sshll.u32 s28, $0x1;
	[dreg:$0x2] =	wrdreg s2  }
0xa9: {  	[dreg:$0x3] =	wrdreg s4  }
0xaa: {  	[dreg:$0x4] =	wrdreg $0xC0  }
0xab: {  	_ =	task [dreg:s6], $0x5FFFF  }
0xac: {  	[dreg:$0x1] =	wrdreg $0xFFFFFFFF  }
0xad: {  	[dreg:$0x0] =	wrdreg $0x60  }
0xae: {  	[dreg:$0x2] =	wrdreg s24  }
0xaf: {  	[dreg:$0x3] =	wrdreg $0x58000  }
0xb0: {  	[dreg:$0x4] =	wrdreg $0x9  }
0xb1: {  	_ =	task.clear_ibuf [dreg:s6], $0x5FFFF;
	_ =	strace $0x90000046  }
0xb2: {  	s29 =	simm.s32 $0x9;
	_ =	strace $0x80000048  }
0xb3: {  	_ =	swait.ge [sflag:s29], $0x1  }
0xb4: {  	[sflag:s29] =	ssyncadd.s32 $0xFFFFFFFF  }
0xb5: {  	_ =	strace $0x90000048  }
0xb6: {  	_ =	sfence  }
0xb7: {  	s30 =	sld [smem:$0x0];
	_ =	sdelay $0x2  }
0xb8: {  	s31 =	sshll.u32 s1, $0xD;
	s1 =	sshrl.u32 s1, $0x2  }
0xb9: {  	s3 =	sand.u32 $0x4000, s31;
	s1 =	sadd.s32 s1, s30  }
0xba: {  	s0 =	sor.u32 s3, s0;
	s1 =	sshll.u32 s1, $0x11  }
0xbb: {  	s0 =	sor.u32 s1, s0  }
0xbc: {  	s0 =	sadd.s32 $0x8F2B, s0  }
0xbd: {  	[sflag:s0] =	ssyncadd.remote.s32 $0x1  }
0xbe: {  	_ =	sfence.sel $0xFFFF  }
0xbf: {  	[dreg:$0x0] =	wrdreg $0xFFFFFFFF;
	(pc) =	sbr.abs _section_cstart, $3  }
0xc0: {  	[dreg:$0x1] =	wrdreg $0xFFFFFFFF  }
0xc1: {  	_ =	task.clear_ibuf [dreg:s6], $0x2FFFF;
	_ =	strace $0x9FFFFFFF  }
0xc2: {  	(tm) =	ssettm $0x7FFFFFFF  }
0xc3: {  	_ =	shalt  }
tec
execute0_lowered:
.L_overlay_start_1:
0x0: {  	(tag) =	ssettag $0x1  }
0x1: {  	s4 =	rddreg [dreg:$0x0];
	s0 =	srdreg.scid  }
0x2: {  	s2 =	rddreg [dreg:$0x1];
	s1 =	stileid.u32  }
0x3: {  	s3 =	simm.s32 $0x0;
	s10 =	simm.s32 $0x1;
	s11 =	simm.s32 $0x80  }
0x4: {  	s12 =	simm.s32 $0x2800;
	s5 =	sand.u32 $0x1, s0;
	s0 =	rddreg [dreg:$0x2]  }
0x5: {  	s15 =	simm.s32 $0x0;
	s7 =	smul.u32 $0x2800, s1;
	[smem:$0x7FF] =	sst s3  }
0x6: {  	s13 =	sshll.u32 s1, $0x6;
	s6 =	sshll.u32 s5, $0x4;
	s8 =	smul.u32 $0x28000, s5  }
0x7: {  	_ =	strace $0x80000047;
	s5 =	ssub.s32 $0x2, s5;
	s6 =	sor.u32 s1, s6  }
0x8: {  	s13 =	sor.u32 $0x1C02, s13;
	s9 =	sshrl.u32 s5, $0x1;
	s6 =	smul.u32 $0x500, s6  }
0x9: {  	s8 =	sadd.s32 s7, s8;
	s9 =	ssub.s32 s5, s9;
	s5 =	sadd.s32 s7, s2  }
0xa: {  	s8 =	sshrl.u32 s8, $0x3;
	s7 =	smax.u32 s9, $0x1;
	s9 =	simm.s32 $0x2  }
0xb: {  	s14 =	sshrl.u32 s5, $0x3;
	s6 =	sadd.s32 s6, s4;
	s8 =	sadd.s32 s8, s4  }
0xc: {  	v0 =	vimm.f32 $1.000000000e+00;
	v1 =	vimm.f32 $0.0e+00;
	s4 =	sadd.s32 $0x4A00, s6;
	s6 =	sadd.s32 $0x18A00, s8;
	s8 =	simm.s32 $0x3000  }
.LBB2_1:
0xd: {  	[tilespmem:s3], [sflag:$0x1] =	stream.linear.gather [hbm4b:s4+s3], $0x2800, $0x38;
	[tilespmem:$0x8000] =	vst v63  }
0xe: {  	s16 =	simm.s32 $0x0  }
.LBB2_2:
0xf: {  	p0 =	sne.s32 s16, $0x1FC0  }
.Ltmp0:
0x10: {  	_ = 	snop;
	(pc) =	sbr.rel @p0 .LBB2_2-.Ltmp0, $3  }
0x11: {  	_ =	sdelay $0x1  }
0x12: {  	s17 =	sshra.s32 s16, $0x2  }
0x13: {  	s16 =	sadd.s32 $0x40, s16;
	[tilespmem:s17+$0x2800] =	vst v0  }
0x14: {  	s16 =	simm.s32 $0x40;
	s17 =	simm.s32 $0x0  }
.LBB2_4:
0x15: {  	p0 =	sne.s32 s16, $0x9FC0;
	[tilespmem:s17+$0x3000] =	vst v1;
	s17 =	smov.u32 s16;
	s16 =	sadd.s32 $0x40, s16  }
.Ltmp1:
0x16: {  	(pc) =	sbr.rel @p0 .LBB2_4-.Ltmp1, $2  }
0x17: {  	_ =	sdelay $0x2  }
0x18: {  	s17 =	sshra.s32 s17, $0x2  }
0x19: {  	[tilespmem:s17+$0x3000] =	vst v1  }
0x1a: {  	[spmem:s5] =	stream.linear.scatter [tilespmem:s8], [sflag:$0x2], $0x2800, $0x38;
	[tilespmem:$0x8000] =	vst v63  }
0x1b: {  	_ =	swait.ge [sflag:s9], $0x2800  }
0x1c: {  	[sflag:s9] =	ssyncset.done $0x0  }
0x1d: {  	[sflag:s9] =	ssyncadd.s32 $0xFFFFD800  }
0x1e: {  	[bflag:$0x0] =	sbarrier.arrive $0xFFFF  }
0x1f: {  	_ =	swait.ge [sflag:s10], $0x2800  }
0x20: {  	[sflag:s10] =	ssyncset.done $0x0  }
0x21: {  	s16 =	simm.s32 $0x0;
	[sflag:s10] =	ssyncadd.s32 $0xFFFFD800  }
0x22: {  	[spmem:s2] =	stream.indirect.scatter.add.f32 [tilespmem:s12], [sflag:$0x2], $0x10, s16, s11, $0xb8;
	[tilespmem:$0x8000] =	vst v63  }
0x23: {  	_ =	swait.ge [sflag:s9], $0x800  }
0x24: {  	s16 =	simm.s32 $0x200;
	[sflag:s9] =	ssyncset.done $0x0  }
.LBB2_6:
0x25: {  	s17 =	sshra.s32 s16, $0x2;
	[sflag:s9] =	ssyncadd.s32 $0xFFFFF800;
	p0 =	sne.s32 s16, $0x9E00  }
0x26: {  	[spmem:s2] =	stream.indirect.scatter.add.f32 [tilespmem:s12], [sflag:$0x2], $0x10, s17, s11, $0xb8;
	[tilespmem:$0x8000] =	vst v63  }
.Ltmp2:
0x27: {  	_ = 	snop;
	(pc) =	sbr.rel @p0 .LBB2_6-.Ltmp2, $4  }
0x28: {  	_ = 	snop  }
0x29: {  	s16 =	sadd.s32 $0x200, s16  }
0x2a: {  	_ =	swait.ge [sflag:s9], $0x800  }
0x2b: {  	[sflag:s9] =	ssyncset.done $0x0  }
0x2c: {  	s15 =	sadd.s32 $0x1, s15  }
0x2d: {  	[sflag:s9] =	ssyncadd.s32 $0xFFFFF800;
	p0 =	sne.s32 s15, s7  }
.Ltmp3:
0x2e: {  	[bflag:$0x0] =	sbarrier.arrive $0xFFFF;
	(pc) =	sbr.rel @p0 .LBB2_1-.Ltmp3, $4  }
0x2f: {  	[hbm:s6], [sflag:s13] =	dma.local [spmem:s14], $0x500  }
0x30: {  	_ =	swait.ge [sflag:s9], $0x500  }
0x31: {  	[sflag:s9] =	ssyncset.done $0x0  }
0x32: {  	[sflag:s9] =	ssyncadd.s32 $0xFFFFFB00  }
0x33: {  	_ =	sfence.sel $0x180000  }
0x34: {  	[bflag:$0x0] =	sbarrier.arrive $0xFFFF  }
0x35: {  	p0 =	sne.s32 s1, $0x0;
	_ =	strace $0x90000047  }
0x36: {  	s0 =	sadd.s32 @!p0 $0x100000, s0;
	[bflag:$0x2] =	sbarrier.arrive $0xFFFF  }
0x37: {  	[sflag:s0] =	ssyncadd.tile.s32 @!p0 $0x1;
	_ =	shalt  }
.Lfunc_end2:
_tile_overlayer_lowered:
.L_overlay_start_2:
0x38: {  	(tag) =	ssettag $0x2  }
0x39: {  	s0 =	rddreg [dreg:$0x0];
	s2 =	stileid.u32  }
0x3a: {  	s1 =	rddreg [dreg:$0x1];
	p0 =	sne.s32 s2, $0x0  }
0x3b: {  	s3 =	rddreg [dreg:$0x2];
	[bflag:$0x3] =	sbarrier.arrive $0xFFFF;
	s2 =	simm.s32 @!p0 $0x1C02  }
0x3c: {  	[timem:s3], [sflag:s2] =	dma.local @!p0 [hbm:s0], s1  }
0x3d: {  	s0 =	simm.s32 @!p0 $0x2  }
0x3e: {  	_ =	swait.ge @!p0 [sflag:s0], s1  }
0x3f: {  	s1 =	ssub.s32 @!p0 $0x0, s1;
	[sflag:s0] =	ssyncset.done @!p0 $0x0  }
0x40: {  	[sflag:s0] =	ssyncadd.s32 @!p0 s1  }
0x41: {  	[bflag:$0x3] =	sbarrier.arrive $0xFFFF  }
0x42: {  	_ =	shalt  }

// kernel: kernel.13.cloned.1.call-start
scs
__scs_entry_jumppad:
0x0: {  	(pc) =	sbr.rel $0x88, $3  }
0x1: {  	(tag) =	ssettag $0x0;
	lr =	simm.s32 $0x1  }
0x2: {  	[smem:$0x3F93] =	sst lr;
	_ =	strace $0xD0000000  }
0x3: {  	_ = 	snop  }
0x4: {  	_ = 	snop  }
0x5: {  	_ = 	snop  }
0x6: {  	_ = 	snop  }
0x7: {  	_ = 	snop  }
__scs_overlays_trampoline_lowered:
0x8: {  	[smem:$0x3FA2] =	sst s0  }
0x9: {  	[smem:$0x3FA3] =	sst s1  }
0xa: {  	[smem:$0x3FA4] =	sst s2  }
0xb: {  	[smem:$0x3FA5] =	sst s3  }
0xc: {  	[smem:$0x3FA6] =	sst s4  }
0xd: {  	[smem:$0x3FA7] =	sst s5  }
0xe: {  	[smem:$0x3FA8] =	sst s6  }
0xf: {  	[smem:$0x3FA9] =	sst s7  }
0x10: {  	[smem:$0x3FAA] =	sst s8  }
0x11: {  	[smem:$0x3FAB] =	sst s9;
	s0 =	simm.s32 @!p0 $0x0  }
0x12: {  	s1 =	sld [smem:$0x3F91];
	s0 =	simm.s32 @p0 $0x1  }
0x13: {  	[smem:$0x3FAC] =	sst s0;
	s0 =	simm.s32 @!p1 $0x0  }
0x14: {  	s2 =	sld [smem:$0x3F90];
	s0 =	simm.s32 @p1 $0x1  }
0x15: {  	[smem:$0x3FAD] =	sst s0;
	s0 =	simm.s32 @!p2 $0x0  }
0x16: {  	s3 =	sld [smem:$0x3FDB];
	s0 =	simm.s32 @p2 $0x1  }
0x17: {  	s4 =	simm.s32 $0x1BF5;
	[smem:$0x3FAF] =	sst s0  }
0x18: {  	s0 =	sld [smem:$0x3F92];
	_ =	swait.ge [sflag:s4], $0x0  }
0x19: {  	s7 =	sld [smem:$0x3F93]  }
0x1a: {  	s8 =	sadd.s32 $0xFFFFE003, lr  }
0x1b: {  	s9 =	sadd.s32 $0xFFFFFEF7, lr;
	s5 =	simm.s32 $0xFFFFFFFF;
	p2 =	slt.u32 s8, $0xFFFFF086  }
0x1c: {  	p1 =	slt.u32 s9, $0xF7A;
	s5 =	simm.s32 @!p2 $0x0  }
0x1d: {  	s5 =	simm.s32 @p1 $0x1;
	p0 =	seq.s32 s7, s2  }
0x1e: {  	s7 =	smul.u32 @!p0 $0xF7A, s2;
	p2 =	seq.s32 @!p0 s5, $0x0  }
0x1f: {  	s9 =	smul.u32 $0xF7A, s1;
	s8 =	simm.s32 @!p0 $0x1BF5;
	p2 =	por !p2, p0  }
0x20: {  	[sflag:s8] =	ssyncset.s32 @!p0 $0xFFFFF086;
	s6 =	sadd.s32 @!p0 s3, s7;
	s7 =	simm.s32 @!p0 $0x108  }
0x21: {  	s3 =	sadd.s32 s3, s9;
	s6 =	sadd.s32 @!p0 $0x88, s6;
	s7 =	simm.s32 @p2 $0x1082  }
0x22: {  	[simem:s7], [sflag:s8] =	dma.local @!p0 [hbm:s6], $0xF7A  }
0x23: {  	s9 =	sor.u32 $0xD0000000, s2;
	s6 =	simm.s32 $0x108;
	_ =	swait.ge @!p0 [sflag:s8], $0x0  }
0x24: {  	s3 =	sadd.s32 $0x88, s3;
	s6 =	simm.s32 @!p1 $0x1082;
	[sflag:s4] =	ssyncset.s32 $0xFFFFF086  }
0x25: {  	[simem:s6], [sflag:s4] =	dma.local [hbm:s3], $0xF7A  }
0x26: {  	[smem:$0x3F93] =	sst s1;
	(tag) =	ssettag s2;
	_ =	strace s9  }
0x27: {  	s1 =	sld [smem:$0x3FA3]  }
0x28: {  	s2 =	sld [smem:$0x3FA4]  }
0x29: {  	s4 =	sld [smem:$0x3FA6]  }
0x2a: {  	p0 =	seq.s32 s5, $0x0;
	s5 =	sld [smem:$0x3FA7]  }
0x2b: {  	s6 =	sld [smem:$0x3FA8]  }
0x2c: {  	s7 =	sld [smem:$0x3FA9]  }
0x2d: {  	s3 =	simm.s32 $0x108;
	s8 =	sld [smem:$0x3FAA]  }
0x2e: {  	s3 =	simm.s32 @!p0 $0x1082;
	s9 =	sld [smem:$0x3FAB]  }
0x2f: {  	lr =	sadd.s32 s0, s3;
	s0 =	sld [smem:$0x3FA2]  }
0x30: {  	s3 =	sld [smem:$0x3FA5]  }
0x31: {  	[smem:$0x3FAE] =	sst s10  }
0x32: {  	s10 =	sld [smem:$0x3FAC];
	_ =	sdelay $0x3  }
0x33: {  	p0 =	seq.s32 s10, $0x1;
	s10 =	sld [smem:$0x3FAE];
	_ =	sdelay $0x3  }
0x34: {  	[smem:$0x3FAE] =	sst s10  }
0x35: {  	s10 =	sld [smem:$0x3FAD];
	_ =	sdelay $0x3  }
0x36: {  	p1 =	seq.s32 s10, $0x1;
	s10 =	sld [smem:$0x3FAE];
	_ =	sdelay $0x3  }
0x37: {  	[smem:$0x3FAE] =	sst s10  }
0x38: {  	s10 =	sld [smem:$0x3FAF]  }
0x39: {  	_ = 	snop;
	(pc) =	sbr.ind lr, $3  }
0x3a: {  	_ = 	snop  }
0x3b: {  	_ = 	snop  }
0x3c: {  	p2 =	seq.s32 s10, $0x1;
	s10 =	sld [smem:$0x3FAE]  }
0x3d: {  	_ =	shalt  }
0x3e: {  	_ =	shalt  }
0x3f: {  	_ =	shalt  }
0x40: {  	_ =	shalt  }
0x41: {  	_ =	shalt  }
0x42: {  	_ =	shalt  }
0x43: {  	_ =	shalt  }
0x44: {  	_ =	shalt  }
0x45: {  	_ =	shalt  }
0x46: {  	_ =	shalt  }
0x47: {  	_ =	shalt  }
0x48: {  	_ =	shalt  }
0x49: {  	_ =	shalt  }
0x4a: {  	_ =	shalt  }
0x4b: {  	_ =	shalt  }
0x4c: {  	_ =	shalt  }
0x4d: {  	_ =	shalt  }
0x4e: {  	_ =	shalt  }
0x4f: {  	_ =	shalt  }
0x50: {  	_ =	shalt  }
0x51: {  	_ =	shalt  }
0x52: {  	_ =	shalt  }
0x53: {  	_ =	shalt  }
0x54: {  	_ =	shalt  }
0x55: {  	_ =	shalt  }
0x56: {  	_ =	shalt  }
0x57: {  	_ =	shalt  }
0x58: {  	_ =	shalt  }
0x59: {  	_ =	shalt  }
0x5a: {  	_ =	shalt  }
0x5b: {  	_ =	shalt  }
0x5c: {  	_ =	shalt  }
0x5d: {  	_ =	shalt  }
0x5e: {  	_ =	shalt  }
0x5f: {  	_ =	shalt  }
0x60: {  	_ =	shalt  }
0x61: {  	_ =	shalt  }
0x62: {  	_ =	shalt  }
0x63: {  	_ =	shalt  }
0x64: {  	_ =	shalt  }
0x65: {  	_ =	shalt  }
0x66: {  	_ =	shalt  }
0x67: {  	_ =	shalt  }
0x68: {  	_ =	shalt  }
0x69: {  	_ =	shalt  }
0x6a: {  	_ =	shalt  }
0x6b: {  	_ =	shalt  }
0x6c: {  	_ =	shalt  }
0x6d: {  	_ =	shalt  }
0x6e: {  	_ =	shalt  }
0x6f: {  	_ =	shalt  }
0x70: {  	_ =	shalt  }
0x71: {  	_ =	shalt  }
0x72: {  	_ =	shalt  }
0x73: {  	_ =	shalt  }
0x74: {  	_ =	shalt  }
0x75: {  	_ =	shalt  }
0x76: {  	_ =	shalt  }
0x77: {  	_ =	shalt  }
0x78: {  	_ =	shalt  }
0x79: {  	_ =	shalt  }
0x7a: {  	_ =	shalt  }
0x7b: {  	_ =	shalt  }
0x7c: {  	_ =	shalt  }
0x7d: {  	_ =	shalt  }
0x7e: {  	_ =	shalt  }
0x7f: {  	_ =	shalt  }
0x80: {  	_ =	shalt  }
0x81: {  	_ =	shalt  }
0x82: {  	_ =	shalt  }
0x83: {  	_ =	shalt  }
0x84: {  	_ =	shalt  }
0x85: {  	_ =	shalt  }
0x86: {  	_ =	shalt  }
0x87: {  	_ =	shalt  }
.Lfunc_end0:
.L_simem_size_0:
called_computation.1_lowered:
.L_overlay_start_0:
0x88: {  	s2 =	sld [smem:$0x3FD9]  }
0x89: {  	s3 =	sld [smem:$0x3FFE];
	_ =	sdelay $0x1  }
0x8a: {  	s1 =	srdreg.scid  }
0x8b: {  	s0 =	sand.u32 $0x1, s1  }
0x8c: {  	s16 =	sshll.u32 s0, $0xA;
	s2 =	sadd.s32 s3, s2  }
0x8d: {  	s2 =	sadd.s32 s2, s16  }
0x8e: {  	[smem:$0x3FBA] =	sst s2  }
0x8f: {  	_ = 	snop  }
0x90: {  	(tm) =	ssettm $0x1  }
0x91: {  	s17 =	sld [smem:$0x3FFB];
	_ =	sdelay $0x3  }
0x92: {  	_ =	strace s17  }
0x93: {  	s2 =	sld [smem:$0x3FFC];
	_ =	sdelay $0x3  }
0x94: {  	_ =	strace s2  }
0x95: {  	s2 =	sld [smem:$0x3FFD];
	_ =	sdelay $0x3  }
0x96: {  	_ =	strace s2  }
0x97: {  	_ =	strace $0x8FFFFFFF  }
0x98: {  	s18 =	sld [smem:$0x3FDB];
	_ =	sdelay $0x1  }
0x99: {  	s19 =	simm.s32 $_scs_section_size  }
0x9a: {  	s4 =	simm.s32 $_size__tile_overlayer_lowered;
	s5 =	simm.s32 $_tile_overlayer_lowered  }
0x9b: {  	s22 =	simm.s32 $0x1BFF;
	s21 =	sshll.u32 s5, $0x1;
	s2 =	sadd.s32 s19, s18  }
0x9c: {  	s6 =	simm.s32 $0x0;
	s20 =	sshll.u32 s4, $0x1;
	s4 =	sadd.s32 s21, s2  }
0x9d: {  	[timem:s6], [sflag:s22] =	dma.local [hbm:s4], s20  }
0x9e: {  	_ =	swait.ge [sflag:s22], s20  }
0x9f: {  	s3 =	ssub.s32 $0x0, s20;
	[sflag:s22] =	ssyncset.done $0x0  }
0xa0: {  	[sflag:s22] =	ssyncadd.s32 s3;
	_ =	sdelay $0x1  }
0xa1: {  	s23 =	simm.s32 $0x1B8B  }
0xa2: {  	_ =	swait.ge [sflag:s23], $0x1  }
0xa3: {  	[sflag:s23] =	ssyncset.done $0x0  }
0xa4: {  	s25 =	simm.s32 $0x1B8E;
	s24 =	sld [smem:$0x3FFE];
	[sflag:s23] =	ssyncadd.s32 $0xFFFFFFFF  }
0xa5: {  	s26 =	simm.s32 $execute0_lowered;
	[smem:$0x3FD2] =	sst s25  }
0xa6: {  	s4 =	sshll.u32 s26, $0x1;
	_ =	strace $0x80000049;
	[dreg:$0x1] =	wrdreg $0xFFFFFFFF  }
0xa7: {  	s28 =	simm.s32 $_size_execute0_lowered;
	s2 =	sadd.s32 s2, s4;
	[dreg:$0x0] =	wrdreg $0x0  }
0xa8: {  	s4 =	sshll.u32 s28, $0x1;
	[dreg:$0x2] =	wrdreg s2  }
0xa9: {  	[dreg:$0x3] =	wrdreg s4  }
0xaa: {  	[dreg:$0x4] =	wrdreg $0xC0  }
0xab: {  	_ =	task [dreg:s6], $0x5FFFF  }
0xac: {  	[dreg:$0x1] =	wrdreg $0xFFFFFFFF  }
0xad: {  	[dreg:$0x0] =	wrdreg $0x60  }
0xae: {  	[dreg:$0x2] =	wrdreg s24  }
0xaf: {  	[dreg:$0x3] =	wrdreg $0xA8000  }
0xb0: {  	[dreg:$0x4] =	wrdreg $0x9  }
0xb1: {  	_ =	task.clear_ibuf [dreg:s6], $0x5FFFF;
	_ =	strace $0x90000049  }
0xb2: {  	s29 =	simm.s32 $0x9;
	_ =	strace $0x8000004B  }
0xb3: {  	_ =	swait.ge [sflag:s29], $0x1  }
0xb4: {  	[sflag:s29] =	ssyncadd.s32 $0xFFFFFFFF  }
0xb5: {  	_ =	strace $0x9000004B  }
0xb6: {  	_ =	sfence  }
0xb7: {  	s30 =	sld [smem:$0x0];
	_ =	sdelay $0x2  }
0xb8: {  	s31 =	sshll.u32 s1, $0xD;
	s1 =	sshrl.u32 s1, $0x2  }
0xb9: {  	s3 =	sand.u32 $0x4000, s31;
	s1 =	sadd.s32 s1, s30  }
0xba: {  	s0 =	sor.u32 s3, s0;
	s1 =	sshll.u32 s1, $0x11  }
0xbb: {  	s0 =	sor.u32 s1, s0  }
0xbc: {  	s0 =	sadd.s32 $0x8F2B, s0  }
0xbd: {  	[sflag:s0] =	ssyncadd.remote.s32 $0x1  }
0xbe: {  	_ =	sfence.sel $0xFFFF  }
0xbf: {  	[dreg:$0x0] =	wrdreg $0xFFFFFFFF;
	(pc) =	sbr.abs _section_cstart, $3  }
0xc0: {  	[dreg:$0x1] =	wrdreg $0xFFFFFFFF  }
0xc1: {  	_ =	task.clear_ibuf [dreg:s6], $0x2FFFF;
	_ =	strace $0x9FFFFFFF  }
0xc2: {  	(tm) =	ssettm $0x7FFFFFFF  }
0xc3: {  	_ =	shalt  }
tec
execute0_lowered:
.L_overlay_start_1:
0x0: {  	(tag) =	ssettag $0x1  }
0x1: {  	s5 =	rddreg [dreg:$0x0]  }
0x2: {  	s1 =	rddreg [dreg:$0x1];
	s2 =	srdreg.scid  }
0x3: {  	s3 =	simm.s32 $0x0;
	s17 =	simm.s32 $0x1400;
	s18 =	simm.s32 $0x80  }
0x4: {  	s19 =	simm.s32 $0x2800;
	s20 =	simm.s32 $0x6800;
	s21 =	simm.s32 $0x2  }
0x5: {  	s22 =	simm.s32 $0x1;
	s23 =	simm.s32 $0x1380;
	s24 =	simm.s32 $0x2700  }
0x6: {  	s25 =	simm.s32 $0x2780;
	s6 =	sand.u32 $0x1, s2;
	s2 =	stileid.u32  }
0x7: {  	s26 =	simm.s32 $0x0;
	[smem:$0x7FF] =	sst s3;
	s7 =	smul.u32 $0x140000, s6  }
0x8: {  	s12 =	sadd.s32 $0xEA00, s5;
	s13 =	sadd.s32 $0x4A00, s5;
	s8 =	smul.u32 $0x14000, s2  }
0x9: {  	s4 =	sshll.u32 s6, $0x4;
	_ =	strace $0x8000004A;
	s29 =	smul.u32 $0x50000, s2  }
0xa: {  	s30 =	ssub.s32 $0x2, s6;
	s9 =	sor.u32 s2, s4;
	s4 =	sadd.s32 $0x68A00, s5  }
0xb: {  	s6 =	sshrl.u32 s30, $0x1;
	s7 =	sadd.s32 s8, s7;
	s28 =	smul.u32 $0x2800, s9  }
0xc: {  	s31 =	sshrl.u32 s29, $0x2;
	s16 =	ssub.s32 s30, s6;
	s7 =	sshrl.u32 s7, $0x3  }
0xd: {  	s6 =	sadd.s32 s31, s1;
	s14 =	sadd.s32 s7, s5;
	s15 =	sshrl.u32 s28, $0x3  }
0xe: {  	s8 =	sadd.s32 $0x4000, s6;
	s9 =	sadd.s32 $0x8000, s6;
	s10 =	sadd.s32 $0xC000, s6  }
0xf: {  	s5 =	sadd.s32 s12, s15;
	s7 =	sadd.s32 s13, s15;
	s15 =	sadd.s32 $0x280, s15  }
0x10: {  	s11 =	sadd.s32 $0x10000, s6;
	s14 =	sadd.s32 $0x8FC00, s14;
	s12 =	sadd.s32 s12, s15  }
0x11: {  	v0 =	vimm.f32 $0.0e+00;
	s13 =	sadd.s32 s13, s15;
	s15 =	smax.u32 s16, $0x1;
	s16 =	simm.s32 $0x3  }
.LBB2_1:
0x12: {  	[tilespmem:s3], [sflag:$0x3] =	stream.linear.gather [hbm4b:s5+s3], $0x1400, $0x38;
	[tilespmem:$0x1E800] =	vst v63  }
0x13: {  	_ =	swait.ge [sflag:s16], $0x1400  }
0x14: {  	[sflag:s16] =	ssyncset.done $0x0  }
0x15: {  	[sflag:s16] =	ssyncadd.s32 $0xFFFFEC00  }
0x16: {  	[tilespmem:s17], [sflag:$0x3] =	stream.linear.gather [hbm4b:s7+s3], $0x1400, $0x38;
	[tilespmem:$0x1E800] =	vst v63  }
0x17: {  	s28 =	sand.u32 $0xFE00, s3;
	s29 =	sand.u32 $0x70, s3;
	_ =	swait.ge [sflag:s16], $0x1400  }
0x18: {  	s30 =	sshrl.u32 s28, $0x2;
	s28 =	simm.s32 $0x40;
	[sflag:s16] =	ssyncset.done $0x0  }
0x19: {  	s30 =	sor.u32 s29, s30;
	s29 =	simm.s32 $0x0;
	[sflag:s16] =	ssyncadd.s32 $0xFFFFEC00  }
0x1a: {  	[tilespmem:s19], [sflag:$0x1] =	stream.indirect.gather [hbm4b:s4+s18], $0x80, s3, s18, $0xb8;
	[tilespmem:$0x1E800] =	vst v63  }
.LBB2_2:
0x1b: {  	p0 =	sne.s32 s28, $0xFFC0  }
0x1c: {  	[tilespmem:s30+$0x6800] =	vst v0;
	s29 =	sadd.s32 $0x10, s29;
	s30 =	smov.u32 s28;
	s28 =	sadd.s32 $0x40, s28  }
.Ltmp0:
0x1d: {  	(pc) =	sbr.rel @p0 .LBB2_2-.Ltmp0, $4  }
0x1e: {  	_ = 	snop  }
0x1f: {  	s30 =	sand.u32 $0xFE00, s30  }
0x20: {  	s31 =	sand.u32 $0x70, s29;
	s30 =	sshrl.u32 s30, $0x2  }
0x21: {  	s30 =	sor.u32 s31, s30  }
0x22: {  	[tilespmem:s30+$0x6800] =	vst v0  }
0x23: {  	[spmem:s6] =	stream.linear.scatter [tilespmem:s20], [sflag:$0x2], $0x4000, $0x38;
	[tilespmem:$0x1E800] =	vst v63  }
0x24: {  	_ = 	snop  }
0x25: {  	[spmem:s8] =	stream.linear.scatter [tilespmem:s20], [sflag:$0x2], $0x4000, $0x38;
	[tilespmem:$0x1E800] =	vst v63  }
0x26: {  	_ = 	snop  }
0x27: {  	[spmem:s9] =	stream.linear.scatter [tilespmem:s20], [sflag:$0x2], $0x4000, $0x38;
	[tilespmem:$0x1E800] =	vst v63  }
0x28: {  	_ = 	snop  }
0x29: {  	[spmem:s10] =	stream.linear.scatter [tilespmem:s20], [sflag:$0x2], $0x4000, $0x38;
	[tilespmem:$0x1E800] =	vst v63  }
0x2a: {  	_ = 	snop  }
0x2b: {  	[spmem:s11] =	stream.linear.scatter [tilespmem:s20], [sflag:$0x2], $0x4000, $0x38;
	[tilespmem:$0x1E800] =	vst v63  }
0x2c: {  	_ =	swait.ge [sflag:s21], $0x4000  }
0x2d: {  	[sflag:s21] =	ssyncset.done $0x0  }
0x2e: {  	[sflag:s21] =	ssyncadd.s32 $0xFFFFC000  }
0x2f: {  	_ =	swait.ge [sflag:s21], $0x4000  }
0x30: {  	[sflag:s21] =	ssyncset.done $0x0  }
0x31: {  	[sflag:s21] =	ssyncadd.s32 $0xFFFFC000  }
0x32: {  	_ =	swait.ge [sflag:s21], $0x4000  }
0x33: {  	[sflag:s21] =	ssyncset.done $0x0  }
0x34: {  	[sflag:s21] =	ssyncadd.s32 $0xFFFFC000  }
0x35: {  	_ =	swait.ge [sflag:s21], $0x4000  }
0x36: {  	[sflag:s21] =	ssyncset.done $0x0  }
0x37: {  	[sflag:s21] =	ssyncadd.s32 $0xFFFFC000  }
0x38: {  	_ =	swait.ge [sflag:s21], $0x4000  }
0x39: {  	[sflag:s21] =	ssyncset.done $0x0  }
0x3a: {  	[sflag:s21] =	ssyncadd.s32 $0xFFFFC000  }
0x3b: {  	s28 =	simm.s32 $0x80;
	[bflag:$0x0] =	sbarrier.arrive $0xFFFF  }
0x3c: {  	[tilespmem:s20], [sflag:$0x2] =	stream.indirect.gather [hbm4b:s4+s18], $0x80, s28, s18, $0xb8;
	[tilespmem:$0x1E800] =	vst v63  }
0x3d: {  	_ =	swait.ge [sflag:s22], $0x4000  }
0x3e: {  	[sflag:s22] =	ssyncset.done $0x0  }
0x3f: {  	s28 =	simm.s32 $0x1400;
	[sflag:s22] =	ssyncadd.s32 $0xFFFFC000  }
0x40: {  	[spmem:s1] =	stream.indirect.scatter.add.f32 [tilespmem:s19], [sflag:$0x3], $0x80, s28, s18, $0xb8;
	[tilespmem:$0x1E800] =	vst v63  }
0x41: {  	_ =	swait.ge [sflag:s16], $0x4000  }
0x42: {  	[sflag:s16] =	ssyncset.done $0x0  }
0x43: {  	s28 =	simm.s32 $0x100;
	[sflag:s16] =	ssyncadd.s32 $0xFFFFC000  }
0x44: {  	[tilespmem:s19], [sflag:$0x1] =	stream.indirect.gather [hbm4b:s4+s18], $0x80, s28, s18, $0xb8;
	[tilespmem:$0x1E800] =	vst v63  }
0x45: {  	_ =	swait.ge [sflag:s21], $0x4000  }
0x46: {  	[sflag:s21] =	ssyncset.done $0x0  }
0x47: {  	s28 =	simm.s32 $0x1480;
	[sflag:s21] =	ssyncadd.s32 $0xFFFFC000  }
0x48: {  	[spmem:s1] =	stream.indirect.scatter.add.f32 [tilespmem:s20], [sflag:$0x3], $0x80, s28, s18, $0xb8;
	[tilespmem:$0x1E800] =	vst v63  }
0x49: {  	_ =	swait.ge [sflag:s16], $0x4000  }
0x4a: {  	s29 =	simm.s32 $0x800;
	s28 =	simm.s32 $0x100;
	[sflag:s16] =	ssyncset.done $0x0  }
.LBB2_4:
0x4b: {  	s30 =	sadd.s32 $0x80, s28  }
0x4c: {  	[sflag:s16] =	ssyncadd.s32 $0xFFFFC000;
	s31 =	smov.u32 s29;
	s0 =	sadd.s32 $0x400, s29  }
0x4d: {  	[tilespmem:s20], [sflag:$0x2] =	stream.indirect.gather [hbm4b:s4+s18], $0x80, s30, s18, $0xb8;
	[tilespmem:$0x1E800] =	vst v63  }
0x4e: {  	p0 =	sne.s32 s29, $0x4800;
	_ =	swait.ge [sflag:s22], $0x4000  }
0x4f: {  	[sflag:s22] =	ssyncset.done $0x0  }
0x50: {  	s29 =	sadd.s32 $0x1400, s28;
	[sflag:s22] =	ssyncadd.s32 $0xFFFFC000  }
0x51: {  	[spmem:s1] =	stream.indirect.scatter.add.f32 [tilespmem:s19], [sflag:$0x3], $0x80, s29, s18, $0xb8;
	[tilespmem:$0x1E800] =	vst v63  }
0x52: {  	_ =	swait.ge [sflag:s16], $0x4000  }
0x53: {  	[sflag:s16] =	ssyncset.done $0x0  }
0x54: {  	s29 =	sadd.s32 $0x100, s28;
	[sflag:s16] =	ssyncadd.s32 $0xFFFFC000  }
0x55: {  	[tilespmem:s19], [sflag:$0x1] =	stream.indirect.gather [hbm4b:s4+s18], $0x80, s29, s18, $0xb8;
	[tilespmem:$0x1E800] =	vst v63  }
0x56: {  	_ =	swait.ge [sflag:s21], $0x4000  }
.Ltmp1:
0x57: {  	[sflag:s21] =	ssyncset.done $0x0;
	(pc) =	sbr.rel @p0 .LBB2_4-.Ltmp1, $4  }
0x58: {  	s28 =	sadd.s32 $0x1480, s28;
	[sflag:s21] =	ssyncadd.s32 $0xFFFFC000  }
0x59: {  	[spmem:s1] =	stream.indirect.scatter.add.f32 [tilespmem:s20], [sflag:$0x3], $0x80, s28, s18, $0xb8;
	[tilespmem:$0x1E800] =	vst v63  }
0x5a: {  	_ =	swait.ge [sflag:s16], $0x4000  }
0x5b: {  	s29 =	smov.u32 s0;
	s28 =	sshra.s32 s31, $0x2;
	[sflag:s16] =	ssyncset.done $0x0  }
0x5c: {  	s0 =	sadd.s32 $0x80, s28;
	[sflag:s16] =	ssyncadd.s32 $0xFFFFC000  }
0x5d: {  	[tilespmem:s20], [sflag:$0x2] =	stream.indirect.gather [hbm4b:s4+s18], $0x80, s0, s18, $0xb8;
	[tilespmem:$0x1E800] =	vst v63  }
0x5e: {  	_ =	swait.ge [sflag:s22], $0x4000  }
0x5f: {  	[sflag:s22] =	ssyncset.done $0x0  }
0x60: {  	s30 =	sadd.s32 $0x1400, s28;
	[sflag:s22] =	ssyncadd.s32 $0xFFFFC000  }
0x61: {  	[spmem:s1] =	stream.indirect.scatter.add.f32 [tilespmem:s19], [sflag:$0x3], $0x80, s30, s18, $0xb8;
	[tilespmem:$0x1E800] =	vst v63  }
0x62: {  	_ =	swait.ge [sflag:s16], $0x4000  }
0x63: {  	[sflag:s16] =	ssyncset.done $0x0  }
0x64: {  	s31 =	sadd.s32 $0x100, s28;
	[sflag:s16] =	ssyncadd.s32 $0xFFFFC000  }
0x65: {  	[tilespmem:s19], [sflag:$0x1] =	stream.indirect.gather [hbm4b:s4+s18], $0x80, s31, s18, $0xb8;
	[tilespmem:$0x1E800] =	vst v63  }
0x66: {  	_ =	swait.ge [sflag:s21], $0x4000  }
0x67: {  	[sflag:s21] =	ssyncset.done $0x0  }
0x68: {  	s30 =	sadd.s32 $0x1480, s28;
	[sflag:s21] =	ssyncadd.s32 $0xFFFFC000  }
0x69: {  	[spmem:s1] =	stream.indirect.scatter.add.f32 [tilespmem:s20], [sflag:$0x3], $0x80, s30, s18, $0xb8;
	[tilespmem:$0x1E800] =	vst v63  }
0x6a: {  	_ =	swait.ge [sflag:s16], $0x4000  }
0x6b: {  	[sflag:s16] =	ssyncset.done $0x0  }
0x6c: {  	[sflag:s16] =	ssyncadd.s32 $0xFFFFC000  }
0x6d: {  	[tilespmem:s20], [sflag:$0x2] =	stream.indirect.gather [hbm4b:s4+s18], $0x80, s23, s18, $0xb8;
	[tilespmem:$0x1E800] =	vst v63  }
0x6e: {  	_ =	swait.ge [sflag:s22], $0x4000  }
0x6f: {  	[sflag:s22] =	ssyncset.done $0x0  }
0x70: {  	[sflag:s22] =	ssyncadd.s32 $0xFFFFC000  }
0x71: {  	[spmem:s1] =	stream.indirect.scatter.add.f32 [tilespmem:s19], [sflag:$0x3], $0x80, s24, s18, $0xb8;
	[tilespmem:$0x1E800] =	vst v63  }
0x72: {  	_ =	swait.ge [sflag:s16], $0x4000  }
0x73: {  	[sflag:s16] =	ssyncset.done $0x0  }
0x74: {  	[sflag:s16] =	ssyncadd.s32 $0xFFFFC000  }
0x75: {  	_ =	swait.ge [sflag:s21], $0x4000  }
0x76: {  	[sflag:s21] =	ssyncset.done $0x0  }
0x77: {  	[sflag:s21] =	ssyncadd.s32 $0xFFFFC000  }
0x78: {  	[spmem:s1] =	stream.indirect.scatter.add.f32 [tilespmem:s20], [sflag:$0x3], $0x80, s25, s18, $0xb8;
	[tilespmem:$0x1E800] =	vst v63  }
0x79: {  	_ =	swait.ge [sflag:s16], $0x4000  }
0x7a: {  	[sflag:s16] =	ssyncset.done $0x0  }
0x7b: {  	s31 =	simm.s32 $0x0;
	[sflag:s16] =	ssyncadd.s32 $0xFFFFC000  }
0x7c: {  	[tilespmem:s31], [sflag:$0x3] =	stream.linear.gather [hbm4b:s12+s31], $0x1400, $0x38;
	[tilespmem:$0x1E800] =	vst v63  }
0x7d: {  	_ =	swait.ge [sflag:s16], $0x1400  }
0x7e: {  	[sflag:s16] =	ssyncset.done $0x0  }
0x7f: {  	[sflag:s16] =	ssyncadd.s32 $0xFFFFEC00  }
0x80: {  	[tilespmem:s17], [sflag:$0x3] =	stream.linear.gather [hbm4b:s13+s31], $0x1400, $0x38;
	[tilespmem:$0x1E800] =	vst v63  }
0x81: {  	_ =	swait.ge [sflag:s16], $0x1400  }
0x82: {  	[sflag:s16] =	ssyncset.done $0x0  }
0x83: {  	[sflag:s16] =	ssyncadd.s32 $0xFFFFEC00  }
0x84: {  	[tilespmem:s19], [sflag:$0x1] =	stream.indirect.gather [hbm4b:s4+s18], $0x80, s31, s18, $0xb8;
	[tilespmem:$0x1E800] =	vst v63  }
0x85: {  	s30 =	simm.s32 $0x80  }
0x86: {  	[tilespmem:s20], [sflag:$0x2] =	stream.indirect.gather [hbm4b:s4+s18], $0x80, s30, s18, $0xb8;
	[tilespmem:$0x1E800] =	vst v63  }
0x87: {  	_ =	swait.ge [sflag:s22], $0x4000  }
0x88: {  	[sflag:s22] =	ssyncset.done $0x0  }
0x89: {  	s31 =	simm.s32 $0x1400;
	[sflag:s22] =	ssyncadd.s32 $0xFFFFC000  }
0x8a: {  	[spmem:s1] =	stream.indirect.scatter.add.f32 [tilespmem:s19], [sflag:$0x3], $0x80, s31, s18, $0xb8;
	[tilespmem:$0x1E800] =	vst v63  }
0x8b: {  	_ =	swait.ge [sflag:s16], $0x4000  }
0x8c: {  	[sflag:s16] =	ssyncset.done $0x0  }
0x8d: {  	s30 =	simm.s32 $0x100;
	[sflag:s16] =	ssyncadd.s32 $0xFFFFC000  }
0x8e: {  	[tilespmem:s19], [sflag:$0x1] =	stream.indirect.gather [hbm4b:s4+s18], $0x80, s30, s18, $0xb8;
	[tilespmem:$0x1E800] =	vst v63  }
0x8f: {  	_ =	swait.ge [sflag:s21], $0x4000  }
0x90: {  	[sflag:s21] =	ssyncset.done $0x0  }
0x91: {  	s31 =	simm.s32 $0x1480;
	[sflag:s21] =	ssyncadd.s32 $0xFFFFC000  }
0x92: {  	[spmem:s1] =	stream.indirect.scatter.add.f32 [tilespmem:s20], [sflag:$0x3], $0x80, s31, s18, $0xb8;
	[tilespmem:$0x1E800] =	vst v63  }
0x93: {  	_ =	swait.ge [sflag:s16], $0x4000  }
0x94: {  	s29 =	simm.s32 $0x800;
	s28 =	simm.s32 $0x100;
	[sflag:s16] =	ssyncset.done $0x0  }
.LBB2_6:
0x95: {  	s0 =	sadd.s32 $0x80, s28  }
0x96: {  	[sflag:s16] =	ssyncadd.s32 $0xFFFFC000;
	s30 =	smov.u32 s29;
	s31 =	sadd.s32 $0x400, s29  }
0x97: {  	[tilespmem:s20], [sflag:$0x2] =	stream.indirect.gather [hbm4b:s4+s18], $0x80, s0, s18, $0xb8;
	[tilespmem:$0x1E800] =	vst v63  }
0x98: {  	p0 =	sne.s32 s29, $0x4800;
	_ =	swait.ge [sflag:s22], $0x4000  }
0x99: {  	[sflag:s22] =	ssyncset.done $0x0  }
0x9a: {  	s0 =	sadd.s32 $0x1400, s28;
	[sflag:s22] =	ssyncadd.s32 $0xFFFFC000  }
0x9b: {  	[spmem:s1] =	stream.indirect.scatter.add.f32 [tilespmem:s19], [sflag:$0x3], $0x80, s0, s18, $0xb8;
	[tilespmem:$0x1E800] =	vst v63  }
0x9c: {  	_ =	swait.ge [sflag:s16], $0x4000  }
0x9d: {  	[sflag:s16] =	ssyncset.done $0x0  }
0x9e: {  	s0 =	sadd.s32 $0x100, s28;
	[sflag:s16] =	ssyncadd.s32 $0xFFFFC000  }
0x9f: {  	[tilespmem:s19], [sflag:$0x1] =	stream.indirect.gather [hbm4b:s4+s18], $0x80, s0, s18, $0xb8;
	[tilespmem:$0x1E800] =	vst v63  }
0xa0: {  	_ =	swait.ge [sflag:s21], $0x4000  }
.Ltmp2:
0xa1: {  	[sflag:s21] =	ssyncset.done $0x0;
	(pc) =	sbr.rel @p0 .LBB2_6-.Ltmp2, $4  }
0xa2: {  	s0 =	sadd.s32 $0x1480, s28;
	[sflag:s21] =	ssyncadd.s32 $0xFFFFC000  }
0xa3: {  	[spmem:s1] =	stream.indirect.scatter.add.f32 [tilespmem:s20], [sflag:$0x3], $0x80, s0, s18, $0xb8;
	[tilespmem:$0x1E800] =	vst v63  }
0xa4: {  	_ =	swait.ge [sflag:s16], $0x4000  }
0xa5: {  	s29 =	smov.u32 s31;
	s28 =	sshra.s32 s30, $0x2;
	[sflag:s16] =	ssyncset.done $0x0  }
0xa6: {  	s0 =	sadd.s32 $0x80, s28;
	[sflag:s16] =	ssyncadd.s32 $0xFFFFC000  }
0xa7: {  	[tilespmem:s20], [sflag:$0x2] =	stream.indirect.gather [hbm4b:s4+s18], $0x80, s0, s18, $0xb8;
	[tilespmem:$0x1E800] =	vst v63  }
0xa8: {  	_ =	swait.ge [sflag:s22], $0x4000  }
0xa9: {  	[sflag:s22] =	ssyncset.done $0x0  }
0xaa: {  	s30 =	sadd.s32 $0x1400, s28;
	[sflag:s22] =	ssyncadd.s32 $0xFFFFC000  }
0xab: {  	[spmem:s1] =	stream.indirect.scatter.add.f32 [tilespmem:s19], [sflag:$0x3], $0x80, s30, s18, $0xb8;
	[tilespmem:$0x1E800] =	vst v63  }
0xac: {  	_ =	swait.ge [sflag:s16], $0x4000  }
0xad: {  	[sflag:s16] =	ssyncset.done $0x0  }
0xae: {  	s31 =	sadd.s32 $0x100, s28;
	[sflag:s16] =	ssyncadd.s32 $0xFFFFC000  }
0xaf: {  	[tilespmem:s19], [sflag:$0x1] =	stream.indirect.gather [hbm4b:s4+s18], $0x80, s31, s18, $0xb8;
	[tilespmem:$0x1E800] =	vst v63  }
0xb0: {  	_ =	swait.ge [sflag:s21], $0x4000  }
0xb1: {  	[sflag:s21] =	ssyncset.done $0x0  }
0xb2: {  	s29 =	sadd.s32 $0x1480, s28;
	[sflag:s21] =	ssyncadd.s32 $0xFFFFC000  }
0xb3: {  	[spmem:s1] =	stream.indirect.scatter.add.f32 [tilespmem:s20], [sflag:$0x3], $0x80, s29, s18, $0xb8;
	[tilespmem:$0x1E800] =	vst v63  }
0xb4: {  	_ =	swait.ge [sflag:s16], $0x4000  }
0xb5: {  	[sflag:s16] =	ssyncset.done $0x0  }
0xb6: {  	[sflag:s16] =	ssyncadd.s32 $0xFFFFC000  }
0xb7: {  	[tilespmem:s20], [sflag:$0x2] =	stream.indirect.gather [hbm4b:s4+s18], $0x80, s23, s18, $0xb8;
	[tilespmem:$0x1E800] =	vst v63  }
0xb8: {  	_ =	swait.ge [sflag:s22], $0x4000  }
0xb9: {  	[sflag:s22] =	ssyncset.done $0x0  }
0xba: {  	[sflag:s22] =	ssyncadd.s32 $0xFFFFC000  }
0xbb: {  	[spmem:s1] =	stream.indirect.scatter.add.f32 [tilespmem:s19], [sflag:$0x3], $0x80, s24, s18, $0xb8;
	[tilespmem:$0x1E800] =	vst v63  }
0xbc: {  	_ =	swait.ge [sflag:s16], $0x4000  }
0xbd: {  	[sflag:s16] =	ssyncset.done $0x0  }
0xbe: {  	[sflag:s16] =	ssyncadd.s32 $0xFFFFC000  }
0xbf: {  	_ =	swait.ge [sflag:s21], $0x4000  }
0xc0: {  	[sflag:s21] =	ssyncset.done $0x0  }
0xc1: {  	[sflag:s21] =	ssyncadd.s32 $0xFFFFC000  }
0xc2: {  	[spmem:s1] =	stream.indirect.scatter.add.f32 [tilespmem:s20], [sflag:$0x3], $0x80, s25, s18, $0xb8;
	[tilespmem:$0x1E800] =	vst v63  }
0xc3: {  	_ =	swait.ge [sflag:s16], $0x4000  }
0xc4: {  	s26 =	sadd.s32 $0x1, s26;
	s30 =	sshll.u32 s2, $0x6;
	[sflag:s16] =	ssyncset.done $0x0  }
0xc5: {  	p0 =	sne.s32 s26, s15;
	s0 =	sor.u32 $0x1C03, s30;
	[sflag:s16] =	ssyncadd.s32 $0xFFFFC000  }
.Ltmp3:
0xc6: {  	s31 =	sshrl.u32 s6, $0x3;
	[bflag:$0x0] =	sbarrier.arrive $0xFFFF;
	(pc) =	sbr.rel @p0 .LBB2_1-.Ltmp3, $4  }
0xc7: {  	[hbm:s14], [sflag:s0] =	dma.local [spmem:s31], $0x2800  }
0xc8: {  	_ =	swait.ge [sflag:s16], $0x2800  }
0xc9: {  	[sflag:s16] =	ssyncset.done $0x0  }
0xca: {  	[sflag:s16] =	ssyncadd.s32 $0xFFFFD800  }
0xcb: {  	_ =	sfence.sel $0x180000  }
0xcc: {  	[bflag:$0x0] =	sbarrier.arrive $0xFFFF  }
0xcd: {  	_ =	strace $0x9000004A  }
0xce: {  	[bflag:$0x2] =	sbarrier.arrive $0xFFFF  }
0xcf: {  	p0 =	sne.s32 s2, $0x0;
	s0 =	rddreg [dreg:$0x2]  }
0xd0: {  	s0 =	sadd.s32 @!p0 $0x100000, s0  }
0xd1: {  	[sflag:s0] =	ssyncadd.tile.s32 @!p0 $0x1;
	_ =	shalt  }
.Lfunc_end2:
_tile_overlayer_lowered:
.L_overlay_start_2:
0xd2: {  	(tag) =	ssettag $0x2  }
0xd3: {  	s0 =	rddreg [dreg:$0x0];
	s2 =	stileid.u32  }
0xd4: {  	s1 =	rddreg [dreg:$0x1];
	p0 =	sne.s32 s2, $0x0  }
0xd5: {  	s3 =	rddreg [dreg:$0x2];
	[bflag:$0x3] =	sbarrier.arrive $0xFFFF;
	s2 =	simm.s32 @!p0 $0x1C03  }
0xd6: {  	[timem:s3], [sflag:s2] =	dma.local @!p0 [hbm:s0], s1  }
0xd7: {  	s0 =	simm.s32 @!p0 $0x3  }
0xd8: {  	_ =	swait.ge @!p0 [sflag:s0], s1  }
0xd9: {  	s1 =	ssub.s32 @!p0 $0x0, s1;
	[sflag:s0] =	ssyncset.done @!p0 $0x0  }
0xda: {  	[sflag:s0] =	ssyncadd.s32 @!p0 s1  }
0xdb: {  	[bflag:$0x3] =	sbarrier.arrive $0xFFFF  }
0xdc: {  	_ =	shalt  }

// kernel: kernel.16.cloned.1.call-start
scs
__scs_entry_jumppad:
0x0: {  	(pc) =	sbr.rel $0x88, $3  }
0x1: {  	(tag) =	ssettag $0x0;
	lr =	simm.s32 $0x1  }
0x2: {  	[smem:$0x3F93] =	sst lr;
	_ =	strace $0xD0000000  }
0x3: {  	_ = 	snop  }
0x4: {  	_ = 	snop  }
0x5: {  	_ = 	snop  }
0x6: {  	_ = 	snop  }
0x7: {  	_ = 	snop  }
__scs_overlays_trampoline_lowered:
0x8: {  	[smem:$0x3FA2] =	sst s0  }
0x9: {  	[smem:$0x3FA3] =	sst s1  }
0xa: {  	[smem:$0x3FA4] =	sst s2  }
0xb: {  	[smem:$0x3FA5] =	sst s3  }
0xc: {  	[smem:$0x3FA6] =	sst s4  }
0xd: {  	[smem:$0x3FA7] =	sst s5  }
0xe: {  	[smem:$0x3FA8] =	sst s6  }
0xf: {  	[smem:$0x3FA9] =	sst s7  }
0x10: {  	[smem:$0x3FAA] =	sst s8  }
0x11: {  	[smem:$0x3FAB] =	sst s9;
	s0 =	simm.s32 @!p0 $0x0  }
0x12: {  	s1 =	sld [smem:$0x3F91];
	s0 =	simm.s32 @p0 $0x1  }
0x13: {  	[smem:$0x3FAC] =	sst s0;
	s0 =	simm.s32 @!p1 $0x0  }
0x14: {  	s2 =	sld [smem:$0x3F90];
	s0 =	simm.s32 @p1 $0x1  }
0x15: {  	[smem:$0x3FAD] =	sst s0;
	s0 =	simm.s32 @!p2 $0x0  }
0x16: {  	s3 =	sld [smem:$0x3FDB];
	s0 =	simm.s32 @p2 $0x1  }
0x17: {  	s4 =	simm.s32 $0x1BF5;
	[smem:$0x3FAF] =	sst s0  }
0x18: {  	s0 =	sld [smem:$0x3F92];
	_ =	swait.ge [sflag:s4], $0x0  }
0x19: {  	s7 =	sld [smem:$0x3F93]  }
0x1a: {  	s8 =	sadd.s32 $0xFFFFE003, lr  }
0x1b: {  	s9 =	sadd.s32 $0xFFFFFEF7, lr;
	s5 =	simm.s32 $0xFFFFFFFF;
	p2 =	slt.u32 s8, $0xFFFFF086  }
0x1c: {  	p1 =	slt.u32 s9, $0xF7A;
	s5 =	simm.s32 @!p2 $0x0  }
0x1d: {  	s5 =	simm.s32 @p1 $0x1;
	p0 =	seq.s32 s7, s2  }
0x1e: {  	s7 =	smul.u32 @!p0 $0xF7A, s2;
	p2 =	seq.s32 @!p0 s5, $0x0  }
0x1f: {  	s9 =	smul.u32 $0xF7A, s1;
	s8 =	simm.s32 @!p0 $0x1BF5;
	p2 =	por !p2, p0  }
0x20: {  	[sflag:s8] =	ssyncset.s32 @!p0 $0xFFFFF086;
	s6 =	sadd.s32 @!p0 s3, s7;
	s7 =	simm.s32 @!p0 $0x108  }
0x21: {  	s3 =	sadd.s32 s3, s9;
	s6 =	sadd.s32 @!p0 $0x88, s6;
	s7 =	simm.s32 @p2 $0x1082  }
0x22: {  	[simem:s7], [sflag:s8] =	dma.local @!p0 [hbm:s6], $0xF7A  }
0x23: {  	s9 =	sor.u32 $0xD0000000, s2;
	s6 =	simm.s32 $0x108;
	_ =	swait.ge @!p0 [sflag:s8], $0x0  }
0x24: {  	s3 =	sadd.s32 $0x88, s3;
	s6 =	simm.s32 @!p1 $0x1082;
	[sflag:s4] =	ssyncset.s32 $0xFFFFF086  }
0x25: {  	[simem:s6], [sflag:s4] =	dma.local [hbm:s3], $0xF7A  }
0x26: {  	[smem:$0x3F93] =	sst s1;
	(tag) =	ssettag s2;
	_ =	strace s9  }
0x27: {  	s1 =	sld [smem:$0x3FA3]  }
0x28: {  	s2 =	sld [smem:$0x3FA4]  }
0x29: {  	s4 =	sld [smem:$0x3FA6]  }
0x2a: {  	p0 =	seq.s32 s5, $0x0;
	s5 =	sld [smem:$0x3FA7]  }
0x2b: {  	s6 =	sld [smem:$0x3FA8]  }
0x2c: {  	s7 =	sld [smem:$0x3FA9]  }
0x2d: {  	s3 =	simm.s32 $0x108;
	s8 =	sld [smem:$0x3FAA]  }
0x2e: {  	s3 =	simm.s32 @!p0 $0x1082;
	s9 =	sld [smem:$0x3FAB]  }
0x2f: {  	lr =	sadd.s32 s0, s3;
	s0 =	sld [smem:$0x3FA2]  }
0x30: {  	s3 =	sld [smem:$0x3FA5]  }
0x31: {  	[smem:$0x3FAE] =	sst s10  }
0x32: {  	s10 =	sld [smem:$0x3FAC];
	_ =	sdelay $0x3  }
0x33: {  	p0 =	seq.s32 s10, $0x1;
	s10 =	sld [smem:$0x3FAE];
	_ =	sdelay $0x3  }
0x34: {  	[smem:$0x3FAE] =	sst s10  }
0x35: {  	s10 =	sld [smem:$0x3FAD];
	_ =	sdelay $0x3  }
0x36: {  	p1 =	seq.s32 s10, $0x1;
	s10 =	sld [smem:$0x3FAE];
	_ =	sdelay $0x3  }
0x37: {  	[smem:$0x3FAE] =	sst s10  }
0x38: {  	s10 =	sld [smem:$0x3FAF]  }
0x39: {  	_ = 	snop;
	(pc) =	sbr.ind lr, $3  }
0x3a: {  	_ = 	snop  }
0x3b: {  	_ = 	snop  }
0x3c: {  	p2 =	seq.s32 s10, $0x1;
	s10 =	sld [smem:$0x3FAE]  }
0x3d: {  	_ =	shalt  }
0x3e: {  	_ =	shalt  }
0x3f: {  	_ =	shalt  }
0x40: {  	_ =	shalt  }
0x41: {  	_ =	shalt  }
0x42: {  	_ =	shalt  }
0x43: {  	_ =	shalt  }
0x44: {  	_ =	shalt  }
0x45: {  	_ =	shalt  }
0x46: {  	_ =	shalt  }
0x47: {  	_ =	shalt  }
0x48: {  	_ =	shalt  }
0x49: {  	_ =	shalt  }
0x4a: {  	_ =	shalt  }
0x4b: {  	_ =	shalt  }
0x4c: {  	_ =	shalt  }
0x4d: {  	_ =	shalt  }
0x4e: {  	_ =	shalt  }
0x4f: {  	_ =	shalt  }
0x50: {  	_ =	shalt  }
0x51: {  	_ =	shalt  }
0x52: {  	_ =	shalt  }
0x53: {  	_ =	shalt  }
0x54: {  	_ =	shalt  }
0x55: {  	_ =	shalt  }
0x56: {  	_ =	shalt  }
0x57: {  	_ =	shalt  }
0x58: {  	_ =	shalt  }
0x59: {  	_ =	shalt  }
0x5a: {  	_ =	shalt  }
0x5b: {  	_ =	shalt  }
0x5c: {  	_ =	shalt  }
0x5d: {  	_ =	shalt  }
0x5e: {  	_ =	shalt  }
0x5f: {  	_ =	shalt  }
0x60: {  	_ =	shalt  }
0x61: {  	_ =	shalt  }
0x62: {  	_ =	shalt  }
0x63: {  	_ =	shalt  }
0x64: {  	_ =	shalt  }
0x65: {  	_ =	shalt  }
0x66: {  	_ =	shalt  }
0x67: {  	_ =	shalt  }
0x68: {  	_ =	shalt  }
0x69: {  	_ =	shalt  }
0x6a: {  	_ =	shalt  }
0x6b: {  	_ =	shalt  }
0x6c: {  	_ =	shalt  }
0x6d: {  	_ =	shalt  }
0x6e: {  	_ =	shalt  }
0x6f: {  	_ =	shalt  }
0x70: {  	_ =	shalt  }
0x71: {  	_ =	shalt  }
0x72: {  	_ =	shalt  }
0x73: {  	_ =	shalt  }
0x74: {  	_ =	shalt  }
0x75: {  	_ =	shalt  }
0x76: {  	_ =	shalt  }
0x77: {  	_ =	shalt  }
0x78: {  	_ =	shalt  }
0x79: {  	_ =	shalt  }
0x7a: {  	_ =	shalt  }
0x7b: {  	_ =	shalt  }
0x7c: {  	_ =	shalt  }
0x7d: {  	_ =	shalt  }
0x7e: {  	_ =	shalt  }
0x7f: {  	_ =	shalt  }
0x80: {  	_ =	shalt  }
0x81: {  	_ =	shalt  }
0x82: {  	_ =	shalt  }
0x83: {  	_ =	shalt  }
0x84: {  	_ =	shalt  }
0x85: {  	_ =	shalt  }
0x86: {  	_ =	shalt  }
0x87: {  	_ =	shalt  }
.Lfunc_end0:
.L_simem_size_0:
called_computation.2_lowered:
.L_overlay_start_0:
0x88: {  	s2 =	sld [smem:$0x3FD9]  }
0x89: {  	s3 =	sld [smem:$0x3FFE];
	_ =	sdelay $0x1  }
0x8a: {  	s1 =	srdreg.scid  }
0x8b: {  	s0 =	sand.u32 $0x1, s1  }
0x8c: {  	s16 =	sshll.u32 s0, $0xA;
	s2 =	sadd.s32 s3, s2  }
0x8d: {  	s2 =	sadd.s32 s2, s16  }
0x8e: {  	[smem:$0x3FBA] =	sst s2  }
0x8f: {  	_ = 	snop  }
0x90: {  	(tm) =	ssettm $0x1  }
0x91: {  	s17 =	sld [smem:$0x3FFB];
	_ =	sdelay $0x3  }
0x92: {  	_ =	strace s17  }
0x93: {  	s2 =	sld [smem:$0x3FFC];
	_ =	sdelay $0x3  }
0x94: {  	_ =	strace s2  }
0x95: {  	s2 =	sld [smem:$0x3FFD];
	_ =	sdelay $0x3  }
0x96: {  	_ =	strace s2  }
0x97: {  	_ =	strace $0x8FFFFFFF  }
0x98: {  	s18 =	sld [smem:$0x3FDB];
	_ =	sdelay $0x1  }
0x99: {  	s19 =	simm.s32 $_scs_section_size  }
0x9a: {  	s4 =	simm.s32 $_size__tile_overlayer_lowered;
	s5 =	simm.s32 $_tile_overlayer_lowered  }
0x9b: {  	s22 =	simm.s32 $0x1BFF;
	s21 =	sshll.u32 s5, $0x1;
	s2 =	sadd.s32 s19, s18  }
0x9c: {  	s6 =	simm.s32 $0x0;
	s20 =	sshll.u32 s4, $0x1;
	s4 =	sadd.s32 s21, s2  }
0x9d: {  	[timem:s6], [sflag:s22] =	dma.local [hbm:s4], s20  }
0x9e: {  	_ =	swait.ge [sflag:s22], s20  }
0x9f: {  	s3 =	ssub.s32 $0x0, s20;
	[sflag:s22] =	ssyncset.done $0x0  }
0xa0: {  	[sflag:s22] =	ssyncadd.s32 s3;
	_ =	sdelay $0x1  }
0xa1: {  	s23 =	simm.s32 $0x1B8B  }
0xa2: {  	_ =	swait.ge [sflag:s23], $0x1  }
0xa3: {  	[sflag:s23] =	ssyncset.done $0x0  }
0xa4: {  	s25 =	simm.s32 $0x1B8E;
	s24 =	sld [smem:$0x3FFE];
	[sflag:s23] =	ssyncadd.s32 $0xFFFFFFFF  }
0xa5: {  	s26 =	simm.s32 $execute0_lowered;
	[smem:$0x3FD2] =	sst s25  }
0xa6: {  	s4 =	sshll.u32 s26, $0x1;
	_ =	strace $0x8000004C;
	[dreg:$0x1] =	wrdreg $0xFFFFFFFF  }
0xa7: {  	s28 =	simm.s32 $_size_execute0_lowered;
	s2 =	sadd.s32 s2, s4;
	[dreg:$0x0] =	wrdreg $0x0  }
0xa8: {  	s4 =	sshll.u32 s28, $0x1;
	[dreg:$0x2] =	wrdreg s2  }
0xa9: {  	[dreg:$0x3] =	wrdreg s4  }
0xaa: {  	[dreg:$0x4] =	wrdreg $0xC0  }
0xab: {  	_ =	task [dreg:s6], $0x5FFFF  }
0xac: {  	[dreg:$0x1] =	wrdreg $0xFFFFFFFF  }
0xad: {  	[dreg:$0x0] =	wrdreg $0x60  }
0xae: {  	[dreg:$0x2] =	wrdreg s24  }
0xaf: {  	[dreg:$0x3] =	wrdreg $0xA8000  }
0xb0: {  	[dreg:$0x4] =	wrdreg $0x9  }
0xb1: {  	_ =	task.clear_ibuf [dreg:s6], $0x5FFFF;
	_ =	strace $0x9000004C  }
0xb2: {  	s29 =	simm.s32 $0x9;
	_ =	strace $0x8000004E  }
0xb3: {  	_ =	swait.ge [sflag:s29], $0x1  }
0xb4: {  	[sflag:s29] =	ssyncadd.s32 $0xFFFFFFFF  }
0xb5: {  	_ =	strace $0x9000004E  }
0xb6: {  	_ =	sfence  }
0xb7: {  	s30 =	sld [smem:$0x0];
	_ =	sdelay $0x2  }
0xb8: {  	s31 =	sshll.u32 s1, $0xD;
	s1 =	sshrl.u32 s1, $0x2  }
0xb9: {  	s3 =	sand.u32 $0x4000, s31;
	s1 =	sadd.s32 s1, s30  }
0xba: {  	s0 =	sor.u32 s3, s0;
	s1 =	sshll.u32 s1, $0x11  }
0xbb: {  	s0 =	sor.u32 s1, s0  }
0xbc: {  	s0 =	sadd.s32 $0x8F2B, s0  }
0xbd: {  	[sflag:s0] =	ssyncadd.remote.s32 $0x1  }
0xbe: {  	_ =	sfence.sel $0xFFFF  }
0xbf: {  	[dreg:$0x0] =	wrdreg $0xFFFFFFFF;
	(pc) =	sbr.abs _section_cstart, $3  }
0xc0: {  	[dreg:$0x1] =	wrdreg $0xFFFFFFFF  }
0xc1: {  	_ =	task.clear_ibuf [dreg:s6], $0x2FFFF;
	_ =	strace $0x9FFFFFFF  }
0xc2: {  	(tm) =	ssettm $0x7FFFFFFF  }
0xc3: {  	_ =	shalt  }
tec
execute0_lowered:
.L_overlay_start_1:
0x0: {  	(tag) =	ssettag $0x1  }
0x1: {  	s5 =	rddreg [dreg:$0x0]  }
0x2: {  	s1 =	rddreg [dreg:$0x1];
	s2 =	srdreg.scid  }
0x3: {  	s3 =	simm.s32 $0x0;
	s17 =	simm.s32 $0x1400;
	s18 =	simm.s32 $0x80  }
0x4: {  	s19 =	simm.s32 $0x2800;
	s20 =	simm.s32 $0x6800;
	s21 =	simm.s32 $0x2  }
0x5: {  	s22 =	simm.s32 $0x1;
	s23 =	simm.s32 $0x1380;
	s24 =	simm.s32 $0x2700  }
0x6: {  	s25 =	simm.s32 $0x2780;
	s6 =	sand.u32 $0x1, s2;
	s2 =	stileid.u32  }
0x7: {  	s26 =	simm.s32 $0x0;
	[smem:$0x7FF] =	sst s3;
	s7 =	smul.u32 $0x140000, s6  }
0x8: {  	s12 =	sadd.s32 $0xEA00, s5;
	s13 =	sadd.s32 $0x4A00, s5;
	s8 =	smul.u32 $0x14000, s2  }
0x9: {  	s4 =	sshll.u32 s6, $0x4;
	_ =	strace $0x8000004D;
	s29 =	smul.u32 $0x50000, s2  }
0xa: {  	s30 =	ssub.s32 $0x2, s6;
	s9 =	sor.u32 s2, s4;
	s4 =	sadd.s32 $0x68A00, s5  }
0xb: {  	s6 =	sshrl.u32 s30, $0x1;
	s7 =	sadd.s32 s8, s7;
	s28 =	smul.u32 $0x2800, s9  }
0xc: {  	s31 =	sshrl.u32 s29, $0x2;
	s16 =	ssub.s32 s30, s6;
	s7 =	sshrl.u32 s7, $0x3  }
0xd: {  	s6 =	sadd.s32 s31, s1;
	s14 =	sadd.s32 s7, s5;
	s15 =	sshrl.u32 s28, $0x3  }
0xe: {  	s8 =	sadd.s32 $0x4000, s6;
	s9 =	sadd.s32 $0x8000, s6;
	s10 =	sadd.s32 $0xC000, s6  }
0xf: {  	s5 =	sadd.s32 s12, s15;
	s7 =	sadd.s32 s13, s15;
	s15 =	sadd.s32 $0x280, s15  }
0x10: {  	s11 =	sadd.s32 $0x10000, s6;
	s14 =	sadd.s32 $0x8FC00, s14;
	s12 =	sadd.s32 s12, s15  }
0x11: {  	v0 =	vimm.f32 $0.0e+00;
	s13 =	sadd.s32 s13, s15;
	s15 =	smax.u32 s16, $0x1;
	s16 =	simm.s32 $0x3  }
.LBB2_1:
0x12: {  	[tilespmem:s3], [sflag:$0x3] =	stream.linear.gather [hbm4b:s5+s3], $0x1400, $0x38;
	[tilespmem:$0x1E800] =	vst v63  }
0x13: {  	_ =	swait.ge [sflag:s16], $0x1400  }
0x14: {  	[sflag:s16] =	ssyncset.done $0x0  }
0x15: {  	[sflag:s16] =	ssyncadd.s32 $0xFFFFEC00  }
0x16: {  	[tilespmem:s17], [sflag:$0x3] =	stream.linear.gather [hbm4b:s7+s3], $0x1400, $0x38;
	[tilespmem:$0x1E800] =	vst v63  }
0x17: {  	s28 =	sand.u32 $0xFE00, s3;
	s29 =	sand.u32 $0x70, s3;
	_ =	swait.ge [sflag:s16], $0x1400  }
0x18: {  	s30 =	sshrl.u32 s28, $0x2;
	s28 =	simm.s32 $0x40;
	[sflag:s16] =	ssyncset.done $0x0  }
0x19: {  	s30 =	sor.u32 s29, s30;
	s29 =	simm.s32 $0x0;
	[sflag:s16] =	ssyncadd.s32 $0xFFFFEC00  }
0x1a: {  	[tilespmem:s19], [sflag:$0x1] =	stream.indirect.gather [hbm4b:s4+s18], $0x80, s3, s18, $0xb8;
	[tilespmem:$0x1E800] =	vst v63  }
.LBB2_2:
0x1b: {  	p0 =	sne.s32 s28, $0xFFC0  }
0x1c: {  	[tilespmem:s30+$0x6800] =	vst v0;
	s29 =	sadd.s32 $0x10, s29;
	s30 =	smov.u32 s28;
	s28 =	sadd.s32 $0x40, s28  }
.Ltmp0:
0x1d: {  	(pc) =	sbr.rel @p0 .LBB2_2-.Ltmp0, $4  }
0x1e: {  	_ = 	snop  }
0x1f: {  	s30 =	sand.u32 $0xFE00, s30  }
0x20: {  	s31 =	sand.u32 $0x70, s29;
	s30 =	sshrl.u32 s30, $0x2  }
0x21: {  	s30 =	sor.u32 s31, s30  }
0x22: {  	[tilespmem:s30+$0x6800] =	vst v0  }
0x23: {  	[spmem:s6] =	stream.linear.scatter [tilespmem:s20], [sflag:$0x2], $0x4000, $0x38;
	[tilespmem:$0x1E800] =	vst v63  }
0x24: {  	_ = 	snop  }
0x25: {  	[spmem:s8] =	stream.linear.scatter [tilespmem:s20], [sflag:$0x2], $0x4000, $0x38;
	[tilespmem:$0x1E800] =	vst v63  }
0x26: {  	_ = 	snop  }
0x27: {  	[spmem:s9] =	stream.linear.scatter [tilespmem:s20], [sflag:$0x2], $0x4000, $0x38;
	[tilespmem:$0x1E800] =	vst v63  }
0x28: {  	_ = 	snop  }
0x29: {  	[spmem:s10] =	stream.linear.scatter [tilespmem:s20], [sflag:$0x2], $0x4000, $0x38;
	[tilespmem:$0x1E800] =	vst v63  }
0x2a: {  	_ = 	snop  }
0x2b: {  	[spmem:s11] =	stream.linear.scatter [tilespmem:s20], [sflag:$0x2], $0x4000, $0x38;
	[tilespmem:$0x1E800] =	vst v63  }
0x2c: {  	_ =	swait.ge [sflag:s21], $0x4000  }
0x2d: {  	[sflag:s21] =	ssyncset.done $0x0  }
0x2e: {  	[sflag:s21] =	ssyncadd.s32 $0xFFFFC000  }
0x2f: {  	_ =	swait.ge [sflag:s21], $0x4000  }
0x30: {  	[sflag:s21] =	ssyncset.done $0x0  }
0x31: {  	[sflag:s21] =	ssyncadd.s32 $0xFFFFC000  }
0x32: {  	_ =	swait.ge [sflag:s21], $0x4000  }
0x33: {  	[sflag:s21] =	ssyncset.done $0x0  }
0x34: {  	[sflag:s21] =	ssyncadd.s32 $0xFFFFC000  }
0x35: {  	_ =	swait.ge [sflag:s21], $0x4000  }
0x36: {  	[sflag:s21] =	ssyncset.done $0x0  }
0x37: {  	[sflag:s21] =	ssyncadd.s32 $0xFFFFC000  }
0x38: {  	_ =	swait.ge [sflag:s21], $0x4000  }
0x39: {  	[sflag:s21] =	ssyncset.done $0x0  }
0x3a: {  	[sflag:s21] =	ssyncadd.s32 $0xFFFFC000  }
0x3b: {  	s28 =	simm.s32 $0x80;
	[bflag:$0x0] =	sbarrier.arrive $0xFFFF  }
0x3c: {  	[tilespmem:s20], [sflag:$0x2] =	stream.indirect.gather [hbm4b:s4+s18], $0x80, s28, s18, $0xb8;
	[tilespmem:$0x1E800] =	vst v63  }
0x3d: {  	_ =	swait.ge [sflag:s22], $0x4000  }
0x3e: {  	[sflag:s22] =	ssyncset.done $0x0  }
0x3f: {  	s28 =	simm.s32 $0x1400;
	[sflag:s22] =	ssyncadd.s32 $0xFFFFC000  }
0x40: {  	[spmem:s1] =	stream.indirect.scatter.add.f32 [tilespmem:s19], [sflag:$0x3], $0x80, s28, s18, $0xb8;
	[tilespmem:$0x1E800] =	vst v63  }
0x41: {  	_ =	swait.ge [sflag:s16], $0x4000  }
0x42: {  	[sflag:s16] =	ssyncset.done $0x0  }
0x43: {  	s28 =	simm.s32 $0x100;
	[sflag:s16] =	ssyncadd.s32 $0xFFFFC000  }
0x44: {  	[tilespmem:s19], [sflag:$0x1] =	stream.indirect.gather [hbm4b:s4+s18], $0x80, s28, s18, $0xb8;
	[tilespmem:$0x1E800] =	vst v63  }
0x45: {  	_ =	swait.ge [sflag:s21], $0x4000  }
0x46: {  	[sflag:s21] =	ssyncset.done $0x0  }
0x47: {  	s28 =	simm.s32 $0x1480;
	[sflag:s21] =	ssyncadd.s32 $0xFFFFC000  }
0x48: {  	[spmem:s1] =	stream.indirect.scatter.add.f32 [tilespmem:s20], [sflag:$0x3], $0x80, s28, s18, $0xb8;
	[tilespmem:$0x1E800] =	vst v63  }
0x49: {  	_ =	swait.ge [sflag:s16], $0x4000  }
0x4a: {  	s29 =	simm.s32 $0x800;
	s28 =	simm.s32 $0x100;
	[sflag:s16] =	ssyncset.done $0x0  }
.LBB2_4:
0x4b: {  	s30 =	sadd.s32 $0x80, s28  }
0x4c: {  	[sflag:s16] =	ssyncadd.s32 $0xFFFFC000;
	s31 =	smov.u32 s29;
	s0 =	sadd.s32 $0x400, s29  }
0x4d: {  	[tilespmem:s20], [sflag:$0x2] =	stream.indirect.gather [hbm4b:s4+s18], $0x80, s30, s18, $0xb8;
	[tilespmem:$0x1E800] =	vst v63  }
0x4e: {  	p0 =	sne.s32 s29, $0x4800;
	_ =	swait.ge [sflag:s22], $0x4000  }
0x4f: {  	[sflag:s22] =	ssyncset.done $0x0  }
0x50: {  	s29 =	sadd.s32 $0x1400, s28;
	[sflag:s22] =	ssyncadd.s32 $0xFFFFC000  }
0x51: {  	[spmem:s1] =	stream.indirect.scatter.add.f32 [tilespmem:s19], [sflag:$0x3], $0x80, s29, s18, $0xb8;
	[tilespmem:$0x1E800] =	vst v63  }
0x52: {  	_ =	swait.ge [sflag:s16], $0x4000  }
0x53: {  	[sflag:s16] =	ssyncset.done $0x0  }
0x54: {  	s29 =	sadd.s32 $0x100, s28;
	[sflag:s16] =	ssyncadd.s32 $0xFFFFC000  }
0x55: {  	[tilespmem:s19], [sflag:$0x1] =	stream.indirect.gather [hbm4b:s4+s18], $0x80, s29, s18, $0xb8;
	[tilespmem:$0x1E800] =	vst v63  }
0x56: {  	_ =	swait.ge [sflag:s21], $0x4000  }
.Ltmp1:
0x57: {  	[sflag:s21] =	ssyncset.done $0x0;
	(pc) =	sbr.rel @p0 .LBB2_4-.Ltmp1, $4  }
0x58: {  	s28 =	sadd.s32 $0x1480, s28;
	[sflag:s21] =	ssyncadd.s32 $0xFFFFC000  }
0x59: {  	[spmem:s1] =	stream.indirect.scatter.add.f32 [tilespmem:s20], [sflag:$0x3], $0x80, s28, s18, $0xb8;
	[tilespmem:$0x1E800] =	vst v63  }
0x5a: {  	_ =	swait.ge [sflag:s16], $0x4000  }
0x5b: {  	s29 =	smov.u32 s0;
	s28 =	sshra.s32 s31, $0x2;
	[sflag:s16] =	ssyncset.done $0x0  }
0x5c: {  	s0 =	sadd.s32 $0x80, s28;
	[sflag:s16] =	ssyncadd.s32 $0xFFFFC000  }
0x5d: {  	[tilespmem:s20], [sflag:$0x2] =	stream.indirect.gather [hbm4b:s4+s18], $0x80, s0, s18, $0xb8;
	[tilespmem:$0x1E800] =	vst v63  }
0x5e: {  	_ =	swait.ge [sflag:s22], $0x4000  }
0x5f: {  	[sflag:s22] =	ssyncset.done $0x0  }
0x60: {  	s30 =	sadd.s32 $0x1400, s28;
	[sflag:s22] =	ssyncadd.s32 $0xFFFFC000  }
0x61: {  	[spmem:s1] =	stream.indirect.scatter.add.f32 [tilespmem:s19], [sflag:$0x3], $0x80, s30, s18, $0xb8;
	[tilespmem:$0x1E800] =	vst v63  }
0x62: {  	_ =	swait.ge [sflag:s16], $0x4000  }
0x63: {  	[sflag:s16] =	ssyncset.done $0x0  }
0x64: {  	s31 =	sadd.s32 $0x100, s28;
	[sflag:s16] =	ssyncadd.s32 $0xFFFFC000  }
0x65: {  	[tilespmem:s19], [sflag:$0x1] =	stream.indirect.gather [hbm4b:s4+s18], $0x80, s31, s18, $0xb8;
	[tilespmem:$0x1E800] =	vst v63  }
0x66: {  	_ =	swait.ge [sflag:s21], $0x4000  }
0x67: {  	[sflag:s21] =	ssyncset.done $0x0  }
0x68: {  	s30 =	sadd.s32 $0x1480, s28;
	[sflag:s21] =	ssyncadd.s32 $0xFFFFC000  }
0x69: {  	[spmem:s1] =	stream.indirect.scatter.add.f32 [tilespmem:s20], [sflag:$0x3], $0x80, s30, s18, $0xb8;
	[tilespmem:$0x1E800] =	vst v63  }
0x6a: {  	_ =	swait.ge [sflag:s16], $0x4000  }
0x6b: {  	[sflag:s16] =	ssyncset.done $0x0  }
0x6c: {  	[sflag:s16] =	ssyncadd.s32 $0xFFFFC000  }
0x6d: {  	[tilespmem:s20], [sflag:$0x2] =	stream.indirect.gather [hbm4b:s4+s18], $0x80, s23, s18, $0xb8;
	[tilespmem:$0x1E800] =	vst v63  }
0x6e: {  	_ =	swait.ge [sflag:s22], $0x4000  }
0x6f: {  	[sflag:s22] =	ssyncset.done $0x0  }
0x70: {  	[sflag:s22] =	ssyncadd.s32 $0xFFFFC000  }
0x71: {  	[spmem:s1] =	stream.indirect.scatter.add.f32 [tilespmem:s19], [sflag:$0x3], $0x80, s24, s18, $0xb8;
	[tilespmem:$0x1E800] =	vst v63  }
0x72: {  	_ =	swait.ge [sflag:s16], $0x4000  }
0x73: {  	[sflag:s16] =	ssyncset.done $0x0  }
0x74: {  	[sflag:s16] =	ssyncadd.s32 $0xFFFFC000  }
0x75: {  	_ =	swait.ge [sflag:s21], $0x4000  }
0x76: {  	[sflag:s21] =	ssyncset.done $0x0  }
0x77: {  	[sflag:s21] =	ssyncadd.s32 $0xFFFFC000  }
0x78: {  	[spmem:s1] =	stream.indirect.scatter.add.f32 [tilespmem:s20], [sflag:$0x3], $0x80, s25, s18, $0xb8;
	[tilespmem:$0x1E800] =	vst v63  }
0x79: {  	_ =	swait.ge [sflag:s16], $0x4000  }
0x7a: {  	[sflag:s16] =	ssyncset.done $0x0  }
0x7b: {  	s31 =	simm.s32 $0x0;
	[sflag:s16] =	ssyncadd.s32 $0xFFFFC000  }
0x7c: {  	[tilespmem:s31], [sflag:$0x3] =	stream.linear.gather [hbm4b:s12+s31], $0x1400, $0x38;
	[tilespmem:$0x1E800] =	vst v63  }
0x7d: {  	_ =	swait.ge [sflag:s16], $0x1400  }
0x7e: {  	[sflag:s16] =	ssyncset.done $0x0  }
0x7f: {  	[sflag:s16] =	ssyncadd.s32 $0xFFFFEC00  }
0x80: {  	[tilespmem:s17], [sflag:$0x3] =	stream.linear.gather [hbm4b:s13+s31], $0x1400, $0x38;
	[tilespmem:$0x1E800] =	vst v63  }
0x81: {  	_ =	swait.ge [sflag:s16], $0x1400  }
0x82: {  	[sflag:s16] =	ssyncset.done $0x0  }
0x83: {  	[sflag:s16] =	ssyncadd.s32 $0xFFFFEC00  }
0x84: {  	[tilespmem:s19], [sflag:$0x1] =	stream.indirect.gather [hbm4b:s4+s18], $0x80, s31, s18, $0xb8;
	[tilespmem:$0x1E800] =	vst v63  }
0x85: {  	s30 =	simm.s32 $0x80  }
0x86: {  	[tilespmem:s20], [sflag:$0x2] =	stream.indirect.gather [hbm4b:s4+s18], $0x80, s30, s18, $0xb8;
	[tilespmem:$0x1E800] =	vst v63  }
0x87: {  	_ =	swait.ge [sflag:s22], $0x4000  }
0x88: {  	[sflag:s22] =	ssyncset.done $0x0  }
0x89: {  	s31 =	simm.s32 $0x1400;
	[sflag:s22] =	ssyncadd.s32 $0xFFFFC000  }
0x8a: {  	[spmem:s1] =	stream.indirect.scatter.add.f32 [tilespmem:s19], [sflag:$0x3], $0x80, s31, s18, $0xb8;
	[tilespmem:$0x1E800] =	vst v63  }
0x8b: {  	_ =	swait.ge [sflag:s16], $0x4000  }
0x8c: {  	[sflag:s16] =	ssyncset.done $0x0  }
0x8d: {  	s30 =	simm.s32 $0x100;
	[sflag:s16] =	ssyncadd.s32 $0xFFFFC000  }
0x8e: {  	[tilespmem:s19], [sflag:$0x1] =	stream.indirect.gather [hbm4b:s4+s18], $0x80, s30, s18, $0xb8;
	[tilespmem:$0x1E800] =	vst v63  }
0x8f: {  	_ =	swait.ge [sflag:s21], $0x4000  }
0x90: {  	[sflag:s21] =	ssyncset.done $0x0  }
0x91: {  	s31 =	simm.s32 $0x1480;
	[sflag:s21] =	ssyncadd.s32 $0xFFFFC000  }
0x92: {  	[spmem:s1] =	stream.indirect.scatter.add.f32 [tilespmem:s20], [sflag:$0x3], $0x80, s31, s18, $0xb8;
	[tilespmem:$0x1E800] =	vst v63  }
0x93: {  	_ =	swait.ge [sflag:s16], $0x4000  }
0x94: {  	s29 =	simm.s32 $0x800;
	s28 =	simm.s32 $0x100;
	[sflag:s16] =	ssyncset.done $0x0  }
.LBB2_6:
0x95: {  	s0 =	sadd.s32 $0x80, s28  }
0x96: {  	[sflag:s16] =	ssyncadd.s32 $0xFFFFC000;
	s30 =	smov.u32 s29;
	s31 =	sadd.s32 $0x400, s29  }
0x97: {  	[tilespmem:s20], [sflag:$0x2] =	stream.indirect.gather [hbm4b:s4+s18], $0x80, s0, s18, $0xb8;
	[tilespmem:$0x1E800] =	vst v63  }
0x98: {  	p0 =	sne.s32 s29, $0x4800;
	_ =	swait.ge [sflag:s22], $0x4000  }
0x99: {  	[sflag:s22] =	ssyncset.done $0x0  }
0x9a: {  	s0 =	sadd.s32 $0x1400, s28;
	[sflag:s22] =	ssyncadd.s32 $0xFFFFC000  }
0x9b: {  	[spmem:s1] =	stream.indirect.scatter.add.f32 [tilespmem:s19], [sflag:$0x3], $0x80, s0, s18, $0xb8;
	[tilespmem:$0x1E800] =	vst v63  }
0x9c: {  	_ =	swait.ge [sflag:s16], $0x4000  }
0x9d: {  	[sflag:s16] =	ssyncset.done $0x0  }
0x9e: {  	s0 =	sadd.s32 $0x100, s28;
	[sflag:s16] =	ssyncadd.s32 $0xFFFFC000  }
0x9f: {  	[tilespmem:s19], [sflag:$0x1] =	stream.indirect.gather [hbm4b:s4+s18], $0x80, s0, s18, $0xb8;
	[tilespmem:$0x1E800] =	vst v63  }
0xa0: {  	_ =	swait.ge [sflag:s21], $0x4000  }
.Ltmp2:
0xa1: {  	[sflag:s21] =	ssyncset.done $0x0;
	(pc) =	sbr.rel @p0 .LBB2_6-.Ltmp2, $4  }
0xa2: {  	s0 =	sadd.s32 $0x1480, s28;
	[sflag:s21] =	ssyncadd.s32 $0xFFFFC000  }
0xa3: {  	[spmem:s1] =	stream.indirect.scatter.add.f32 [tilespmem:s20], [sflag:$0x3], $0x80, s0, s18, $0xb8;
	[tilespmem:$0x1E800] =	vst v63  }
0xa4: {  	_ =	swait.ge [sflag:s16], $0x4000  }
0xa5: {  	s29 =	smov.u32 s31;
	s28 =	sshra.s32 s30, $0x2;
	[sflag:s16] =	ssyncset.done $0x0  }
0xa6: {  	s0 =	sadd.s32 $0x80, s28;
	[sflag:s16] =	ssyncadd.s32 $0xFFFFC000  }
0xa7: {  	[tilespmem:s20], [sflag:$0x2] =	stream.indirect.gather [hbm4b:s4+s18], $0x80, s0, s18, $0xb8;
	[tilespmem:$0x1E800] =	vst v63  }
0xa8: {  	_ =	swait.ge [sflag:s22], $0x4000  }
0xa9: {  	[sflag:s22] =	ssyncset.done $0x0  }
0xaa: {  	s30 =	sadd.s32 $0x1400, s28;
	[sflag:s22] =	ssyncadd.s32 $0xFFFFC000  }
0xab: {  	[spmem:s1] =	stream.indirect.scatter.add.f32 [tilespmem:s19], [sflag:$0x3], $0x80, s30, s18, $0xb8;
	[tilespmem:$0x1E800] =	vst v63  }
0xac: {  	_ =	swait.ge [sflag:s16], $0x4000  }
0xad: {  	[sflag:s16] =	ssyncset.done $0x0  }
0xae: {  	s31 =	sadd.s32 $0x100, s28;
	[sflag:s16] =	ssyncadd.s32 $0xFFFFC000  }
0xaf: {  	[tilespmem:s19], [sflag:$0x1] =	stream.indirect.gather [hbm4b:s4+s18], $0x80, s31, s18, $0xb8;
	[tilespmem:$0x1E800] =	vst v63  }
0xb0: {  	_ =	swait.ge [sflag:s21], $0x4000  }
0xb1: {  	[sflag:s21] =	ssyncset.done $0x0  }
0xb2: {  	s29 =	sadd.s32 $0x1480, s28;
	[sflag:s21] =	ssyncadd.s32 $0xFFFFC000  }
0xb3: {  	[spmem:s1] =	stream.indirect.scatter.add.f32 [tilespmem:s20], [sflag:$0x3], $0x80, s29, s18, $0xb8;
	[tilespmem:$0x1E800] =	vst v63  }
0xb4: {  	_ =	swait.ge [sflag:s16], $0x4000  }
0xb5: {  	[sflag:s16] =	ssyncset.done $0x0  }
0xb6: {  	[sflag:s16] =	ssyncadd.s32 $0xFFFFC000  }
0xb7: {  	[tilespmem:s20], [sflag:$0x2] =	stream.indirect.gather [hbm4b:s4+s18], $0x80, s23, s18, $0xb8;
	[tilespmem:$0x1E800] =	vst v63  }
0xb8: {  	_ =	swait.ge [sflag:s22], $0x4000  }
0xb9: {  	[sflag:s22] =	ssyncset.done $0x0  }
0xba: {  	[sflag:s22] =	ssyncadd.s32 $0xFFFFC000  }
0xbb: {  	[spmem:s1] =	stream.indirect.scatter.add.f32 [tilespmem:s19], [sflag:$0x3], $0x80, s24, s18, $0xb8;
	[tilespmem:$0x1E800] =	vst v63  }
0xbc: {  	_ =	swait.ge [sflag:s16], $0x4000  }
0xbd: {  	[sflag:s16] =	ssyncset.done $0x0  }
0xbe: {  	[sflag:s16] =	ssyncadd.s32 $0xFFFFC000  }
0xbf: {  	_ =	swait.ge [sflag:s21], $0x4000  }
0xc0: {  	[sflag:s21] =	ssyncset.done $0x0  }
0xc1: {  	[sflag:s21] =	ssyncadd.s32 $0xFFFFC000  }
0xc2: {  	[spmem:s1] =	stream.indirect.scatter.add.f32 [tilespmem:s20], [sflag:$0x3], $0x80, s25, s18, $0xb8;
	[tilespmem:$0x1E800] =	vst v63  }
0xc3: {  	_ =	swait.ge [sflag:s16], $0x4000  }
0xc4: {  	s26 =	sadd.s32 $0x1, s26;
	s30 =	sshll.u32 s2, $0x6;
	[sflag:s16] =	ssyncset.done $0x0  }
0xc5: {  	p0 =	sne.s32 s26, s15;
	s0 =	sor.u32 $0x1C03, s30;
	[sflag:s16] =	ssyncadd.s32 $0xFFFFC000  }
.Ltmp3:
0xc6: {  	s31 =	sshrl.u32 s6, $0x3;
	[bflag:$0x0] =	sbarrier.arrive $0xFFFF;
	(pc) =	sbr.rel @p0 .LBB2_1-.Ltmp3, $4  }
0xc7: {  	[hbm:s14], [sflag:s0] =	dma.local [spmem:s31], $0x2800  }
0xc8: {  	_ =	swait.ge [sflag:s16], $0x2800  }
0xc9: {  	[sflag:s16] =	ssyncset.done $0x0  }
0xca: {  	[sflag:s16] =	ssyncadd.s32 $0xFFFFD800  }
0xcb: {  	_ =	sfence.sel $0x180000  }
0xcc: {  	[bflag:$0x0] =	sbarrier.arrive $0xFFFF  }
0xcd: {  	_ =	strace $0x9000004D  }
0xce: {  	[bflag:$0x2] =	sbarrier.arrive $0xFFFF  }
0xcf: {  	p0 =	sne.s32 s2, $0x0;
	s0 =	rddreg [dreg:$0x2]  }
0xd0: {  	s0 =	sadd.s32 @!p0 $0x100000, s0  }
0xd1: {  	[sflag:s0] =	ssyncadd.tile.s32 @!p0 $0x1;
	_ =	shalt  }
.Lfunc_end2:
_tile_overlayer_lowered:
.L_overlay_start_2:
0xd2: {  	(tag) =	ssettag $0x2  }
0xd3: {  	s0 =	rddreg [dreg:$0x0];
	s2 =	stileid.u32  }
0xd4: {  	s1 =	rddreg [dreg:$0x1];
	p0 =	sne.s32 s2, $0x0  }
0xd5: {  	s3 =	rddreg [dreg:$0x2];
	[bflag:$0x3] =	sbarrier.arrive $0xFFFF;
	s2 =	simm.s32 @!p0 $0x1C03  }
0xd6: {  	[timem:s3], [sflag:s2] =	dma.local @!p0 [hbm:s0], s1  }
0xd7: {  	s0 =	simm.s32 @!p0 $0x3  }
0xd8: {  	_ =	swait.ge @!p0 [sflag:s0], s1  }
0xd9: {  	s1 =	ssub.s32 @!p0 $0x0, s1;
	[sflag:s0] =	ssyncset.done @!p0 $0x0  }
0xda: {  	[sflag:s0] =	ssyncadd.s32 @!p0 s1  }
0xdb: {  	[bflag:$0x3] =	sbarrier.arrive $0xFFFF  }
0xdc: {  	_ =	shalt  }

// kernel: kernel.19.cloned.1.call-start
scs
__scs_entry_jumppad:
0x0: {  	(pc) =	sbr.rel $0x88, $3  }
0x1: {  	(tag) =	ssettag $0x0;
	lr =	simm.s32 $0x1  }
0x2: {  	[smem:$0x3F93] =	sst lr;
	_ =	strace $0xD0000000  }
0x3: {  	_ = 	snop  }
0x4: {  	_ = 	snop  }
0x5: {  	_ = 	snop  }
0x6: {  	_ = 	snop  }
0x7: {  	_ = 	snop  }
__scs_overlays_trampoline_lowered:
0x8: {  	[smem:$0x3FA2] =	sst s0  }
0x9: {  	[smem:$0x3FA3] =	sst s1  }
0xa: {  	[smem:$0x3FA4] =	sst s2  }
0xb: {  	[smem:$0x3FA5] =	sst s3  }
0xc: {  	[smem:$0x3FA6] =	sst s4  }
0xd: {  	[smem:$0x3FA7] =	sst s5  }
0xe: {  	[smem:$0x3FA8] =	sst s6  }
0xf: {  	[smem:$0x3FA9] =	sst s7  }
0x10: {  	[smem:$0x3FAA] =	sst s8  }
0x11: {  	[smem:$0x3FAB] =	sst s9;
	s0 =	simm.s32 @!p0 $0x0  }
0x12: {  	s1 =	sld [smem:$0x3F91];
	s0 =	simm.s32 @p0 $0x1  }
0x13: {  	[smem:$0x3FAC] =	sst s0;
	s0 =	simm.s32 @!p1 $0x0  }
0x14: {  	s2 =	sld [smem:$0x3F90];
	s0 =	simm.s32 @p1 $0x1  }
0x15: {  	[smem:$0x3FAD] =	sst s0;
	s0 =	simm.s32 @!p2 $0x0  }
0x16: {  	s3 =	sld [smem:$0x3FDB];
	s0 =	simm.s32 @p2 $0x1  }
0x17: {  	s4 =	simm.s32 $0x1BF5;
	[smem:$0x3FAF] =	sst s0  }
0x18: {  	s0 =	sld [smem:$0x3F92];
	_ =	swait.ge [sflag:s4], $0x0  }
0x19: {  	s7 =	sld [smem:$0x3F93]  }
0x1a: {  	s8 =	sadd.s32 $0xFFFFE003, lr  }
0x1b: {  	s9 =	sadd.s32 $0xFFFFFEF7, lr;
	s5 =	simm.s32 $0xFFFFFFFF;
	p2 =	slt.u32 s8, $0xFFFFF086  }
0x1c: {  	p1 =	slt.u32 s9, $0xF7A;
	s5 =	simm.s32 @!p2 $0x0  }
0x1d: {  	s5 =	simm.s32 @p1 $0x1;
	p0 =	seq.s32 s7, s2  }
0x1e: {  	s7 =	smul.u32 @!p0 $0xF7A, s2;
	p2 =	seq.s32 @!p0 s5, $0x0  }
0x1f: {  	s9 =	smul.u32 $0xF7A, s1;
	s8 =	simm.s32 @!p0 $0x1BF5;
	p2 =	por !p2, p0  }
0x20: {  	[sflag:s8] =	ssyncset.s32 @!p0 $0xFFFFF086;
	s6 =	sadd.s32 @!p0 s3, s7;
	s7 =	simm.s32 @!p0 $0x108  }
0x21: {  	s3 =	sadd.s32 s3, s9;
	s6 =	sadd.s32 @!p0 $0x88, s6;
	s7 =	simm.s32 @p2 $0x1082  }
0x22: {  	[simem:s7], [sflag:s8] =	dma.local @!p0 [hbm:s6], $0xF7A  }
0x23: {  	s9 =	sor.u32 $0xD0000000, s2;
	s6 =	simm.s32 $0x108;
	_ =	swait.ge @!p0 [sflag:s8], $0x0  }
0x24: {  	s3 =	sadd.s32 $0x88, s3;
	s6 =	simm.s32 @!p1 $0x1082;
	[sflag:s4] =	ssyncset.s32 $0xFFFFF086  }
0x25: {  	[simem:s6], [sflag:s4] =	dma.local [hbm:s3], $0xF7A  }
0x26: {  	[smem:$0x3F93] =	sst s1;
	(tag) =	ssettag s2;
	_ =	strace s9  }
0x27: {  	s1 =	sld [smem:$0x3FA3]  }
0x28: {  	s2 =	sld [smem:$0x3FA4]  }
0x29: {  	s4 =	sld [smem:$0x3FA6]  }
0x2a: {  	p0 =	seq.s32 s5, $0x0;
	s5 =	sld [smem:$0x3FA7]  }
0x2b: {  	s6 =	sld [smem:$0x3FA8]  }
0x2c: {  	s7 =	sld [smem:$0x3FA9]  }
0x2d: {  	s3 =	simm.s32 $0x108;
	s8 =	sld [smem:$0x3FAA]  }
0x2e: {  	s3 =	simm.s32 @!p0 $0x1082;
	s9 =	sld [smem:$0x3FAB]  }
0x2f: {  	lr =	sadd.s32 s0, s3;
	s0 =	sld [smem:$0x3FA2]  }
0x30: {  	s3 =	sld [smem:$0x3FA5]  }
0x31: {  	[smem:$0x3FAE] =	sst s10  }
0x32: {  	s10 =	sld [smem:$0x3FAC];
	_ =	sdelay $0x3  }
0x33: {  	p0 =	seq.s32 s10, $0x1;
	s10 =	sld [smem:$0x3FAE];
	_ =	sdelay $0x3  }
0x34: {  	[smem:$0x3FAE] =	sst s10  }
0x35: {  	s10 =	sld [smem:$0x3FAD];
	_ =	sdelay $0x3  }
0x36: {  	p1 =	seq.s32 s10, $0x1;
	s10 =	sld [smem:$0x3FAE];
	_ =	sdelay $0x3  }
0x37: {  	[smem:$0x3FAE] =	sst s10  }
0x38: {  	s10 =	sld [smem:$0x3FAF]  }
0x39: {  	_ = 	snop;
	(pc) =	sbr.ind lr, $3  }
0x3a: {  	_ = 	snop  }
0x3b: {  	_ = 	snop  }
0x3c: {  	p2 =	seq.s32 s10, $0x1;
	s10 =	sld [smem:$0x3FAE]  }
0x3d: {  	_ =	shalt  }
0x3e: {  	_ =	shalt  }
0x3f: {  	_ =	shalt  }
0x40: {  	_ =	shalt  }
0x41: {  	_ =	shalt  }
0x42: {  	_ =	shalt  }
0x43: {  	_ =	shalt  }
0x44: {  	_ =	shalt  }
0x45: {  	_ =	shalt  }
0x46: {  	_ =	shalt  }
0x47: {  	_ =	shalt  }
0x48: {  	_ =	shalt  }
0x49: {  	_ =	shalt  }
0x4a: {  	_ =	shalt  }
0x4b: {  	_ =	shalt  }
0x4c: {  	_ =	shalt  }
0x4d: {  	_ =	shalt  }
0x4e: {  	_ =	shalt  }
0x4f: {  	_ =	shalt  }
0x50: {  	_ =	shalt  }
0x51: {  	_ =	shalt  }
0x52: {  	_ =	shalt  }
0x53: {  	_ =	shalt  }
0x54: {  	_ =	shalt  }
0x55: {  	_ =	shalt  }
0x56: {  	_ =	shalt  }
0x57: {  	_ =	shalt  }
0x58: {  	_ =	shalt  }
0x59: {  	_ =	shalt  }
0x5a: {  	_ =	shalt  }
0x5b: {  	_ =	shalt  }
0x5c: {  	_ =	shalt  }
0x5d: {  	_ =	shalt  }
0x5e: {  	_ =	shalt  }
0x5f: {  	_ =	shalt  }
0x60: {  	_ =	shalt  }
0x61: {  	_ =	shalt  }
0x62: {  	_ =	shalt  }
0x63: {  	_ =	shalt  }
0x64: {  	_ =	shalt  }
0x65: {  	_ =	shalt  }
0x66: {  	_ =	shalt  }
0x67: {  	_ =	shalt  }
0x68: {  	_ =	shalt  }
0x69: {  	_ =	shalt  }
0x6a: {  	_ =	shalt  }
0x6b: {  	_ =	shalt  }
0x6c: {  	_ =	shalt  }
0x6d: {  	_ =	shalt  }
0x6e: {  	_ =	shalt  }
0x6f: {  	_ =	shalt  }
0x70: {  	_ =	shalt  }
0x71: {  	_ =	shalt  }
0x72: {  	_ =	shalt  }
0x73: {  	_ =	shalt  }
0x74: {  	_ =	shalt  }
0x75: {  	_ =	shalt  }
0x76: {  	_ =	shalt  }
0x77: {  	_ =	shalt  }
0x78: {  	_ =	shalt  }
0x79: {  	_ =	shalt  }
0x7a: {  	_ =	shalt  }
0x7b: {  	_ =	shalt  }
0x7c: {  	_ =	shalt  }
0x7d: {  	_ =	shalt  }
0x7e: {  	_ =	shalt  }
0x7f: {  	_ =	shalt  }
0x80: {  	_ =	shalt  }
0x81: {  	_ =	shalt  }
0x82: {  	_ =	shalt  }
0x83: {  	_ =	shalt  }
0x84: {  	_ =	shalt  }
0x85: {  	_ =	shalt  }
0x86: {  	_ =	shalt  }
0x87: {  	_ =	shalt  }
.Lfunc_end0:
.L_simem_size_0:
called_computation.3_lowered:
.L_overlay_start_0:
0x88: {  	s2 =	sld [smem:$0x3FD9]  }
0x89: {  	s3 =	sld [smem:$0x3FFE];
	_ =	sdelay $0x1  }
0x8a: {  	s1 =	srdreg.scid  }
0x8b: {  	s0 =	sand.u32 $0x1, s1  }
0x8c: {  	s16 =	sshll.u32 s0, $0xA;
	s2 =	sadd.s32 s3, s2  }
0x8d: {  	s2 =	sadd.s32 s2, s16  }
0x8e: {  	[smem:$0x3FBA] =	sst s2  }
0x8f: {  	_ = 	snop  }
0x90: {  	(tm) =	ssettm $0x1  }
0x91: {  	s17 =	sld [smem:$0x3FFB];
	_ =	sdelay $0x3  }
0x92: {  	_ =	strace s17  }
0x93: {  	s2 =	sld [smem:$0x3FFC];
	_ =	sdelay $0x3  }
0x94: {  	_ =	strace s2  }
0x95: {  	s2 =	sld [smem:$0x3FFD];
	_ =	sdelay $0x3  }
0x96: {  	_ =	strace s2  }
0x97: {  	_ =	strace $0x8FFFFFFF  }
0x98: {  	s18 =	sld [smem:$0x3FDB];
	_ =	sdelay $0x1  }
0x99: {  	s19 =	simm.s32 $_scs_section_size  }
0x9a: {  	s4 =	simm.s32 $_size__tile_overlayer_lowered;
	s5 =	simm.s32 $_tile_overlayer_lowered  }
0x9b: {  	s22 =	simm.s32 $0x1BFF;
	s21 =	sshll.u32 s5, $0x1;
	s2 =	sadd.s32 s19, s18  }
0x9c: {  	s6 =	simm.s32 $0x0;
	s20 =	sshll.u32 s4, $0x1;
	s4 =	sadd.s32 s21, s2  }
0x9d: {  	[timem:s6], [sflag:s22] =	dma.local [hbm:s4], s20  }
0x9e: {  	_ =	swait.ge [sflag:s22], s20  }
0x9f: {  	s3 =	ssub.s32 $0x0, s20;
	[sflag:s22] =	ssyncset.done $0x0  }
0xa0: {  	[sflag:s22] =	ssyncadd.s32 s3;
	_ =	sdelay $0x1  }
0xa1: {  	s23 =	simm.s32 $0x1B8B  }
0xa2: {  	_ =	swait.ge [sflag:s23], $0x1  }
0xa3: {  	[sflag:s23] =	ssyncset.done $0x0  }
0xa4: {  	s25 =	simm.s32 $0x1B8E;
	s24 =	sld [smem:$0x3FFE];
	[sflag:s23] =	ssyncadd.s32 $0xFFFFFFFF  }
0xa5: {  	s26 =	simm.s32 $execute0_lowered;
	[smem:$0x3FD2] =	sst s25  }
0xa6: {  	s4 =	sshll.u32 s26, $0x1;
	_ =	strace $0x8000004F;
	[dreg:$0x1] =	wrdreg $0xFFFFFFFF  }
0xa7: {  	s28 =	simm.s32 $_size_execute0_lowered;
	s2 =	sadd.s32 s2, s4;
	[dreg:$0x0] =	wrdreg $0x0  }
0xa8: {  	s4 =	sshll.u32 s28, $0x1;
	[dreg:$0x2] =	wrdreg s2  }
0xa9: {  	[dreg:$0x3] =	wrdreg s4  }
0xaa: {  	[dreg:$0x4] =	wrdreg $0xC0  }
0xab: {  	_ =	task [dreg:s6], $0x5FFFF  }
0xac: {  	[dreg:$0x1] =	wrdreg $0xFFFFFFFF  }
0xad: {  	[dreg:$0x0] =	wrdreg $0x60  }
0xae: {  	[dreg:$0x2] =	wrdreg s24  }
0xaf: {  	[dreg:$0x3] =	wrdreg $0xA8000  }
0xb0: {  	[dreg:$0x4] =	wrdreg $0x9  }
0xb1: {  	_ =	task.clear_ibuf [dreg:s6], $0x5FFFF;
	_ =	strace $0x9000004F  }
0xb2: {  	s29 =	simm.s32 $0x9;
	_ =	strace $0x80000051  }
0xb3: {  	_ =	swait.ge [sflag:s29], $0x1  }
0xb4: {  	[sflag:s29] =	ssyncadd.s32 $0xFFFFFFFF  }
0xb5: {  	_ =	strace $0x90000051  }
0xb6: {  	_ =	sfence  }
0xb7: {  	s30 =	sld [smem:$0x0];
	_ =	sdelay $0x2  }
0xb8: {  	s31 =	sshll.u32 s1, $0xD;
	s1 =	sshrl.u32 s1, $0x2  }
0xb9: {  	s3 =	sand.u32 $0x4000, s31;
	s1 =	sadd.s32 s1, s30  }
0xba: {  	s0 =	sor.u32 s3, s0;
	s1 =	sshll.u32 s1, $0x11  }
0xbb: {  	s0 =	sor.u32 s1, s0  }
0xbc: {  	s0 =	sadd.s32 $0x8F2B, s0  }
0xbd: {  	[sflag:s0] =	ssyncadd.remote.s32 $0x1  }
0xbe: {  	_ =	sfence.sel $0xFFFF  }
0xbf: {  	[dreg:$0x0] =	wrdreg $0xFFFFFFFF;
	(pc) =	sbr.abs _section_cstart, $3  }
0xc0: {  	[dreg:$0x1] =	wrdreg $0xFFFFFFFF  }
0xc1: {  	_ =	task.clear_ibuf [dreg:s6], $0x2FFFF;
	_ =	strace $0x9FFFFFFF  }
0xc2: {  	(tm) =	ssettm $0x7FFFFFFF  }
0xc3: {  	_ =	shalt  }
tec
execute0_lowered:
.L_overlay_start_1:
0x0: {  	(tag) =	ssettag $0x1  }
0x1: {  	s5 =	rddreg [dreg:$0x0]  }
0x2: {  	s1 =	rddreg [dreg:$0x1];
	s2 =	srdreg.scid  }
0x3: {  	s3 =	simm.s32 $0x0;
	s17 =	simm.s32 $0x1400;
	s18 =	simm.s32 $0x80  }
0x4: {  	s19 =	simm.s32 $0x2800;
	s20 =	simm.s32 $0x6800;
	s21 =	simm.s32 $0x2  }
0x5: {  	s22 =	simm.s32 $0x1;
	s23 =	simm.s32 $0x1380;
	s24 =	simm.s32 $0x2700  }
0x6: {  	s25 =	simm.s32 $0x2780;
	s6 =	sand.u32 $0x1, s2;
	s2 =	stileid.u32  }
0x7: {  	s26 =	simm.s32 $0x0;
	[smem:$0x7FF] =	sst s3;
	s7 =	smul.u32 $0x140000, s6  }
0x8: {  	s12 =	sadd.s32 $0xEA00, s5;
	s13 =	sadd.s32 $0x4A00, s5;
	s8 =	smul.u32 $0x14000, s2  }
0x9: {  	s4 =	sshll.u32 s6, $0x4;
	_ =	strace $0x80000050;
	s29 =	smul.u32 $0x50000, s2  }
0xa: {  	s30 =	ssub.s32 $0x2, s6;
	s9 =	sor.u32 s2, s4;
	s4 =	sadd.s32 $0x68A00, s5  }
0xb: {  	s6 =	sshrl.u32 s30, $0x1;
	s7 =	sadd.s32 s8, s7;
	s28 =	smul.u32 $0x2800, s9  }
0xc: {  	s31 =	sshrl.u32 s29, $0x2;
	s16 =	ssub.s32 s30, s6;
	s7 =	sshrl.u32 s7, $0x3  }
0xd: {  	s6 =	sadd.s32 s31, s1;
	s14 =	sadd.s32 s7, s5;
	s15 =	sshrl.u32 s28, $0x3  }
0xe: {  	s8 =	sadd.s32 $0x4000, s6;
	s9 =	sadd.s32 $0x8000, s6;
	s10 =	sadd.s32 $0xC000, s6  }
0xf: {  	s5 =	sadd.s32 s12, s15;
	s7 =	sadd.s32 s13, s15;
	s15 =	sadd.s32 $0x280, s15  }
0x10: {  	s11 =	sadd.s32 $0x10000, s6;
	s14 =	sadd.s32 $0x8FC00, s14;
	s12 =	sadd.s32 s12, s15  }
0x11: {  	v0 =	vimm.f32 $0.0e+00;
	s13 =	sadd.s32 s13, s15;
	s15 =	smax.u32 s16, $0x1;
	s16 =	simm.s32 $0x3  }
.LBB2_1:
0x12: {  	[tilespmem:s3], [sflag:$0x3] =	stream.linear.gather [hbm4b:s5+s3], $0x1400, $0x38;
	[tilespmem:$0x1E800] =	vst v63  }
0x13: {  	_ =	swait.ge [sflag:s16], $0x1400  }
0x14: {  	[sflag:s16] =	ssyncset.done $0x0  }
0x15: {  	[sflag:s16] =	ssyncadd.s32 $0xFFFFEC00  }
0x16: {  	[tilespmem:s17], [sflag:$0x3] =	stream.linear.gather [hbm4b:s7+s3], $0x1400, $0x38;
	[tilespmem:$0x1E800] =	vst v63  }
0x17: {  	s28 =	sand.u32 $0xFE00, s3;
	s29 =	sand.u32 $0x70, s3;
	_ =	swait.ge [sflag:s16], $0x1400  }
0x18: {  	s30 =	sshrl.u32 s28, $0x2;
	s28 =	simm.s32 $0x40;
	[sflag:s16] =	ssyncset.done $0x0  }
0x19: {  	s30 =	sor.u32 s29, s30;
	s29 =	simm.s32 $0x0;
	[sflag:s16] =	ssyncadd.s32 $0xFFFFEC00  }
0x1a: {  	[tilespmem:s19], [sflag:$0x1] =	stream.indirect.gather [hbm4b:s4+s18], $0x80, s3, s18, $0xb8;
	[tilespmem:$0x1E800] =	vst v63  }
.LBB2_2:
0x1b: {  	p0 =	sne.s32 s28, $0xFFC0  }
0x1c: {  	[tilespmem:s30+$0x6800] =	vst v0;
	s29 =	sadd.s32 $0x10, s29;
	s30 =	smov.u32 s28;
	s28 =	sadd.s32 $0x40, s28  }
.Ltmp0:
0x1d: {  	(pc) =	sbr.rel @p0 .LBB2_2-.Ltmp0, $4  }
0x1e: {  	_ = 	snop  }
0x1f: {  	s30 =	sand.u32 $0xFE00, s30  }
0x20: {  	s31 =	sand.u32 $0x70, s29;
	s30 =	sshrl.u32 s30, $0x2  }
0x21: {  	s30 =	sor.u32 s31, s30  }
0x22: {  	[tilespmem:s30+$0x6800] =	vst v0  }
0x23: {  	[spmem:s6] =	stream.linear.scatter [tilespmem:s20], [sflag:$0x2], $0x4000, $0x38;
	[tilespmem:$0x1E800] =	vst v63  }
0x24: {  	_ = 	snop  }
0x25: {  	[spmem:s8] =	stream.linear.scatter [tilespmem:s20], [sflag:$0x2], $0x4000, $0x38;
	[tilespmem:$0x1E800] =	vst v63  }
0x26: {  	_ = 	snop  }
0x27: {  	[spmem:s9] =	stream.linear.scatter [tilespmem:s20], [sflag:$0x2], $0x4000, $0x38;
	[tilespmem:$0x1E800] =	vst v63  }
0x28: {  	_ = 	snop  }
0x29: {  	[spmem:s10] =	stream.linear.scatter [tilespmem:s20], [sflag:$0x2], $0x4000, $0x38;
	[tilespmem:$0x1E800] =	vst v63  }
0x2a: {  	_ = 	snop  }
0x2b: {  	[spmem:s11] =	stream.linear.scatter [tilespmem:s20], [sflag:$0x2], $0x4000, $0x38;
	[tilespmem:$0x1E800] =	vst v63  }
0x2c: {  	_ =	swait.ge [sflag:s21], $0x4000  }
0x2d: {  	[sflag:s21] =	ssyncset.done $0x0  }
0x2e: {  	[sflag:s21] =	ssyncadd.s32 $0xFFFFC000  }
0x2f: {  	_ =	swait.ge [sflag:s21], $0x4000  }
0x30: {  	[sflag:s21] =	ssyncset.done $0x0  }
0x31: {  	[sflag:s21] =	ssyncadd.s32 $0xFFFFC000  }
0x32: {  	_ =	swait.ge [sflag:s21], $0x4000  }
0x33: {  	[sflag:s21] =	ssyncset.done $0x0  }
0x34: {  	[sflag:s21] =	ssyncadd.s32 $0xFFFFC000  }
0x35: {  	_ =	swait.ge [sflag:s21], $0x4000  }
0x36: {  	[sflag:s21] =	ssyncset.done $0x0  }
0x37: {  	[sflag:s21] =	ssyncadd.s32 $0xFFFFC000  }
0x38: {  	_ =	swait.ge [sflag:s21], $0x4000  }
0x39: {  	[sflag:s21] =	ssyncset.done $0x0  }
0x3a: {  	[sflag:s21] =	ssyncadd.s32 $0xFFFFC000  }
0x3b: {  	s28 =	simm.s32 $0x80;
	[bflag:$0x0] =	sbarrier.arrive $0xFFFF  }
0x3c: {  	[tilespmem:s20], [sflag:$0x2] =	stream.indirect.gather [hbm4b:s4+s18], $0x80, s28, s18, $0xb8;
	[tilespmem:$0x1E800] =	vst v63  }
0x3d: {  	_ =	swait.ge [sflag:s22], $0x4000  }
0x3e: {  	[sflag:s22] =	ssyncset.done $0x0  }
0x3f: {  	s28 =	simm.s32 $0x1400;
	[sflag:s22] =	ssyncadd.s32 $0xFFFFC000  }
0x40: {  	[spmem:s1] =	stream.indirect.scatter.add.f32 [tilespmem:s19], [sflag:$0x3], $0x80, s28, s18, $0xb8;
	[tilespmem:$0x1E800] =	vst v63  }
0x41: {  	_ =	swait.ge [sflag:s16], $0x4000  }
0x42: {  	[sflag:s16] =	ssyncset.done $0x0  }
0x43: {  	s28 =	simm.s32 $0x100;
	[sflag:s16] =	ssyncadd.s32 $0xFFFFC000  }
0x44: {  	[tilespmem:s19], [sflag:$0x1] =	stream.indirect.gather [hbm4b:s4+s18], $0x80, s28, s18, $0xb8;
	[tilespmem:$0x1E800] =	vst v63  }
0x45: {  	_ =	swait.ge [sflag:s21], $0x4000  }
0x46: {  	[sflag:s21] =	ssyncset.done $0x0  }
0x47: {  	s28 =	simm.s32 $0x1480;
	[sflag:s21] =	ssyncadd.s32 $0xFFFFC000  }
0x48: {  	[spmem:s1] =	stream.indirect.scatter.add.f32 [tilespmem:s20], [sflag:$0x3], $0x80, s28, s18, $0xb8;
	[tilespmem:$0x1E800] =	vst v63  }
0x49: {  	_ =	swait.ge [sflag:s16], $0x4000  }
0x4a: {  	s29 =	simm.s32 $0x800;
	s28 =	simm.s32 $0x100;
	[sflag:s16] =	ssyncset.done $0x0  }
.LBB2_4:
0x4b: {  	s30 =	sadd.s32 $0x80, s28  }
0x4c: {  	[sflag:s16] =	ssyncadd.s32 $0xFFFFC000;
	s31 =	smov.u32 s29;
	s0 =	sadd.s32 $0x400, s29  }
0x4d: {  	[tilespmem:s20], [sflag:$0x2] =	stream.indirect.gather [hbm4b:s4+s18], $0x80, s30, s18, $0xb8;
	[tilespmem:$0x1E800] =	vst v63  }
0x4e: {  	p0 =	sne.s32 s29, $0x4800;
	_ =	swait.ge [sflag:s22], $0x4000  }
0x4f: {  	[sflag:s22] =	ssyncset.done $0x0  }
0x50: {  	s29 =	sadd.s32 $0x1400, s28;
	[sflag:s22] =	ssyncadd.s32 $0xFFFFC000  }
0x51: {  	[spmem:s1] =	stream.indirect.scatter.add.f32 [tilespmem:s19], [sflag:$0x3], $0x80, s29, s18, $0xb8;
	[tilespmem:$0x1E800] =	vst v63  }
0x52: {  	_ =	swait.ge [sflag:s16], $0x4000  }
0x53: {  	[sflag:s16] =	ssyncset.done $0x0  }
0x54: {  	s29 =	sadd.s32 $0x100, s28;
	[sflag:s16] =	ssyncadd.s32 $0xFFFFC000  }
0x55: {  	[tilespmem:s19], [sflag:$0x1] =	stream.indirect.gather [hbm4b:s4+s18], $0x80, s29, s18, $0xb8;
	[tilespmem:$0x1E800] =	vst v63  }
0x56: {  	_ =	swait.ge [sflag:s21], $0x4000  }
.Ltmp1:
0x57: {  	[sflag:s21] =	ssyncset.done $0x0;
	(pc) =	sbr.rel @p0 .LBB2_4-.Ltmp1, $4  }
0x58: {  	s28 =	sadd.s32 $0x1480, s28;
	[sflag:s21] =	ssyncadd.s32 $0xFFFFC000  }
0x59: {  	[spmem:s1] =	stream.indirect.scatter.add.f32 [tilespmem:s20], [sflag:$0x3], $0x80, s28, s18, $0xb8;
	[tilespmem:$0x1E800] =	vst v63  }
0x5a: {  	_ =	swait.ge [sflag:s16], $0x4000  }
0x5b: {  	s29 =	smov.u32 s0;
	s28 =	sshra.s32 s31, $0x2;
	[sflag:s16] =	ssyncset.done $0x0  }
0x5c: {  	s0 =	sadd.s32 $0x80, s28;
	[sflag:s16] =	ssyncadd.s32 $0xFFFFC000  }
0x5d: {  	[tilespmem:s20], [sflag:$0x2] =	stream.indirect.gather [hbm4b:s4+s18], $0x80, s0, s18, $0xb8;
	[tilespmem:$0x1E800] =	vst v63  }
0x5e: {  	_ =	swait.ge [sflag:s22], $0x4000  }
0x5f: {  	[sflag:s22] =	ssyncset.done $0x0  }
0x60: {  	s30 =	sadd.s32 $0x1400, s28;
	[sflag:s22] =	ssyncadd.s32 $0xFFFFC000  }
0x61: {  	[spmem:s1] =	stream.indirect.scatter.add.f32 [tilespmem:s19], [sflag:$0x3], $0x80, s30, s18, $0xb8;
	[tilespmem:$0x1E800] =	vst v63  }
0x62: {  	_ =	swait.ge [sflag:s16], $0x4000  }
0x63: {  	[sflag:s16] =	ssyncset.done $0x0  }
0x64: {  	s31 =	sadd.s32 $0x100, s28;
	[sflag:s16] =	ssyncadd.s32 $0xFFFFC000  }
0x65: {  	[tilespmem:s19], [sflag:$0x1] =	stream.indirect.gather [hbm4b:s4+s18], $0x80, s31, s18, $0xb8;
	[tilespmem:$0x1E800] =	vst v63  }
0x66: {  	_ =	swait.ge [sflag:s21], $0x4000  }
0x67: {  	[sflag:s21] =	ssyncset.done $0x0  }
0x68: {  	s30 =	sadd.s32 $0x1480, s28;
	[sflag:s21] =	ssyncadd.s32 $0xFFFFC000  }
0x69: {  	[spmem:s1] =	stream.indirect.scatter.add.f32 [tilespmem:s20], [sflag:$0x3], $0x80, s30, s18, $0xb8;
	[tilespmem:$0x1E800] =	vst v63  }
0x6a: {  	_ =	swait.ge [sflag:s16], $0x4000  }
0x6b: {  	[sflag:s16] =	ssyncset.done $0x0  }
0x6c: {  	[sflag:s16] =	ssyncadd.s32 $0xFFFFC000  }
0x6d: {  	[tilespmem:s20], [sflag:$0x2] =	stream.indirect.gather [hbm4b:s4+s18], $0x80, s23, s18, $0xb8;
	[tilespmem:$0x1E800] =	vst v63  }
0x6e: {  	_ =	swait.ge [sflag:s22], $0x4000  }
0x6f: {  	[sflag:s22] =	ssyncset.done $0x0  }
0x70: {  	[sflag:s22] =	ssyncadd.s32 $0xFFFFC000  }
0x71: {  	[spmem:s1] =	stream.indirect.scatter.add.f32 [tilespmem:s19], [sflag:$0x3], $0x80, s24, s18, $0xb8;
	[tilespmem:$0x1E800] =	vst v63  }
0x72: {  	_ =	swait.ge [sflag:s16], $0x4000  }
0x73: {  	[sflag:s16] =	ssyncset.done $0x0  }
0x74: {  	[sflag:s16] =	ssyncadd.s32 $0xFFFFC000  }
0x75: {  	_ =	swait.ge [sflag:s21], $0x4000  }
0x76: {  	[sflag:s21] =	ssyncset.done $0x0  }
0x77: {  	[sflag:s21] =	ssyncadd.s32 $0xFFFFC000  }
0x78: {  	[spmem:s1] =	stream.indirect.scatter.add.f32 [tilespmem:s20], [sflag:$0x3], $0x80, s25, s18, $0xb8;
	[tilespmem:$0x1E800] =	vst v63  }
0x79: {  	_ =	swait.ge [sflag:s16], $0x4000  }
0x7a: {  	[sflag:s16] =	ssyncset.done $0x0  }
0x7b: {  	s31 =	simm.s32 $0x0;
	[sflag:s16] =	ssyncadd.s32 $0xFFFFC000  }
0x7c: {  	[tilespmem:s31], [sflag:$0x3] =	stream.linear.gather [hbm4b:s12+s31], $0x1400, $0x38;
	[tilespmem:$0x1E800] =	vst v63  }
0x7d: {  	_ =	swait.ge [sflag:s16], $0x1400  }
0x7e: {  	[sflag:s16] =	ssyncset.done $0x0  }
0x7f: {  	[sflag:s16] =	ssyncadd.s32 $0xFFFFEC00  }
0x80: {  	[tilespmem:s17], [sflag:$0x3] =	stream.linear.gather [hbm4b:s13+s31], $0x1400, $0x38;
	[tilespmem:$0x1E800] =	vst v63  }
0x81: {  	_ =	swait.ge [sflag:s16], $0x1400  }
0x82: {  	[sflag:s16] =	ssyncset.done $0x0  }
0x83: {  	[sflag:s16] =	ssyncadd.s32 $0xFFFFEC00  }
0x84: {  	[tilespmem:s19], [sflag:$0x1] =	stream.indirect.gather [hbm4b:s4+s18], $0x80, s31, s18, $0xb8;
	[tilespmem:$0x1E800] =	vst v63  }
0x85: {  	s30 =	simm.s32 $0x80  }
0x86: {  	[tilespmem:s20], [sflag:$0x2] =	stream.indirect.gather [hbm4b:s4+s18], $0x80, s30, s18, $0xb8;
	[tilespmem:$0x1E800] =	vst v63  }
0x87: {  	_ =	swait.ge [sflag:s22], $0x4000  }
0x88: {  	[sflag:s22] =	ssyncset.done $0x0  }
0x89: {  	s31 =	simm.s32 $0x1400;
	[sflag:s22] =	ssyncadd.s32 $0xFFFFC000  }
0x8a: {  	[spmem:s1] =	stream.indirect.scatter.add.f32 [tilespmem:s19], [sflag:$0x3], $0x80, s31, s18, $0xb8;
	[tilespmem:$0x1E800] =	vst v63  }
0x8b: {  	_ =	swait.ge [sflag:s16], $0x4000  }
0x8c: {  	[sflag:s16] =	ssyncset.done $0x0  }
0x8d: {  	s30 =	simm.s32 $0x100;
	[sflag:s16] =	ssyncadd.s32 $0xFFFFC000  }
0x8e: {  	[tilespmem:s19], [sflag:$0x1] =	stream.indirect.gather [hbm4b:s4+s18], $0x80, s30, s18, $0xb8;
	[tilespmem:$0x1E800] =	vst v63  }
0x8f: {  	_ =	swait.ge [sflag:s21], $0x4000  }
0x90: {  	[sflag:s21] =	ssyncset.done $0x0  }
0x91: {  	s31 =	simm.s32 $0x1480;
	[sflag:s21] =	ssyncadd.s32 $0xFFFFC000  }
0x92: {  	[spmem:s1] =	stream.indirect.scatter.add.f32 [tilespmem:s20], [sflag:$0x3], $0x80, s31, s18, $0xb8;
	[tilespmem:$0x1E800] =	vst v63  }
0x93: {  	_ =	swait.ge [sflag:s16], $0x4000  }
0x94: {  	s29 =	simm.s32 $0x800;
	s28 =	simm.s32 $0x100;
	[sflag:s16] =	ssyncset.done $0x0  }
.LBB2_6:
0x95: {  	s0 =	sadd.s32 $0x80, s28  }
0x96: {  	[sflag:s16] =	ssyncadd.s32 $0xFFFFC000;
	s30 =	smov.u32 s29;
	s31 =	sadd.s32 $0x400, s29  }
0x97: {  	[tilespmem:s20], [sflag:$0x2] =	stream.indirect.gather [hbm4b:s4+s18], $0x80, s0, s18, $0xb8;
	[tilespmem:$0x1E800] =	vst v63  }
0x98: {  	p0 =	sne.s32 s29, $0x4800;
	_ =	swait.ge [sflag:s22], $0x4000  }
0x99: {  	[sflag:s22] =	ssyncset.done $0x0  }
0x9a: {  	s0 =	sadd.s32 $0x1400, s28;
	[sflag:s22] =	ssyncadd.s32 $0xFFFFC000  }
0x9b: {  	[spmem:s1] =	stream.indirect.scatter.add.f32 [tilespmem:s19], [sflag:$0x3], $0x80, s0, s18, $0xb8;
	[tilespmem:$0x1E800] =	vst v63  }
0x9c: {  	_ =	swait.ge [sflag:s16], $0x4000  }
0x9d: {  	[sflag:s16] =	ssyncset.done $0x0  }
0x9e: {  	s0 =	sadd.s32 $0x100, s28;
	[sflag:s16] =	ssyncadd.s32 $0xFFFFC000  }
0x9f: {  	[tilespmem:s19], [sflag:$0x1] =	stream.indirect.gather [hbm4b:s4+s18], $0x80, s0, s18, $0xb8;
	[tilespmem:$0x1E800] =	vst v63  }
0xa0: {  	_ =	swait.ge [sflag:s21], $0x4000  }
.Ltmp2:
0xa1: {  	[sflag:s21] =	ssyncset.done $0x0;
	(pc) =	sbr.rel @p0 .LBB2_6-.Ltmp2, $4  }
0xa2: {  	s0 =	sadd.s32 $0x1480, s28;
	[sflag:s21] =	ssyncadd.s32 $0xFFFFC000  }
0xa3: {  	[spmem:s1] =	stream.indirect.scatter.add.f32 [tilespmem:s20], [sflag:$0x3], $0x80, s0, s18, $0xb8;
	[tilespmem:$0x1E800] =	vst v63  }
0xa4: {  	_ =	swait.ge [sflag:s16], $0x4000  }
0xa5: {  	s29 =	smov.u32 s31;
	s28 =	sshra.s32 s30, $0x2;
	[sflag:s16] =	ssyncset.done $0x0  }
0xa6: {  	s0 =	sadd.s32 $0x80, s28;
	[sflag:s16] =	ssyncadd.s32 $0xFFFFC000  }
0xa7: {  	[tilespmem:s20], [sflag:$0x2] =	stream.indirect.gather [hbm4b:s4+s18], $0x80, s0, s18, $0xb8;
	[tilespmem:$0x1E800] =	vst v63  }
0xa8: {  	_ =	swait.ge [sflag:s22], $0x4000  }
0xa9: {  	[sflag:s22] =	ssyncset.done $0x0  }
0xaa: {  	s30 =	sadd.s32 $0x1400, s28;
	[sflag:s22] =	ssyncadd.s32 $0xFFFFC000  }
0xab: {  	[spmem:s1] =	stream.indirect.scatter.add.f32 [tilespmem:s19], [sflag:$0x3], $0x80, s30, s18, $0xb8;
	[tilespmem:$0x1E800] =	vst v63  }
0xac: {  	_ =	swait.ge [sflag:s16], $0x4000  }
0xad: {  	[sflag:s16] =	ssyncset.done $0x0  }
0xae: {  	s31 =	sadd.s32 $0x100, s28;
	[sflag:s16] =	ssyncadd.s32 $0xFFFFC000  }
0xaf: {  	[tilespmem:s19], [sflag:$0x1] =	stream.indirect.gather [hbm4b:s4+s18], $0x80, s31, s18, $0xb8;
	[tilespmem:$0x1E800] =	vst v63  }
0xb0: {  	_ =	swait.ge [sflag:s21], $0x4000  }
0xb1: {  	[sflag:s21] =	ssyncset.done $0x0  }
0xb2: {  	s29 =	sadd.s32 $0x1480, s28;
	[sflag:s21] =	ssyncadd.s32 $0xFFFFC000  }
0xb3: {  	[spmem:s1] =	stream.indirect.scatter.add.f32 [tilespmem:s20], [sflag:$0x3], $0x80, s29, s18, $0xb8;
	[tilespmem:$0x1E800] =	vst v63  }
0xb4: {  	_ =	swait.ge [sflag:s16], $0x4000  }
0xb5: {  	[sflag:s16] =	ssyncset.done $0x0  }
0xb6: {  	[sflag:s16] =	ssyncadd.s32 $0xFFFFC000  }
0xb7: {  	[tilespmem:s20], [sflag:$0x2] =	stream.indirect.gather [hbm4b:s4+s18], $0x80, s23, s18, $0xb8;
	[tilespmem:$0x1E800] =	vst v63  }
0xb8: {  	_ =	swait.ge [sflag:s22], $0x4000  }
0xb9: {  	[sflag:s22] =	ssyncset.done $0x0  }
0xba: {  	[sflag:s22] =	ssyncadd.s32 $0xFFFFC000  }
0xbb: {  	[spmem:s1] =	stream.indirect.scatter.add.f32 [tilespmem:s19], [sflag:$0x3], $0x80, s24, s18, $0xb8;
	[tilespmem:$0x1E800] =	vst v63  }
0xbc: {  	_ =	swait.ge [sflag:s16], $0x4000  }
0xbd: {  	[sflag:s16] =	ssyncset.done $0x0  }
0xbe: {  	[sflag:s16] =	ssyncadd.s32 $0xFFFFC000  }
0xbf: {  	_ =	swait.ge [sflag:s21], $0x4000  }
0xc0: {  	[sflag:s21] =	ssyncset.done $0x0  }
0xc1: {  	[sflag:s21] =	ssyncadd.s32 $0xFFFFC000  }
0xc2: {  	[spmem:s1] =	stream.indirect.scatter.add.f32 [tilespmem:s20], [sflag:$0x3], $0x80, s25, s18, $0xb8;
	[tilespmem:$0x1E800] =	vst v63  }
0xc3: {  	_ =	swait.ge [sflag:s16], $0x4000  }
0xc4: {  	s26 =	sadd.s32 $0x1, s26;
	s30 =	sshll.u32 s2, $0x6;
	[sflag:s16] =	ssyncset.done $0x0  }
0xc5: {  	p0 =	sne.s32 s26, s15;
	s0 =	sor.u32 $0x1C03, s30;
	[sflag:s16] =	ssyncadd.s32 $0xFFFFC000  }
.Ltmp3:
0xc6: {  	s31 =	sshrl.u32 s6, $0x3;
	[bflag:$0x0] =	sbarrier.arrive $0xFFFF;
	(pc) =	sbr.rel @p0 .LBB2_1-.Ltmp3, $4  }
0xc7: {  	[hbm:s14], [sflag:s0] =	dma.local [spmem:s31], $0x2800  }
0xc8: {  	_ =	swait.ge [sflag:s16], $0x2800  }
0xc9: {  	[sflag:s16] =	ssyncset.done $0x0  }
0xca: {  	[sflag:s16] =	ssyncadd.s32 $0xFFFFD800  }
0xcb: {  	_ =	sfence.sel $0x180000  }
0xcc: {  	[bflag:$0x0] =	sbarrier.arrive $0xFFFF  }
0xcd: {  	_ =	strace $0x90000050  }
0xce: {  	[bflag:$0x2] =	sbarrier.arrive $0xFFFF  }
0xcf: {  	p0 =	sne.s32 s2, $0x0;
	s0 =	rddreg [dreg:$0x2]  }
0xd0: {  	s0 =	sadd.s32 @!p0 $0x100000, s0  }
0xd1: {  	[sflag:s0] =	ssyncadd.tile.s32 @!p0 $0x1;
	_ =	shalt  }
.Lfunc_end2:
_tile_overlayer_lowered:
.L_overlay_start_2:
0xd2: {  	(tag) =	ssettag $0x2  }
0xd3: {  	s0 =	rddreg [dreg:$0x0];
	s2 =	stileid.u32  }
0xd4: {  	s1 =	rddreg [dreg:$0x1];
	p0 =	sne.s32 s2, $0x0  }
0xd5: {  	s3 =	rddreg [dreg:$0x2];
	[bflag:$0x3] =	sbarrier.arrive $0xFFFF;
	s2 =	simm.s32 @!p0 $0x1C03  }
0xd6: {  	[timem:s3], [sflag:s2] =	dma.local @!p0 [hbm:s0], s1  }
0xd7: {  	s0 =	simm.s32 @!p0 $0x3  }
0xd8: {  	_ =	swait.ge @!p0 [sflag:s0], s1  }
0xd9: {  	s1 =	ssub.s32 @!p0 $0x0, s1;
	[sflag:s0] =	ssyncset.done @!p0 $0x0  }
0xda: {  	[sflag:s0] =	ssyncadd.s32 @!p0 s1  }
0xdb: {  	[bflag:$0x3] =	sbarrier.arrive $0xFFFF  }
0xdc: {  	_ =	shalt  }

</sc_bundles>
